<compile_context>
chip_gen: v7x
topology: tpu7x:2x2x1
jax: 0.10.2.dev20260603
libtpu: 0.0.44.dev20260713+nightly
codegen_flags: <defaults>
</compile_context>

<pallas_src>
import functools

import jax
import jax.numpy as jnp
from jax import lax
from jax.experimental import pallas as pl
from jax.experimental.pallas import tpu as pltpu, tpu_sc as plsc

N_NODES = 10000
D = 128
D_OUT = 64
NC = 2
NS = 16
LANES = 16
CHUNK = 80
ZROWS = 48


def _seg_sum_body(with_counts, *refs):
    if with_counts:
        (feats_hbm, src_hbm, dst_hbm, out_hbm, cnt_hbm,
         acc_sh, cnt_sh, sv0, sv1, sv2, sv3, dv0, dv1, dv2, dv3,
         rows0, rows1, ones_v, zcnt_v,
         isem0, isem1, isem2, isem3, gsem0, gsem1) = refs
    else:
        (feats_hbm, src_hbm, dst_hbm, out_hbm,
         acc_sh, sv0, sv1, sv2, sv3, dv0, dv1, dv2, dv3,
         rows0, rows1,
         isem0, isem1, isem2, isem3, gsem0, gsem1) = refs

    sv = [sv0, sv1, sv2, sv3]
    dv = [dv0, dv1, dv2, dv3]
    isem = [isem0, isem1, isem2, isem3]
    rows = [rows0, rows1]
    gsem = [gsem0, gsem1]

    cid = lax.axis_index("c")
    sid = lax.axis_index("s")
    wid = cid * NS + sid

    n_edges = src_hbm.shape[0]
    epw = n_edges // (NC * NS)
    n_chunks = epw // CHUNK
    base = wid * epw
    rows_per_tile = 624
    tail_start = NS * rows_per_tile
    tail_rows = N_NODES - tail_start

    def i_start(c, k):
        off = base + c * CHUNK
        pltpu.async_copy(src_hbm.at[pl.ds(off, CHUNK)], sv[k], isem[k])
        pltpu.async_copy(dst_hbm.at[pl.ds(off, CHUNK)], dv[k], isem[k])

    def i_wait(k):
        pltpu.make_async_copy(src_hbm.at[pl.ds(0, CHUNK)], sv[k], isem[k]).wait()
        pltpu.make_async_copy(dst_hbm.at[pl.ds(0, CHUNK)], dv[k], isem[k]).wait()

    def g_start(r, k):
        pltpu.async_copy(feats_hbm.at[sv[k]], rows[r], gsem[r])

    def g_wait(r, k):
        pltpu.make_async_copy(feats_hbm.at[sv[k]], rows[r], gsem[r]).wait()

    def scat(r, k):
        pltpu.sync_copy(rows[r], acc_sh.at[dv[k]], add=True)
        if with_counts:
            pltpu.sync_copy(ones_v.at[pl.ds(0, CHUNK)], cnt_sh.at[dv[k]], add=True)

    for k in range(4):
        i_start(k, k)

    zero16 = jnp.zeros((LANES,), jnp.float32)

    def zrow_body(i, c):
        for j in range(D // LANES):
            rows0[i, pl.ds(j * LANES, LANES)] = zero16
        return c
    lax.fori_loop(0, ZROWS, zrow_body, 0)

    if with_counts:
        one16 = jnp.ones((LANES,), jnp.float32)

        def zcnt_body(i, c):
            zcnt_v[pl.ds(i * LANES, LANES)] = zero16
            return c
        lax.fori_loop(0, zcnt_v.shape[0] // LANES, zcnt_body, 0)

        for j in range(ones_v.shape[0] // LANES):
            ones_v[pl.ds(j * LANES, LANES)] = one16

    for k in range(rows_per_tile // ZROWS):
        pltpu.sync_copy(rows0.at[pl.ds(0, ZROWS), :],
                        acc_sh.at[pl.ds(sid * rows_per_tile + k * ZROWS, ZROWS), :])

    @pl.when(sid == 0)
    def _():
        pltpu.sync_copy(rows0.at[pl.ds(0, tail_rows), :],
                        acc_sh.at[pl.ds(tail_start, tail_rows), :])

    if with_counts:
        pltpu.sync_copy(zcnt_v, cnt_sh.at[pl.ds(sid * rows_per_tile, rows_per_tile)])

        @pl.when(sid == 0)
        def _():
            pltpu.sync_copy(zcnt_v.at[pl.ds(0, tail_rows)],
                            cnt_sh.at[pl.ds(tail_start, tail_rows)])

    for k in range(2):
        i_wait(k)
        g_start(k, k)

    plsc.subcore_barrier()

    def pipe_body(j, carry):
        c0 = 4 * j
        for k in range(4):
            c = c0 + k
            nk = (k + 2) % 4

            g_wait(k % 2, k)
            scat(k % 2, k)

            @pl.when(c + 2 < n_chunks)
            def _():
                i_wait(nk)
                g_start(k % 2, nk)

            @pl.when(c + 4 < n_chunks)
            def _():
                i_start(c + 4, k)
        return carry

    lax.fori_loop(0, (n_chunks - 1) // 4, pipe_body, 0)

    g_wait(0, 0)
    scat(0, 0)

    plsc.subcore_barrier()

    pltpu.sync_copy(acc_sh.at[pl.ds(sid * rows_per_tile, rows_per_tile), :],
                    out_hbm.at[cid, pl.ds(sid * rows_per_tile, rows_per_tile), :])

    @pl.when(sid == 0)
    def _():
        pltpu.sync_copy(acc_sh.at[pl.ds(tail_start, tail_rows), :],
                        out_hbm.at[cid, pl.ds(tail_start, tail_rows), :])

    if with_counts:
        pltpu.sync_copy(cnt_sh.at[pl.ds(sid * rows_per_tile, rows_per_tile)], zcnt_v)
        pltpu.sync_copy(zcnt_v,
                        cnt_hbm.at[pl.ds(cid * N_NODES + sid * rows_per_tile,
                                         rows_per_tile)])

        @pl.when(sid == 0)
        def _():
            pltpu.sync_copy(cnt_sh.at[pl.ds(tail_start, tail_rows)],
                            ones_v.at[pl.ds(0, tail_rows)])
            pltpu.sync_copy(ones_v.at[pl.ds(0, tail_rows)],
                            cnt_hbm.at[pl.ds(cid * N_NODES + tail_start, tail_rows)])


def _make_seg_sum(n, with_counts):
    mesh = plsc.VectorSubcoreMesh(core_axis_name="c", subcore_axis_name="s")
    out_type = [jax.ShapeDtypeStruct((NC, n, D), jnp.float32)]
    idx_bufs = [pltpu.VMEM((CHUNK,), jnp.int32) for _ in range(8)]
    row_bufs = [pltpu.VMEM((CHUNK, D), jnp.float32) for _ in range(2)]
    sems = [pltpu.SemaphoreType.DMA] * 6
    if with_counts:
        out_type.append(jax.ShapeDtypeStruct((NC * n,), jnp.float32))
        scratch = ([pltpu.VMEM_SHARED((n, D), jnp.float32),
                    pltpu.VMEM_SHARED((n,), jnp.float32)]
                   + idx_bufs + row_bufs
                   + [pltpu.VMEM((112,), jnp.float32),
                      pltpu.VMEM((624,), jnp.float32)]
                   + sems)
    else:
        scratch = ([pltpu.VMEM_SHARED((n, D), jnp.float32)]
                   + idx_bufs + row_bufs + sems)
    return pl.kernel(
        functools.partial(_seg_sum_body, with_counts),
        out_type=tuple(out_type),
        mesh=mesh,
        scratch_types=scratch,
    )


def _segment_sum_parts(feats, src, dst, with_counts):
    n = feats.shape[0]
    kern = _make_seg_sum(n, with_counts)
    if with_counts:
        agg, cnt_flat = kern(feats, src, dst)
        return agg, cnt_flat.reshape(NC, n)
    return kern(feats, src, dst)[0]


def _rootmm_body(x, w, b, o_ref):
    o_ref[...] = (jnp.dot(x[...], w[...], preferred_element_type=jnp.float32)
                  + b[...])


def _combineb1_body(agg0, agg1, cnt0, cnt1, xr, wl, h_ref):
    c = jnp.maximum(cnt0[...] + cnt1[...], 1.0)
    mean = (agg0[...] + agg1[...]) / c
    h = jnp.dot(mean, wl[...], preferred_element_type=jnp.float32) + xr[...]
    h_ref[...] = jnp.where(h >= 0, h, 0.01 * h)


def _combineb2_body(agg0, agg1, cnt0, cnt1, xr, wl, lw, out_ref):
    c = jnp.maximum(cnt0[...] + cnt1[...], 1.0)
    mean = (agg0[...] + agg1[...]) / c
    h = jnp.dot(mean, wl[...], preferred_element_type=jnp.float32) + xr[...]
    h = jnp.where(h >= 0, h, 0.01 * h)
    out_ref[...] = jnp.dot(h, lw[...], preferred_element_type=jnp.float32)


def _row_specs(bn):
    row = pl.BlockSpec((bn, D), lambda i: (i, 0))
    colv = pl.BlockSpec((bn, 1), lambda i: (i, 0))
    wspec = pl.BlockSpec((D, D), lambda i: (0, 0))
    bspec = pl.BlockSpec((1, D), lambda i: (0, 0))
    return row, colv, wspec, bspec


def _rootmm(x, w, b, bn=1000):
    n = x.shape[0]
    row, colv, wspec, bspec = _row_specs(bn)
    return pl.pallas_call(
        _rootmm_body,
        grid=(n // bn,),
        in_specs=[row, wspec, bspec],
        out_specs=row,
        out_shape=jax.ShapeDtypeStruct((n, D), jnp.float32),
    )(x, w, b.reshape(1, D))


def _combineb1(agg, cnt, xr, wl, bn=1000):
    n = xr.shape[0]
    row, colv, wspec, bspec = _row_specs(bn)
    return pl.pallas_call(
        _combineb1_body,
        grid=(n // bn,),
        in_specs=[row, row, colv, colv, row, wspec],
        out_specs=row,
        out_shape=jax.ShapeDtypeStruct((n, D), jnp.float32),
    )(agg[0], agg[1], cnt[0].reshape(n, 1), cnt[1].reshape(n, 1), xr, wl)


def _combineb2(agg, cnt, xr, wl, lw, bn=1000):
    n = xr.shape[0]
    row, colv, wspec, bspec = _row_specs(bn)
    return pl.pallas_call(
        _combineb2_body,
        grid=(n // bn,),
        in_specs=[row, row, colv, colv, row, wspec,
                  pl.BlockSpec((D, D_OUT), lambda i: (0, 0))],
        out_specs=pl.BlockSpec((bn, D_OUT), lambda i: (i, 0)),
        out_shape=jax.ShapeDtypeStruct((n, D_OUT), jnp.float32),
    )(agg[0], agg[1], cnt[0].reshape(n, 1), cnt[1].reshape(n, 1), xr, wl, lw)


@jax.jit
def kernel(x, edge_index, W_l1, W_r1, b1, W_l2, W_r2, b2, linear_w):
    src = edge_index[0].astype(jnp.int32)
    dst = edge_index[1].astype(jnp.int32)

    xr1 = _rootmm(x, W_r1, b1)
    agg1, cnt = _segment_sum_parts(x, src, dst, True)
    h = _combineb1(agg1, cnt, xr1, W_l1)
    xr2 = _rootmm(h, W_r2, b2)
    agg2 = _segment_sum_parts(h, src, dst, False)
    return _combineb2(agg2, cnt, xr2, W_l2, linear_w)

# --- scband reference (transcript-rebuilt; emitter-appended) ---
"""Pipeline reference for scband-graph-sage-45423574122805 (READ-ONLY COPY).

The authoritative reference and input builder live on the scoring server;
editing this copy changes nothing except your own understanding.
"""

import jax, jax.numpy as jnp
import numpy as np

N_NODES = 10000
N_EDGES = 320000
D_IN = 128
D_HID = 128
D_OUT = 64


def setup_inputs(seed: int = 0) -> dict:
    key = jax.random.key(seed)
    ks = jax.random.split(key, 10)
    x = jax.random.normal(ks[0], (N_NODES, D_IN), dtype=jnp.float32)
    edge_index = jax.random.randint(ks[1], (2, N_EDGES), 0, N_NODES, dtype=jnp.int64)
    # SAGEConv layer 1 params (lin_l applied to aggregated neighbors, lin_r to root)
    s1 = (6.0 / (D_IN + D_HID)) ** 0.5
    W_l1 = jax.random.uniform(ks[2], (D_IN, D_HID), minval=-s1, maxval=s1, dtype=jnp.float32)
    W_r1 = jax.random.uniform(ks[3], (D_IN, D_HID), minval=-s1, maxval=s1, dtype=jnp.float32)
    b1 = jnp.zeros((D_HID,), dtype=jnp.float32)
    # SAGEConv layer 2 params
    s2 = (6.0 / (D_HID + D_HID)) ** 0.5
    W_l2 = jax.random.uniform(ks[4], (D_HID, D_HID), minval=-s2, maxval=s2, dtype=jnp.float32)
    W_r2 = jax.random.uniform(ks[5], (D_HID, D_HID), minval=-s2, maxval=s2, dtype=jnp.float32)
    b2 = jnp.zeros((D_HID,), dtype=jnp.float32)
    # Final linear projection (xavier-uniform, matches nn.init.xavier_uniform_)
    s3 = (6.0 / (D_HID + D_OUT)) ** 0.5
    linear_w = jax.random.uniform(ks[6], (D_HID, D_OUT), minval=-s3, maxval=s3, dtype=jnp.float32)
    return {"x": x, "edge_index": edge_index, "W_l1": W_l1, "W_r1": W_r1, "b1": b1,
            "W_l2": W_l2, "W_r2": W_r2, "b2": b2, "linear_w": linear_w}


def _sage_conv(x, src, dst, W_l, W_r, b):
    # message: gather source features; aggregate: mean over incoming edges at dst
    msgs = jnp.take(x, src, axis=0)
    agg = jax.ops.segment_sum(msgs, dst, num_segments=x.shape[0])
    cnt = jax.ops.segment_sum(jnp.ones((src.shape[0],), dtype=x.dtype), dst, num_segments=x.shape[0])
    mean = agg / jnp.clip(cnt, 1.0, None)[:, None]
    return mean @ W_l + x @ W_r + b


def reference(x, edge_index, W_l1, W_r1, b1, W_l2, W_r2, b2, linear_w):
    src = edge_index[0]
    dst = edge_index[1]
    # layer 1
    h = _sage_conv(x, src, dst, W_l1, W_r1, b1)
    h = jax.nn.leaky_relu(h, negative_slope=0.01)
    # dropout: identity in eval mode (self.training == False)
    # layer 2
    h = _sage_conv(h, src, dst, W_l2, W_r2, b2)
    h = jax.nn.leaky_relu(h, negative_slope=0.01)
    # final projection (expand_w is None at init)
    out = h @ linear_w
    return out

if __name__ == "__main__":
    import jax
    _d = setup_inputs()
    print(jax.jit(kernel)(*tuple(_d.values())))

</pallas_src>

<mosaic_0001>
#map = affine_map<(d0, d1) -> (0, 0)>
#map1 = affine_map<(d0, d1) -> (0)>
#map2 = affine_map<(d0, d1) -> (0, 0, 0)>
module attributes {stable_mosaic.version = 14 : i64} {
  func.func @_seg_sum_body(%arg0: i32, %arg1: i32, %arg2: memref<10000x128xf32, #tpu.memory_space<hbm>>, %arg3: memref<320000xi32, #tpu.memory_space<hbm>>, %arg4: memref<320000xi32, #tpu.memory_space<hbm>>, %arg5: memref<2x10000x128xf32, #tpu.memory_space<hbm>>, %arg6: memref<20000xf32, #tpu.memory_space<hbm>>, %arg7: memref<10000x128xf32, #tpu.memory_space<vmem_shared>>, %arg8: memref<10000xf32, #tpu.memory_space<vmem_shared>>, %arg9: memref<80xi32, #tpu.memory_space<vmem>>, %arg10: memref<80xi32, #tpu.memory_space<vmem>>, %arg11: memref<80xi32, #tpu.memory_space<vmem>>, %arg12: memref<80xi32, #tpu.memory_space<vmem>>, %arg13: memref<80xi32, #tpu.memory_space<vmem>>, %arg14: memref<80xi32, #tpu.memory_space<vmem>>, %arg15: memref<80xi32, #tpu.memory_space<vmem>>, %arg16: memref<80xi32, #tpu.memory_space<vmem>>, %arg17: memref<80x128xf32, #tpu.memory_space<vmem>>, %arg18: memref<80x128xf32, #tpu.memory_space<vmem>>, %arg19: memref<112xf32, #tpu.memory_space<vmem>>, %arg20: memref<624xf32, #tpu.memory_space<vmem>>, %arg21: memref<!tpu.dma_semaphore, #tpu.memory_space<semaphore_mem>>, %arg22: memref<!tpu.dma_semaphore, #tpu.memory_space<semaphore_mem>>, %arg23: memref<!tpu.dma_semaphore, #tpu.memory_space<semaphore_mem>>, %arg24: memref<!tpu.dma_semaphore, #tpu.memory_space<semaphore_mem>>, %arg25: memref<!tpu.dma_semaphore, #tpu.memory_space<semaphore_mem>>, %arg26: memref<!tpu.dma_semaphore, #tpu.memory_space<semaphore_mem>>) attributes {dimension_semantics = [#tpu.dimension_semantics<core_parallel>, #tpu.dimension_semantics<subcore_parallel>], iteration_bounds = array<i64: 2, 16>, scalar_prefetch = 0 : i64, scratch_operands = 20 : i64, tpu.core_type = #tpu.core_type<sc_vector_subcore>, window_params = [{transform_indices = #map}, {transform_indices = #map1}, {transform_indices = #map1}, {transform_indices = #map2}, {transform_indices = #map1}]} {
    %mul3A = arith.constant 16 : i32
    %mul3A_0 = arith.muli %arg0, %mul3A : i32
    %add3A = arith.addi %mul3A_0, %arg1 : i32
    %mul3A_1 = arith.constant 10000 : i32
    %mul3A_2 = arith.muli %add3A, %mul3A_1 : i32
    %add3A_3 = arith.constant 0 : i32
    %add3A_4 = arith.addi %mul3A_2, %add3A_3 : i32
    %dma_start3A = tpu.memref_slice %arg3[%add3A_4] : memref<320000xi32, #tpu.memory_space<hbm>> -> memref<80xi32, #tpu.memory_space<hbm>>
    %dma_start3A_5 = tpu.memref_slice %arg3[%add3A_4] : memref<320000xi32, #tpu.memory_space<hbm>> -> memref<80xi32, #tpu.memory_space<hbm>>
    tpu.enqueue_dma source(%dma_start3A_5 : memref<80xi32, #tpu.memory_space<hbm>>) target(%arg9 : memref<80xi32, #tpu.memory_space<vmem>>) target_semaphore(%arg21 : memref<!tpu.dma_semaphore, #tpu.memory_space<semaphore_mem>>)
    %dma_start3A_6 = tpu.memref_slice %arg4[%add3A_4] : memref<320000xi32, #tpu.memory_space<hbm>> -> memref<80xi32, #tpu.memory_space<hbm>>
    %dma_start3A_7 = tpu.memref_slice %arg4[%add3A_4] : memref<320000xi32, #tpu.memory_space<hbm>> -> memref<80xi32, #tpu.memory_space<hbm>>
    tpu.enqueue_dma source(%dma_start3A_7 : memref<80xi32, #tpu.memory_space<hbm>>) target(%arg13 : memref<80xi32, #tpu.memory_space<vmem>>) target_semaphore(%arg21 : memref<!tpu.dma_semaphore, #tpu.memory_space<semaphore_mem>>)
    %add3A_8 = arith.constant 80 : i32
    %add3A_9 = arith.addi %mul3A_2, %add3A_8 : i32
    %dma_start3A_10 = tpu.memref_slice %arg3[%add3A_9] : memref<320000xi32, #tpu.memory_space<hbm>> -> memref<80xi32, #tpu.memory_space<hbm>>
    %dma_start3A_11 = tpu.memref_slice %arg3[%add3A_9] : memref<320000xi32, #tpu.memory_space<hbm>> -> memref<80xi32, #tpu.memory_space<hbm>>
    tpu.enqueue_dma source(%dma_start3A_11 : memref<80xi32, #tpu.memory_space<hbm>>) target(%arg10 : memref<80xi32, #tpu.memory_space<vmem>>) target_semaphore(%arg22 : memref<!tpu.dma_semaphore, #tpu.memory_space<semaphore_mem>>)
    %dma_start3A_12 = tpu.memref_slice %arg4[%add3A_9] : memref<320000xi32, #tpu.memory_space<hbm>> -> memref<80xi32, #tpu.memory_space<hbm>>
    %dma_start3A_13 = tpu.memref_slice %arg4[%add3A_9] : memref<320000xi32, #tpu.memory_space<hbm>> -> memref<80xi32, #tpu.memory_space<hbm>>
    tpu.enqueue_dma source(%dma_start3A_13 : memref<80xi32, #tpu.memory_space<hbm>>) target(%arg14 : memref<80xi32, #tpu.memory_space<vmem>>) target_semaphore(%arg22 : memref<!tpu.dma_semaphore, #tpu.memory_space<semaphore_mem>>)
    %add3A_14 = arith.constant 160 : i32
    %add3A_15 = arith.addi %mul3A_2, %add3A_14 : i32
    %dma_start3A_16 = tpu.memref_slice %arg3[%add3A_15] : memref<320000xi32, #tpu.memory_space<hbm>> -> memref<80xi32, #tpu.memory_space<hbm>>
    %dma_start3A_17 = tpu.memref_slice %arg3[%add3A_15] : memref<320000xi32, #tpu.memory_space<hbm>> -> memref<80xi32, #tpu.memory_space<hbm>>
    tpu.enqueue_dma source(%dma_start3A_17 : memref<80xi32, #tpu.memory_space<hbm>>) target(%arg11 : memref<80xi32, #tpu.memory_space<vmem>>) target_semaphore(%arg23 : memref<!tpu.dma_semaphore, #tpu.memory_space<semaphore_mem>>)
    %dma_start3A_18 = tpu.memref_slice %arg4[%add3A_15] : memref<320000xi32, #tpu.memory_space<hbm>> -> memref<80xi32, #tpu.memory_space<hbm>>
    %dma_start3A_19 = tpu.memref_slice %arg4[%add3A_15] : memref<320000xi32, #tpu.memory_space<hbm>> -> memref<80xi32, #tpu.memory_space<hbm>>
    tpu.enqueue_dma source(%dma_start3A_19 : memref<80xi32, #tpu.memory_space<hbm>>) target(%arg15 : memref<80xi32, #tpu.memory_space<vmem>>) target_semaphore(%arg23 : memref<!tpu.dma_semaphore, #tpu.memory_space<semaphore_mem>>)
    %add3A_20 = arith.constant 240 : i32
    %add3A_21 = arith.addi %mul3A_2, %add3A_20 : i32
    %dma_start3A_22 = tpu.memref_slice %arg3[%add3A_21] : memref<320000xi32, #tpu.memory_space<hbm>> -> memref<80xi32, #tpu.memory_space<hbm>>
    %dma_start3A_23 = tpu.memref_slice %arg3[%add3A_21] : memref<320000xi32, #tpu.memory_space<hbm>> -> memref<80xi32, #tpu.memory_space<hbm>>
    tpu.enqueue_dma source(%dma_start3A_23 : memref<80xi32, #tpu.memory_space<hbm>>) target(%arg12 : memref<80xi32, #tpu.memory_space<vmem>>) target_semaphore(%arg24 : memref<!tpu.dma_semaphore, #tpu.memory_space<semaphore_mem>>)
    %dma_start3A_24 = tpu.memref_slice %arg4[%add3A_21] : memref<320000xi32, #tpu.memory_space<hbm>> -> memref<80xi32, #tpu.memory_space<hbm>>
    %dma_start3A_25 = tpu.memref_slice %arg4[%add3A_21] : memref<320000xi32, #tpu.memory_space<hbm>> -> memref<80xi32, #tpu.memory_space<hbm>>
    tpu.enqueue_dma source(%dma_start3A_25 : memref<80xi32, #tpu.memory_space<hbm>>) target(%arg16 : memref<80xi32, #tpu.memory_space<vmem>>) target_semaphore(%arg24 : memref<!tpu.dma_semaphore, #tpu.memory_space<semaphore_mem>>)
    %broadcast_in_dim3A = arith.constant 0.000000e+00 : f32
    %broadcast_in_dim3A_26 = vector.broadcast %broadcast_in_dim3A : f32 to vector<16xf32>
    %scan3A = arith.constant 0 : i32
    %scan3A_27 = arith.constant 0 : i32
    %scan3A_28 = arith.constant 48 : i32
    %scan3A_29 = arith.addi %scan3A_27, %scan3A_28 : i32
    %scan3A_30 = arith.constant 1 : i32
    scf.for %scan3A_180 = %scan3A_27 to %scan3A_29 step %scan3A_30  : i32 {
      %swap3A_181 = arith.index_cast %scan3A_180 : i32 to index
      %swap3A_182 = arith.constant 0 : index
      %swap3A_183 = tpu.vector_load %arg17[%swap3A_181, %swap3A_182] {strides = array<i32>} : memref<80x128xf32, #tpu.memory_space<vmem>>, vector<1x16xf32>,
      %swap3A_184 = vector.shape_cast %swap3A_183 : vector<1x16xf32> to vector<16xf32>
      %swap3A_185 = vector.shape_cast %broadcast_in_dim3A_26 : vector<16xf32> to vector<1x16xf32>
      tpu.vector_store %arg17[%swap3A_181, %swap3A_182], %swap3A_185 {strides = array<i32>} : memref<80x128xf32, #tpu.memory_space<vmem>>, vector<1x16xf32>,
      %swap3A_186 = arith.index_cast %scan3A_180 : i32 to index
      %swap3A_187 = arith.constant 16 : index
      %swap3A_188 = tpu.vector_load %arg17[%swap3A_186, %swap3A_187] {strides = array<i32>} : memref<80x128xf32, #tpu.memory_space<vmem>>, vector<1x16xf32>,
      %swap3A_189 = vector.shape_cast %swap3A_188 : vector<1x16xf32> to vector<16xf32>
      %swap3A_190 = vector.shape_cast %broadcast_in_dim3A_26 : vector<16xf32> to vector<1x16xf32>
      tpu.vector_store %arg17[%swap3A_186, %swap3A_187], %swap3A_190 {strides = array<i32>} : memref<80x128xf32, #tpu.memory_space<vmem>>, vector<1x16xf32>,
      %swap3A_191 = arith.index_cast %scan3A_180 : i32 to index
      %swap3A_192 = arith.constant 32 : index
      %swap3A_193 = tpu.vector_load %arg17[%swap3A_191, %swap3A_192] {strides = array<i32>} : memref<80x128xf32, #tpu.memory_space<vmem>>, vector<1x16xf32>,
      %swap3A_194 = vector.shape_cast %swap3A_193 : vector<1x16xf32> to vector<16xf32>
      %swap3A_195 = vector.shape_cast %broadcast_in_dim3A_26 : vector<16xf32> to vector<1x16xf32>
      tpu.vector_store %arg17[%swap3A_191, %swap3A_192], %swap3A_195 {strides = array<i32>} : memref<80x128xf32, #tpu.memory_space<vmem>>, vector<1x16xf32>,
      %swap3A_196 = arith.index_cast %scan3A_180 : i32 to index
      %swap3A_197 = arith.constant 48 : index
      %swap3A_198 = tpu.vector_load %arg17[%swap3A_196, %swap3A_197] {strides = array<i32>} : memref<80x128xf32, #tpu.memory_space<vmem>>, vector<1x16xf32>,
      %swap3A_199 = vector.shape_cast %swap3A_198 : vector<1x16xf32> to vector<16xf32>
      %swap3A_200 = vector.shape_cast %broadcast_in_dim3A_26 : vector<16xf32> to vector<1x16xf32>
      tpu.vector_store %arg17[%swap3A_196, %swap3A_197], %swap3A_200 {strides = array<i32>} : memref<80x128xf32, #tpu.memory_space<vmem>>, vector<1x16xf32>,
      %swap3A_201 = arith.index_cast %scan3A_180 : i32 to index
      %swap3A_202 = arith.constant 64 : index
      %swap3A_203 = tpu.vector_load %arg17[%swap3A_201, %swap3A_202] {strides = array<i32>} : memref<80x128xf32, #tpu.memory_space<vmem>>, vector<1x16xf32>,
      %swap3A_204 = vector.shape_cast %swap3A_203 : vector<1x16xf32> to vector<16xf32>
      %swap3A_205 = vector.shape_cast %broadcast_in_dim3A_26 : vector<16xf32> to vector<1x16xf32>
      tpu.vector_store %arg17[%swap3A_201, %swap3A_202], %swap3A_205 {strides = array<i32>} : memref<80x128xf32, #tpu.memory_space<vmem>>, vector<1x16xf32>,
      %swap3A_206 = arith.index_cast %scan3A_180 : i32 to index
      %swap3A_207 = arith.constant 80 : index
      %swap3A_208 = tpu.vector_load %arg17[%swap3A_206, %swap3A_207] {strides = array<i32>} : memref<80x128xf32, #tpu.memory_space<vmem>>, vector<1x16xf32>,
      %swap3A_209 = vector.shape_cast %swap3A_208 : vector<1x16xf32> to vector<16xf32>
      %swap3A_210 = vector.shape_cast %broadcast_in_dim3A_26 : vector<16xf32> to vector<1x16xf32>
      tpu.vector_store %arg17[%swap3A_206, %swap3A_207], %swap3A_210 {strides = array<i32>} : memref<80x128xf32, #tpu.memory_space<vmem>>, vector<1x16xf32>,
      %swap3A_211 = arith.index_cast %scan3A_180 : i32 to index
      %swap3A_212 = arith.constant 96 : index
      %swap3A_213 = tpu.vector_load %arg17[%swap3A_211, %swap3A_212] {strides = array<i32>} : memref<80x128xf32, #tpu.memory_space<vmem>>, vector<1x16xf32>,
      %swap3A_214 = vector.shape_cast %swap3A_213 : vector<1x16xf32> to vector<16xf32>
      %swap3A_215 = vector.shape_cast %broadcast_in_dim3A_26 : vector<16xf32> to vector<1x16xf32>
      tpu.vector_store %arg17[%swap3A_211, %swap3A_212], %swap3A_215 {strides = array<i32>} : memref<80x128xf32, #tpu.memory_space<vmem>>, vector<1x16xf32>,
      %swap3A_216 = arith.index_cast %scan3A_180 : i32 to index
      %swap3A_217 = arith.constant 112 : index
      %swap3A_218 = tpu.vector_load %arg17[%swap3A_216, %swap3A_217] {strides = array<i32>} : memref<80x128xf32, #tpu.memory_space<vmem>>, vector<1x16xf32>,
      %swap3A_219 = vector.shape_cast %swap3A_218 : vector<1x16xf32> to vector<16xf32>
      %swap3A_220 = vector.shape_cast %broadcast_in_dim3A_26 : vector<16xf32> to vector<1x16xf32>
      tpu.vector_store %arg17[%swap3A_216, %swap3A_217], %swap3A_220 {strides = array<i32>} : memref<80x128xf32, #tpu.memory_space<vmem>>, vector<1x16xf32>,
    }
    %scan3A_31 = arith.constant 48 : i32
    %broadcast_in_dim3A_32 = arith.constant 1.000000e+00 : f32
    %broadcast_in_dim3A_33 = vector.broadcast %broadcast_in_dim3A_32 : f32 to vector<16xf32>
    %scan3A_34 = arith.constant 0 : i32
    %scan3A_35 = arith.constant 0 : i32
    %scan3A_36 = arith.constant 39 : i32
    %scan3A_37 = arith.addi %scan3A_35, %scan3A_36 : i32
    %scan3A_38 = arith.constant 1 : i32
    scf.for %scan3A_180 = %scan3A_35 to %scan3A_37 step %scan3A_38  : i32 {
      %mul3A_181 = arith.constant 16 : i32
      %mul3A_182 = arith.muli %scan3A_180, %mul3A_181 : i32
      %swap3A_183 = arith.index_cast %mul3A_182 : i32 to index
      %swap3A_184 = tpu.vector_load %arg20[%swap3A_183] {strides = array<i32>} : memref<624xf32, #tpu.memory_space<vmem>>, vector<16xf32>,
      %swap3A_185 = vector.shape_cast %swap3A_184 : vector<16xf32> to vector<16xf32>
      %swap3A_186 = vector.shape_cast %broadcast_in_dim3A_26 : vector<16xf32> to vector<16xf32>
      tpu.vector_store %arg20[%swap3A_183], %swap3A_186 {strides = array<i32>} : memref<624xf32, #tpu.memory_space<vmem>>, vector<16xf32>,
    }
    %scan3A_39 = arith.constant 39 : i32
    %swap3A = arith.constant 0 : index
    %swap3A_40 = tpu.vector_load %arg19[%swap3A] {strides = array<i32>} : memref<112xf32, #tpu.memory_space<vmem>>, vector<16xf32>,
    %swap3A_41 = vector.shape_cast %swap3A_40 : vector<16xf32> to vector<16xf32>
    %swap3A_42 = vector.shape_cast %broadcast_in_dim3A_33 : vector<16xf32> to vector<16xf32>
    tpu.vector_store %arg19[%swap3A], %swap3A_42 {strides = array<i32>} : memref<112xf32, #tpu.memory_space<vmem>>, vector<16xf32>,
    %swap3A_43 = arith.constant 16 : index
    %swap3A_44 = tpu.vector_load %arg19[%swap3A_43] {strides = array<i32>} : memref<112xf32, #tpu.memory_space<vmem>>, vector<16xf32>,
    %swap3A_45 = vector.shape_cast %swap3A_44 : vector<16xf32> to vector<16xf32>
    %swap3A_46 = vector.shape_cast %broadcast_in_dim3A_33 : vector<16xf32> to vector<16xf32>
    tpu.vector_store %arg19[%swap3A_43], %swap3A_46 {strides = array<i32>} : memref<112xf32, #tpu.memory_space<vmem>>, vector<16xf32>,
    %swap3A_47 = arith.constant 32 : index
    %swap3A_48 = tpu.vector_load %arg19[%swap3A_47] {strides = array<i32>} : memref<112xf32, #tpu.memory_space<vmem>>, vector<16xf32>,
    %swap3A_49 = vector.shape_cast %swap3A_48 : vector<16xf32> to vector<16xf32>
    %swap3A_50 = vector.shape_cast %broadcast_in_dim3A_33 : vector<16xf32> to vector<16xf32>
    tpu.vector_store %arg19[%swap3A_47], %swap3A_50 {strides = array<i32>} : memref<112xf32, #tpu.memory_space<vmem>>, vector<16xf32>,
    %swap3A_51 = arith.constant 48 : index
    %swap3A_52 = tpu.vector_load %arg19[%swap3A_51] {strides = array<i32>} : memref<112xf32, #tpu.memory_space<vmem>>, vector<16xf32>,
    %swap3A_53 = vector.shape_cast %swap3A_52 : vector<16xf32> to vector<16xf32>
    %swap3A_54 = vector.shape_cast %broadcast_in_dim3A_33 : vector<16xf32> to vector<16xf32>
    tpu.vector_store %arg19[%swap3A_51], %swap3A_54 {strides = array<i32>} : memref<112xf32, #tpu.memory_space<vmem>>, vector<16xf32>,
    %swap3A_55 = arith.constant 64 : index
    %swap3A_56 = tpu.vector_load %arg19[%swap3A_55] {strides = array<i32>} : memref<112xf32, #tpu.memory_space<vmem>>, vector<16xf32>,
    %swap3A_57 = vector.shape_cast %swap3A_56 : vector<16xf32> to vector<16xf32>
    %swap3A_58 = vector.shape_cast %broadcast_in_dim3A_33 : vector<16xf32> to vector<16xf32>
    tpu.vector_store %arg19[%swap3A_55], %swap3A_58 {strides = array<i32>} : memref<112xf32, #tpu.memory_space<vmem>>, vector<16xf32>,
    %swap3A_59 = arith.constant 80 : index
    %swap3A_60 = tpu.vector_load %arg19[%swap3A_59] {strides = array<i32>} : memref<112xf32, #tpu.memory_space<vmem>>, vector<16xf32>,
    %swap3A_61 = vector.shape_cast %swap3A_60 : vector<16xf32> to vector<16xf32>
    %swap3A_62 = vector.shape_cast %broadcast_in_dim3A_33 : vector<16xf32> to vector<16xf32>
    tpu.vector_store %arg19[%swap3A_59], %swap3A_62 {strides = array<i32>} : memref<112xf32, #tpu.memory_space<vmem>>, vector<16xf32>,
    %swap3A_63 = arith.constant 96 : index
    %swap3A_64 = tpu.vector_load %arg19[%swap3A_63] {strides = array<i32>} : memref<112xf32, #tpu.memory_space<vmem>>, vector<16xf32>,
    %swap3A_65 = vector.shape_cast %swap3A_64 : vector<16xf32> to vector<16xf32>
    %swap3A_66 = vector.shape_cast %broadcast_in_dim3A_33 : vector<16xf32> to vector<16xf32>
    tpu.vector_store %arg19[%swap3A_63], %swap3A_66 {strides = array<i32>} : memref<112xf32, #tpu.memory_space<vmem>>, vector<16xf32>,
    %mul3A_67 = arith.constant 624 : i32
    %mul3A_68 = arith.muli %arg1, %mul3A_67 : i32
    %add3A_69 = arith.constant 0 : i32
    %add3A_70 = arith.addi %mul3A_68, %add3A_69 : i32
    "tpu.region"() ({
      %run_scoped3A = tpu.sem_alloc : memref<!tpu.dma_semaphore, #tpu.memory_space<semaphore_mem>>
      %dma_start3A_180 = arith.constant 0 : i32
      %dma_start3A_181 = arith.constant 0 : i32
      %dma_start3A_182 = tpu.memref_slice %arg17[%dma_start3A_180, %dma_start3A_181] : memref<80x128xf32, #tpu.memory_space<vmem>> -> memref<48x128xf32, #tpu.memory_space<vmem>>
      %dma_start3A_183 = arith.constant 0 : i32
      %dma_start3A_184 = tpu.memref_slice %arg7[%add3A_70, %dma_start3A_183] : memref<10000x128xf32, #tpu.memory_space<vmem_shared>> -> memref<48x128xf32, #tpu.memory_space<vmem_shared>>
      %dma_start3A_185 = arith.constant 0 : i32
      %dma_start3A_186 = tpu.memref_slice %arg7[%add3A_70, %dma_start3A_185] : memref<10000x128xf32, #tpu.memory_space<vmem_shared>> -> memref<48x128xf32, #tpu.memory_space<vmem_shared>>
      %dma_start3A_187 = arith.constant 0 : i32
      %dma_start3A_188 = arith.constant 0 : i32
      %dma_start3A_189 = tpu.memref_slice %arg17[%dma_start3A_187, %dma_start3A_188] : memref<80x128xf32, #tpu.memory_space<vmem>> -> memref<48x128xf32, #tpu.memory_space<vmem>>
      tpu.enqueue_dma source(%dma_start3A_189 : memref<48x128xf32, #tpu.memory_space<vmem>>) target(%dma_start3A_186 : memref<48x128xf32, #tpu.memory_space<vmem_shared>>) target_semaphore(%run_scoped3A : memref<!tpu.dma_semaphore, #tpu.memory_space<semaphore_mem>>)
      %dma_wait3A_190 = arith.constant 0 : i32
      %dma_wait3A_191 = arith.constant 0 : i32
      %dma_wait3A_192 = tpu.memref_slice %arg17[%dma_wait3A_190, %dma_wait3A_191] : memref<80x128xf32, #tpu.memory_space<vmem>> -> memref<48x128xf32, #tpu.memory_space<vmem>>
      %dma_wait3A_193 = arith.constant 0 : i32
      %dma_wait3A_194 = tpu.memref_slice %arg7[%add3A_70, %dma_wait3A_193] : memref<10000x128xf32, #tpu.memory_space<vmem_shared>> -> memref<48x128xf32, #tpu.memory_space<vmem_shared>>
      %dma_wait3A_195 = arith.constant 0 : i32
      %dma_wait3A_196 = tpu.memref_slice %arg7[%add3A_70, %dma_wait3A_195] : memref<10000x128xf32, #tpu.memory_space<vmem_shared>> -> memref<48x128xf32, #tpu.memory_space<vmem_shared>>
      %dma_wait3A_197 = arith.constant 0 : i32
      %dma_wait3A_198 = arith.constant 0 : i32
      %dma_wait3A_199 = tpu.memref_slice %arg17[%dma_wait3A_197, %dma_wait3A_198] : memref<80x128xf32, #tpu.memory_space<vmem>> -> memref<48x128xf32, #tpu.memory_space<vmem>>
      tpu.wait_dma2 semaphore(%run_scoped3A : memref<!tpu.dma_semaphore, #tpu.memory_space<semaphore_mem>>) src(%dma_wait3A_199 : memref<48x128xf32, #tpu.memory_space<vmem>>) dst(%dma_wait3A_196 : memref<48x128xf32, #tpu.memory_space<vmem_shared>>)
      tpu.yield
    }) : () -> ()
    %mul3A_71 = arith.constant 624 : i32
    %mul3A_72 = arith.muli %arg1, %mul3A_71 : i32
    %add3A_73 = arith.constant 48 : i32
    %add3A_74 = arith.addi %mul3A_72, %add3A_73 : i32
    "tpu.region"() ({
      %run_scoped3A = tpu.sem_alloc : memref<!tpu.dma_semaphore, #tpu.memory_space<semaphore_mem>>
      %dma_start3A_180 = arith.constant 0 : i32
      %dma_start3A_181 = arith.constant 0 : i32
      %dma_start3A_182 = tpu.memref_slice %arg17[%dma_start3A_180, %dma_start3A_181] : memref<80x128xf32, #tpu.memory_space<vmem>> -> memref<48x128xf32, #tpu.memory_space<vmem>>
      %dma_start3A_183 = arith.constant 0 : i32
      %dma_start3A_184 = tpu.memref_slice %arg7[%add3A_74, %dma_start3A_183] : memref<10000x128xf32, #tpu.memory_space<vmem_shared>> -> memref<48x128xf32, #tpu.memory_space<vmem_shared>>
      %dma_start3A_185 = arith.constant 0 : i32
      %dma_start3A_186 = tpu.memref_slice %arg7[%add3A_74, %dma_start3A_185] : memref<10000x128xf32, #tpu.memory_space<vmem_shared>> -> memref<48x128xf32, #tpu.memory_space<vmem_shared>>
      %dma_start3A_187 = arith.constant 0 : i32
      %dma_start3A_188 = arith.constant 0 : i32
      %dma_start3A_189 = tpu.memref_slice %arg17[%dma_start3A_187, %dma_start3A_188] : memref<80x128xf32, #tpu.memory_space<vmem>> -> memref<48x128xf32, #tpu.memory_space<vmem>>
      tpu.enqueue_dma source(%dma_start3A_189 : memref<48x128xf32, #tpu.memory_space<vmem>>) target(%dma_start3A_186 : memref<48x128xf32, #tpu.memory_space<vmem_shared>>) target_semaphore(%run_scoped3A : memref<!tpu.dma_semaphore, #tpu.memory_space<semaphore_mem>>)
      %dma_wait3A_190 = arith.constant 0 : i32
      %dma_wait3A_191 = arith.constant 0 : i32
      %dma_wait3A_192 = tpu.memref_slice %arg17[%dma_wait3A_190, %dma_wait3A_191] : memref<80x128xf32, #tpu.memory_space<vmem>> -> memref<48x128xf32, #tpu.memory_space<vmem>>
      %dma_wait3A_193 = arith.constant 0 : i32
      %dma_wait3A_194 = tpu.memref_slice %arg7[%add3A_74, %dma_wait3A_193] : memref<10000x128xf32, #tpu.memory_space<vmem_shared>> -> memref<48x128xf32, #tpu.memory_space<vmem_shared>>
      %dma_wait3A_195 = arith.constant 0 : i32
      %dma_wait3A_196 = tpu.memref_slice %arg7[%add3A_74, %dma_wait3A_195] : memref<10000x128xf32, #tpu.memory_space<vmem_shared>> -> memref<48x128xf32, #tpu.memory_space<vmem_shared>>
      %dma_wait3A_197 = arith.constant 0 : i32
      %dma_wait3A_198 = arith.constant 0 : i32
      %dma_wait3A_199 = tpu.memref_slice %arg17[%dma_wait3A_197, %dma_wait3A_198] : memref<80x128xf32, #tpu.memory_space<vmem>> -> memref<48x128xf32, #tpu.memory_space<vmem>>
      tpu.wait_dma2 semaphore(%run_scoped3A : memref<!tpu.dma_semaphore, #tpu.memory_space<semaphore_mem>>) src(%dma_wait3A_199 : memref<48x128xf32, #tpu.memory_space<vmem>>) dst(%dma_wait3A_196 : memref<48x128xf32, #tpu.memory_space<vmem_shared>>)
      tpu.yield
    }) : () -> ()
    %mul3A_75 = arith.constant 624 : i32
    %mul3A_76 = arith.muli %arg1, %mul3A_75 : i32
    %add3A_77 = arith.constant 96 : i32
    %add3A_78 = arith.addi %mul3A_76, %add3A_77 : i32
    "tpu.region"() ({
      %run_scoped3A = tpu.sem_alloc : memref<!tpu.dma_semaphore, #tpu.memory_space<semaphore_mem>>
      %dma_start3A_180 = arith.constant 0 : i32
      %dma_start3A_181 = arith.constant 0 : i32
      %dma_start3A_182 = tpu.memref_slice %arg17[%dma_start3A_180, %dma_start3A_181] : memref<80x128xf32, #tpu.memory_space<vmem>> -> memref<48x128xf32, #tpu.memory_space<vmem>>
      %dma_start3A_183 = arith.constant 0 : i32
      %dma_start3A_184 = tpu.memref_slice %arg7[%add3A_78, %dma_start3A_183] : memref<10000x128xf32, #tpu.memory_space<vmem_shared>> -> memref<48x128xf32, #tpu.memory_space<vmem_shared>>
      %dma_start3A_185 = arith.constant 0 : i32
      %dma_start3A_186 = tpu.memref_slice %arg7[%add3A_78, %dma_start3A_185] : memref<10000x128xf32, #tpu.memory_space<vmem_shared>> -> memref<48x128xf32, #tpu.memory_space<vmem_shared>>
      %dma_start3A_187 = arith.constant 0 : i32
      %dma_start3A_188 = arith.constant 0 : i32
      %dma_start3A_189 = tpu.memref_slice %arg17[%dma_start3A_187, %dma_start3A_188] : memref<80x128xf32, #tpu.memory_space<vmem>> -> memref<48x128xf32, #tpu.memory_space<vmem>>
      tpu.enqueue_dma source(%dma_start3A_189 : memref<48x128xf32, #tpu.memory_space<vmem>>) target(%dma_start3A_186 : memref<48x128xf32, #tpu.memory_space<vmem_shared>>) target_semaphore(%run_scoped3A : memref<!tpu.dma_semaphore, #tpu.memory_space<semaphore_mem>>)
      %dma_wait3A_190 = arith.constant 0 : i32
      %dma_wait3A_191 = arith.constant 0 : i32
      %dma_wait3A_192 = tpu.memref_slice %arg17[%dma_wait3A_190, %dma_wait3A_191] : memref<80x128xf32, #tpu.memory_space<vmem>> -> memref<48x128xf32, #tpu.memory_space<vmem>>
      %dma_wait3A_193 = arith.constant 0 : i32
      %dma_wait3A_194 = tpu.memref_slice %arg7[%add3A_78, %dma_wait3A_193] : memref<10000x128xf32, #tpu.memory_space<vmem_shared>> -> memref<48x128xf32, #tpu.memory_space<vmem_shared>>
      %dma_wait3A_195 = arith.constant 0 : i32
      %dma_wait3A_196 = tpu.memref_slice %arg7[%add3A_78, %dma_wait3A_195] : memref<10000x128xf32, #tpu.memory_space<vmem_shared>> -> memref<48x128xf32, #tpu.memory_space<vmem_shared>>
      %dma_wait3A_197 = arith.constant 0 : i32
      %dma_wait3A_198 = arith.constant 0 : i32
      %dma_wait3A_199 = tpu.memref_slice %arg17[%dma_wait3A_197, %dma_wait3A_198] : memref<80x128xf32, #tpu.memory_space<vmem>> -> memref<48x128xf32, #tpu.memory_space<vmem>>
      tpu.wait_dma2 semaphore(%run_scoped3A : memref<!tpu.dma_semaphore, #tpu.memory_space<semaphore_mem>>) src(%dma_wait3A_199 : memref<48x128xf32, #tpu.memory_space<vmem>>) dst(%dma_wait3A_196 : memref<48x128xf32, #tpu.memory_space<vmem_shared>>)
      tpu.yield
    }) : () -> ()
    %mul3A_79 = arith.constant 624 : i32
    %mul3A_80 = arith.muli %arg1, %mul3A_79 : i32
    %add3A_81 = arith.constant 144 : i32
    %add3A_82 = arith.addi %mul3A_80, %add3A_81 : i32
    "tpu.region"() ({
      %run_scoped3A = tpu.sem_alloc : memref<!tpu.dma_semaphore, #tpu.memory_space<semaphore_mem>>
      %dma_start3A_180 = arith.constant 0 : i32
      %dma_start3A_181 = arith.constant 0 : i32
      %dma_start3A_182 = tpu.memref_slice %arg17[%dma_start3A_180, %dma_start3A_181] : memref<80x128xf32, #tpu.memory_space<vmem>> -> memref<48x128xf32, #tpu.memory_space<vmem>>
      %dma_start3A_183 = arith.constant 0 : i32
      %dma_start3A_184 = tpu.memref_slice %arg7[%add3A_82, %dma_start3A_183] : memref<10000x128xf32, #tpu.memory_space<vmem_shared>> -> memref<48x128xf32, #tpu.memory_space<vmem_shared>>
      %dma_start3A_185 = arith.constant 0 : i32
      %dma_start3A_186 = tpu.memref_slice %arg7[%add3A_82, %dma_start3A_185] : memref<10000x128xf32, #tpu.memory_space<vmem_shared>> -> memref<48x128xf32, #tpu.memory_space<vmem_shared>>
      %dma_start3A_187 = arith.constant 0 : i32
      %dma_start3A_188 = arith.constant 0 : i32
      %dma_start3A_189 = tpu.memref_slice %arg17[%dma_start3A_187, %dma_start3A_188] : memref<80x128xf32, #tpu.memory_space<vmem>> -> memref<48x128xf32, #tpu.memory_space<vmem>>
      tpu.enqueue_dma source(%dma_start3A_189 : memref<48x128xf32, #tpu.memory_space<vmem>>) target(%dma_start3A_186 : memref<48x128xf32, #tpu.memory_space<vmem_shared>>) target_semaphore(%run_scoped3A : memref<!tpu.dma_semaphore, #tpu.memory_space<semaphore_mem>>)
      %dma_wait3A_190 = arith.constant 0 : i32
      %dma_wait3A_191 = arith.constant 0 : i32
      %dma_wait3A_192 = tpu.memref_slice %arg17[%dma_wait3A_190, %dma_wait3A_191] : memref<80x128xf32, #tpu.memory_space<vmem>> -> memref<48x128xf32, #tpu.memory_space<vmem>>
      %dma_wait3A_193 = arith.constant 0 : i32
      %dma_wait3A_194 = tpu.memref_slice %arg7[%add3A_82, %dma_wait3A_193] : memref<10000x128xf32, #tpu.memory_space<vmem_shared>> -> memref<48x128xf32, #tpu.memory_space<vmem_shared>>
      %dma_wait3A_195 = arith.constant 0 : i32
      %dma_wait3A_196 = tpu.memref_slice %arg7[%add3A_82, %dma_wait3A_195] : memref<10000x128xf32, #tpu.memory_space<vmem_shared>> -> memref<48x128xf32, #tpu.memory_space<vmem_shared>>
      %dma_wait3A_197 = arith.constant 0 : i32
      %dma_wait3A_198 = arith.constant 0 : i32
      %dma_wait3A_199 = tpu.memref_slice %arg17[%dma_wait3A_197, %dma_wait3A_198] : memref<80x128xf32, #tpu.memory_space<vmem>> -> memref<48x128xf32, #tpu.memory_space<vmem>>
      tpu.wait_dma2 semaphore(%run_scoped3A : memref<!tpu.dma_semaphore, #tpu.memory_space<semaphore_mem>>) src(%dma_wait3A_199 : memref<48x128xf32, #tpu.memory_space<vmem>>) dst(%dma_wait3A_196 : memref<48x128xf32, #tpu.memory_space<vmem_shared>>)
      tpu.yield
    }) : () -> ()
    %mul3A_83 = arith.constant 624 : i32
    %mul3A_84 = arith.muli %arg1, %mul3A_83 : i32
    %add3A_85 = arith.constant 192 : i32
    %add3A_86 = arith.addi %mul3A_84, %add3A_85 : i32
    "tpu.region"() ({
      %run_scoped3A = tpu.sem_alloc : memref<!tpu.dma_semaphore, #tpu.memory_space<semaphore_mem>>
      %dma_start3A_180 = arith.constant 0 : i32
      %dma_start3A_181 = arith.constant 0 : i32
      %dma_start3A_182 = tpu.memref_slice %arg17[%dma_start3A_180, %dma_start3A_181] : memref<80x128xf32, #tpu.memory_space<vmem>> -> memref<48x128xf32, #tpu.memory_space<vmem>>
      %dma_start3A_183 = arith.constant 0 : i32
      %dma_start3A_184 = tpu.memref_slice %arg7[%add3A_86, %dma_start3A_183] : memref<10000x128xf32, #tpu.memory_space<vmem_shared>> -> memref<48x128xf32, #tpu.memory_space<vmem_shared>>
      %dma_start3A_185 = arith.constant 0 : i32
      %dma_start3A_186 = tpu.memref_slice %arg7[%add3A_86, %dma_start3A_185] : memref<10000x128xf32, #tpu.memory_space<vmem_shared>> -> memref<48x128xf32, #tpu.memory_space<vmem_shared>>
      %dma_start3A_187 = arith.constant 0 : i32
      %dma_start3A_188 = arith.constant 0 : i32
      %dma_start3A_189 = tpu.memref_slice %arg17[%dma_start3A_187, %dma_start3A_188] : memref<80x128xf32, #tpu.memory_space<vmem>> -> memref<48x128xf32, #tpu.memory_space<vmem>>
      tpu.enqueue_dma source(%dma_start3A_189 : memref<48x128xf32, #tpu.memory_space<vmem>>) target(%dma_start3A_186 : memref<48x128xf32, #tpu.memory_space<vmem_shared>>) target_semaphore(%run_scoped3A : memref<!tpu.dma_semaphore, #tpu.memory_space<semaphore_mem>>)
      %dma_wait3A_190 = arith.constant 0 : i32
      %dma_wait3A_191 = arith.constant 0 : i32
      %dma_wait3A_192 = tpu.memref_slice %arg17[%dma_wait3A_190, %dma_wait3A_191] : memref<80x128xf32, #tpu.memory_space<vmem>> -> memref<48x128xf32, #tpu.memory_space<vmem>>
      %dma_wait3A_193 = arith.constant 0 : i32
      %dma_wait3A_194 = tpu.memref_slice %arg7[%add3A_86, %dma_wait3A_193] : memref<10000x128xf32, #tpu.memory_space<vmem_shared>> -> memref<48x128xf32, #tpu.memory_space<vmem_shared>>
      %dma_wait3A_195 = arith.constant 0 : i32
      %dma_wait3A_196 = tpu.memref_slice %arg7[%add3A_86, %dma_wait3A_195] : memref<10000x128xf32, #tpu.memory_space<vmem_shared>> -> memref<48x128xf32, #tpu.memory_space<vmem_shared>>
      %dma_wait3A_197 = arith.constant 0 : i32
      %dma_wait3A_198 = arith.constant 0 : i32
      %dma_wait3A_199 = tpu.memref_slice %arg17[%dma_wait3A_197, %dma_wait3A_198] : memref<80x128xf32, #tpu.memory_space<vmem>> -> memref<48x128xf32, #tpu.memory_space<vmem>>
      tpu.wait_dma2 semaphore(%run_scoped3A : memref<!tpu.dma_semaphore, #tpu.memory_space<semaphore_mem>>) src(%dma_wait3A_199 : memref<48x128xf32, #tpu.memory_space<vmem>>) dst(%dma_wait3A_196 : memref<48x128xf32, #tpu.memory_space<vmem_shared>>)
      tpu.yield
    }) : () -> ()
    %mul3A_87 = arith.constant 624 : i32
    %mul3A_88 = arith.muli %arg1, %mul3A_87 : i32
    %add3A_89 = arith.constant 240 : i32
    %add3A_90 = arith.addi %mul3A_88, %add3A_89 : i32
    "tpu.region"() ({
      %run_scoped3A = tpu.sem_alloc : memref<!tpu.dma_semaphore, #tpu.memory_space<semaphore_mem>>
      %dma_start3A_180 = arith.constant 0 : i32
      %dma_start3A_181 = arith.constant 0 : i32
      %dma_start3A_182 = tpu.memref_slice %arg17[%dma_start3A_180, %dma_start3A_181] : memref<80x128xf32, #tpu.memory_space<vmem>> -> memref<48x128xf32, #tpu.memory_space<vmem>>
      %dma_start3A_183 = arith.constant 0 : i32
      %dma_start3A_184 = tpu.memref_slice %arg7[%add3A_90, %dma_start3A_183] : memref<10000x128xf32, #tpu.memory_space<vmem_shared>> -> memref<48x128xf32, #tpu.memory_space<vmem_shared>>
      %dma_start3A_185 = arith.constant 0 : i32
      %dma_start3A_186 = tpu.memref_slice %arg7[%add3A_90, %dma_start3A_185] : memref<10000x128xf32, #tpu.memory_space<vmem_shared>> -> memref<48x128xf32, #tpu.memory_space<vmem_shared>>
      %dma_start3A_187 = arith.constant 0 : i32
      %dma_start3A_188 = arith.constant 0 : i32
      %dma_start3A_189 = tpu.memref_slice %arg17[%dma_start3A_187, %dma_start3A_188] : memref<80x128xf32, #tpu.memory_space<vmem>> -> memref<48x128xf32, #tpu.memory_space<vmem>>
      tpu.enqueue_dma source(%dma_start3A_189 : memref<48x128xf32, #tpu.memory_space<vmem>>) target(%dma_start3A_186 : memref<48x128xf32, #tpu.memory_space<vmem_shared>>) target_semaphore(%run_scoped3A : memref<!tpu.dma_semaphore, #tpu.memory_space<semaphore_mem>>)
      %dma_wait3A_190 = arith.constant 0 : i32
      %dma_wait3A_191 = arith.constant 0 : i32
      %dma_wait3A_192 = tpu.memref_slice %arg17[%dma_wait3A_190, %dma_wait3A_191] : memref<80x128xf32, #tpu.memory_space<vmem>> -> memref<48x128xf32, #tpu.memory_space<vmem>>
      %dma_wait3A_193 = arith.constant 0 : i32
      %dma_wait3A_194 = tpu.memref_slice %arg7[%add3A_90, %dma_wait3A_193] : memref<10000x128xf32, #tpu.memory_space<vmem_shared>> -> memref<48x128xf32, #tpu.memory_space<vmem_shared>>
      %dma_wait3A_195 = arith.constant 0 : i32
      %dma_wait3A_196 = tpu.memref_slice %arg7[%add3A_90, %dma_wait3A_195] : memref<10000x128xf32, #tpu.memory_space<vmem_shared>> -> memref<48x128xf32, #tpu.memory_space<vmem_shared>>
      %dma_wait3A_197 = arith.constant 0 : i32
      %dma_wait3A_198 = arith.constant 0 : i32
      %dma_wait3A_199 = tpu.memref_slice %arg17[%dma_wait3A_197, %dma_wait3A_198] : memref<80x128xf32, #tpu.memory_space<vmem>> -> memref<48x128xf32, #tpu.memory_space<vmem>>
      tpu.wait_dma2 semaphore(%run_scoped3A : memref<!tpu.dma_semaphore, #tpu.memory_space<semaphore_mem>>) src(%dma_wait3A_199 : memref<48x128xf32, #tpu.memory_space<vmem>>) dst(%dma_wait3A_196 : memref<48x128xf32, #tpu.memory_space<vmem_shared>>)
      tpu.yield
    }) : () -> ()
    %mul3A_91 = arith.constant 624 : i32
    %mul3A_92 = arith.muli %arg1, %mul3A_91 : i32
    %add3A_93 = arith.constant 288 : i32
    %add3A_94 = arith.addi %mul3A_92, %add3A_93 : i32
    "tpu.region"() ({
      %run_scoped3A = tpu.sem_alloc : memref<!tpu.dma_semaphore, #tpu.memory_space<semaphore_mem>>
      %dma_start3A_180 = arith.constant 0 : i32
      %dma_start3A_181 = arith.constant 0 : i32
      %dma_start3A_182 = tpu.memref_slice %arg17[%dma_start3A_180, %dma_start3A_181] : memref<80x128xf32, #tpu.memory_space<vmem>> -> memref<48x128xf32, #tpu.memory_space<vmem>>
      %dma_start3A_183 = arith.constant 0 : i32
      %dma_start3A_184 = tpu.memref_slice %arg7[%add3A_94, %dma_start3A_183] : memref<10000x128xf32, #tpu.memory_space<vmem_shared>> -> memref<48x128xf32, #tpu.memory_space<vmem_shared>>
      %dma_start3A_185 = arith.constant 0 : i32
      %dma_start3A_186 = tpu.memref_slice %arg7[%add3A_94, %dma_start3A_185] : memref<10000x128xf32, #tpu.memory_space<vmem_shared>> -> memref<48x128xf32, #tpu.memory_space<vmem_shared>>
      %dma_start3A_187 = arith.constant 0 : i32
      %dma_start3A_188 = arith.constant 0 : i32
      %dma_start3A_189 = tpu.memref_slice %arg17[%dma_start3A_187, %dma_start3A_188] : memref<80x128xf32, #tpu.memory_space<vmem>> -> memref<48x128xf32, #tpu.memory_space<vmem>>
      tpu.enqueue_dma source(%dma_start3A_189 : memref<48x128xf32, #tpu.memory_space<vmem>>) target(%dma_start3A_186 : memref<48x128xf32, #tpu.memory_space<vmem_shared>>) target_semaphore(%run_scoped3A : memref<!tpu.dma_semaphore, #tpu.memory_space<semaphore_mem>>)
      %dma_wait3A_190 = arith.constant 0 : i32
      %dma_wait3A_191 = arith.constant 0 : i32
      %dma_wait3A_192 = tpu.memref_slice %arg17[%dma_wait3A_190, %dma_wait3A_191] : memref<80x128xf32, #tpu.memory_space<vmem>> -> memref<48x128xf32, #tpu.memory_space<vmem>>
      %dma_wait3A_193 = arith.constant 0 : i32
      %dma_wait3A_194 = tpu.memref_slice %arg7[%add3A_94, %dma_wait3A_193] : memref<10000x128xf32, #tpu.memory_space<vmem_shared>> -> memref<48x128xf32, #tpu.memory_space<vmem_shared>>
      %dma_wait3A_195 = arith.constant 0 : i32
      %dma_wait3A_196 = tpu.memref_slice %arg7[%add3A_94, %dma_wait3A_195] : memref<10000x128xf32, #tpu.memory_space<vmem_shared>> -> memref<48x128xf32, #tpu.memory_space<vmem_shared>>
      %dma_wait3A_197 = arith.constant 0 : i32
      %dma_wait3A_198 = arith.constant 0 : i32
      %dma_wait3A_199 = tpu.memref_slice %arg17[%dma_wait3A_197, %dma_wait3A_198] : memref<80x128xf32, #tpu.memory_space<vmem>> -> memref<48x128xf32, #tpu.memory_space<vmem>>
      tpu.wait_dma2 semaphore(%run_scoped3A : memref<!tpu.dma_semaphore, #tpu.memory_space<semaphore_mem>>) src(%dma_wait3A_199 : memref<48x128xf32, #tpu.memory_space<vmem>>) dst(%dma_wait3A_196 : memref<48x128xf32, #tpu.memory_space<vmem_shared>>)
      tpu.yield
    }) : () -> ()
    %mul3A_95 = arith.constant 624 : i32
    %mul3A_96 = arith.muli %arg1, %mul3A_95 : i32
    %add3A_97 = arith.constant 336 : i32
    %add3A_98 = arith.addi %mul3A_96, %add3A_97 : i32
    "tpu.region"() ({
      %run_scoped3A = tpu.sem_alloc : memref<!tpu.dma_semaphore, #tpu.memory_space<semaphore_mem>>
      %dma_start3A_180 = arith.constant 0 : i32
      %dma_start3A_181 = arith.constant 0 : i32
      %dma_start3A_182 = tpu.memref_slice %arg17[%dma_start3A_180, %dma_start3A_181] : memref<80x128xf32, #tpu.memory_space<vmem>> -> memref<48x128xf32, #tpu.memory_space<vmem>>
      %dma_start3A_183 = arith.constant 0 : i32
      %dma_start3A_184 = tpu.memref_slice %arg7[%add3A_98, %dma_start3A_183] : memref<10000x128xf32, #tpu.memory_space<vmem_shared>> -> memref<48x128xf32, #tpu.memory_space<vmem_shared>>
      %dma_start3A_185 = arith.constant 0 : i32
      %dma_start3A_186 = tpu.memref_slice %arg7[%add3A_98, %dma_start3A_185] : memref<10000x128xf32, #tpu.memory_space<vmem_shared>> -> memref<48x128xf32, #tpu.memory_space<vmem_shared>>
      %dma_start3A_187 = arith.constant 0 : i32
      %dma_start3A_188 = arith.constant 0 : i32
      %dma_start3A_189 = tpu.memref_slice %arg17[%dma_start3A_187, %dma_start3A_188] : memref<80x128xf32, #tpu.memory_space<vmem>> -> memref<48x128xf32, #tpu.memory_space<vmem>>
      tpu.enqueue_dma source(%dma_start3A_189 : memref<48x128xf32, #tpu.memory_space<vmem>>) target(%dma_start3A_186 : memref<48x128xf32, #tpu.memory_space<vmem_shared>>) target_semaphore(%run_scoped3A : memref<!tpu.dma_semaphore, #tpu.memory_space<semaphore_mem>>)
      %dma_wait3A_190 = arith.constant 0 : i32
      %dma_wait3A_191 = arith.constant 0 : i32
      %dma_wait3A_192 = tpu.memref_slice %arg17[%dma_wait3A_190, %dma_wait3A_191] : memref<80x128xf32, #tpu.memory_space<vmem>> -> memref<48x128xf32, #tpu.memory_space<vmem>>
      %dma_wait3A_193 = arith.constant 0 : i32
      %dma_wait3A_194 = tpu.memref_slice %arg7[%add3A_98, %dma_wait3A_193] : memref<10000x128xf32, #tpu.memory_space<vmem_shared>> -> memref<48x128xf32, #tpu.memory_space<vmem_shared>>
      %dma_wait3A_195 = arith.constant 0 : i32
      %dma_wait3A_196 = tpu.memref_slice %arg7[%add3A_98, %dma_wait3A_195] : memref<10000x128xf32, #tpu.memory_space<vmem_shared>> -> memref<48x128xf32, #tpu.memory_space<vmem_shared>>
      %dma_wait3A_197 = arith.constant 0 : i32
      %dma_wait3A_198 = arith.constant 0 : i32
      %dma_wait3A_199 = tpu.memref_slice %arg17[%dma_wait3A_197, %dma_wait3A_198] : memref<80x128xf32, #tpu.memory_space<vmem>> -> memref<48x128xf32, #tpu.memory_space<vmem>>
      tpu.wait_dma2 semaphore(%run_scoped3A : memref<!tpu.dma_semaphore, #tpu.memory_space<semaphore_mem>>) src(%dma_wait3A_199 : memref<48x128xf32, #tpu.memory_space<vmem>>) dst(%dma_wait3A_196 : memref<48x128xf32, #tpu.memory_space<vmem_shared>>)
      tpu.yield
    }) : () -> ()
    %mul3A_99 = arith.constant 624 : i32
    %mul3A_100 = arith.muli %arg1, %mul3A_99 : i32
    %add3A_101 = arith.constant 384 : i32
    %add3A_102 = arith.addi %mul3A_100, %add3A_101 : i32
    "tpu.region"() ({
      %run_scoped3A = tpu.sem_alloc : memref<!tpu.dma_semaphore, #tpu.memory_space<semaphore_mem>>
      %dma_start3A_180 = arith.constant 0 : i32
      %dma_start3A_181 = arith.constant 0 : i32
      %dma_start3A_182 = tpu.memref_slice %arg17[%dma_start3A_180, %dma_start3A_181] : memref<80x128xf32, #tpu.memory_space<vmem>> -> memref<48x128xf32, #tpu.memory_space<vmem>>
      %dma_start3A_183 = arith.constant 0 : i32
      %dma_start3A_184 = tpu.memref_slice %arg7[%add3A_102, %dma_start3A_183] : memref<10000x128xf32, #tpu.memory_space<vmem_shared>> -> memref<48x128xf32, #tpu.memory_space<vmem_shared>>
      %dma_start3A_185 = arith.constant 0 : i32
      %dma_start3A_186 = tpu.memref_slice %arg7[%add3A_102, %dma_start3A_185] : memref<10000x128xf32, #tpu.memory_space<vmem_shared>> -> memref<48x128xf32, #tpu.memory_space<vmem_shared>>
      %dma_start3A_187 = arith.constant 0 : i32
      %dma_start3A_188 = arith.constant 0 : i32
      %dma_start3A_189 = tpu.memref_slice %arg17[%dma_start3A_187, %dma_start3A_188] : memref<80x128xf32, #tpu.memory_space<vmem>> -> memref<48x128xf32, #tpu.memory_space<vmem>>
      tpu.enqueue_dma source(%dma_start3A_189 : memref<48x128xf32, #tpu.memory_space<vmem>>) target(%dma_start3A_186 : memref<48x128xf32, #tpu.memory_space<vmem_shared>>) target_semaphore(%run_scoped3A : memref<!tpu.dma_semaphore, #tpu.memory_space<semaphore_mem>>)
      %dma_wait3A_190 = arith.constant 0 : i32
      %dma_wait3A_191 = arith.constant 0 : i32
      %dma_wait3A_192 = tpu.memref_slice %arg17[%dma_wait3A_190, %dma_wait3A_191] : memref<80x128xf32, #tpu.memory_space<vmem>> -> memref<48x128xf32, #tpu.memory_space<vmem>>
      %dma_wait3A_193 = arith.constant 0 : i32
      %dma_wait3A_194 = tpu.memref_slice %arg7[%add3A_102, %dma_wait3A_193] : memref<10000x128xf32, #tpu.memory_space<vmem_shared>> -> memref<48x128xf32, #tpu.memory_space<vmem_shared>>
      %dma_wait3A_195 = arith.constant 0 : i32
      %dma_wait3A_196 = tpu.memref_slice %arg7[%add3A_102, %dma_wait3A_195] : memref<10000x128xf32, #tpu.memory_space<vmem_shared>> -> memref<48x128xf32, #tpu.memory_space<vmem_shared>>
      %dma_wait3A_197 = arith.constant 0 : i32
      %dma_wait3A_198 = arith.constant 0 : i32
      %dma_wait3A_199 = tpu.memref_slice %arg17[%dma_wait3A_197, %dma_wait3A_198] : memref<80x128xf32, #tpu.memory_space<vmem>> -> memref<48x128xf32, #tpu.memory_space<vmem>>
      tpu.wait_dma2 semaphore(%run_scoped3A : memref<!tpu.dma_semaphore, #tpu.memory_space<semaphore_mem>>) src(%dma_wait3A_199 : memref<48x128xf32, #tpu.memory_space<vmem>>) dst(%dma_wait3A_196 : memref<48x128xf32, #tpu.memory_space<vmem_shared>>)
      tpu.yield
    }) : () -> ()
    %mul3A_103 = arith.constant 624 : i32
    %mul3A_104 = arith.muli %arg1, %mul3A_103 : i32
    %add3A_105 = arith.constant 432 : i32
    %add3A_106 = arith.addi %mul3A_104, %add3A_105 : i32
    "tpu.region"() ({
      %run_scoped3A = tpu.sem_alloc : memref<!tpu.dma_semaphore, #tpu.memory_space<semaphore_mem>>
      %dma_start3A_180 = arith.constant 0 : i32
      %dma_start3A_181 = arith.constant 0 : i32
      %dma_start3A_182 = tpu.memref_slice %arg17[%dma_start3A_180, %dma_start3A_181] : memref<80x128xf32, #tpu.memory_space<vmem>> -> memref<48x128xf32, #tpu.memory_space<vmem>>
      %dma_start3A_183 = arith.constant 0 : i32
      %dma_start3A_184 = tpu.memref_slice %arg7[%add3A_106, %dma_start3A_183] : memref<10000x128xf32, #tpu.memory_space<vmem_shared>> -> memref<48x128xf32, #tpu.memory_space<vmem_shared>>
      %dma_start3A_185 = arith.constant 0 : i32
      %dma_start3A_186 = tpu.memref_slice %arg7[%add3A_106, %dma_start3A_185] : memref<10000x128xf32, #tpu.memory_space<vmem_shared>> -> memref<48x128xf32, #tpu.memory_space<vmem_shared>>
      %dma_start3A_187 = arith.constant 0 : i32
      %dma_start3A_188 = arith.constant 0 : i32
      %dma_start3A_189 = tpu.memref_slice %arg17[%dma_start3A_187, %dma_start3A_188] : memref<80x128xf32, #tpu.memory_space<vmem>> -> memref<48x128xf32, #tpu.memory_space<vmem>>
      tpu.enqueue_dma source(%dma_start3A_189 : memref<48x128xf32, #tpu.memory_space<vmem>>) target(%dma_start3A_186 : memref<48x128xf32, #tpu.memory_space<vmem_shared>>) target_semaphore(%run_scoped3A : memref<!tpu.dma_semaphore, #tpu.memory_space<semaphore_mem>>)
      %dma_wait3A_190 = arith.constant 0 : i32
      %dma_wait3A_191 = arith.constant 0 : i32
      %dma_wait3A_192 = tpu.memref_slice %arg17[%dma_wait3A_190, %dma_wait3A_191] : memref<80x128xf32, #tpu.memory_space<vmem>> -> memref<48x128xf32, #tpu.memory_space<vmem>>
      %dma_wait3A_193 = arith.constant 0 : i32
      %dma_wait3A_194 = tpu.memref_slice %arg7[%add3A_106, %dma_wait3A_193] : memref<10000x128xf32, #tpu.memory_space<vmem_shared>> -> memref<48x128xf32, #tpu.memory_space<vmem_shared>>
      %dma_wait3A_195 = arith.constant 0 : i32
      %dma_wait3A_196 = tpu.memref_slice %arg7[%add3A_106, %dma_wait3A_195] : memref<10000x128xf32, #tpu.memory_space<vmem_shared>> -> memref<48x128xf32, #tpu.memory_space<vmem_shared>>
      %dma_wait3A_197 = arith.constant 0 : i32
      %dma_wait3A_198 = arith.constant 0 : i32
      %dma_wait3A_199 = tpu.memref_slice %arg17[%dma_wait3A_197, %dma_wait3A_198] : memref<80x128xf32, #tpu.memory_space<vmem>> -> memref<48x128xf32, #tpu.memory_space<vmem>>
      tpu.wait_dma2 semaphore(%run_scoped3A : memref<!tpu.dma_semaphore, #tpu.memory_space<semaphore_mem>>) src(%dma_wait3A_199 : memref<48x128xf32, #tpu.memory_space<vmem>>) dst(%dma_wait3A_196 : memref<48x128xf32, #tpu.memory_space<vmem_shared>>)
      tpu.yield
    }) : () -> ()
    %mul3A_107 = arith.constant 624 : i32
    %mul3A_108 = arith.muli %arg1, %mul3A_107 : i32
    %add3A_109 = arith.constant 480 : i32
    %add3A_110 = arith.addi %mul3A_108, %add3A_109 : i32
    "tpu.region"() ({
      %run_scoped3A = tpu.sem_alloc : memref<!tpu.dma_semaphore, #tpu.memory_space<semaphore_mem>>
      %dma_start3A_180 = arith.constant 0 : i32
      %dma_start3A_181 = arith.constant 0 : i32
      %dma_start3A_182 = tpu.memref_slice %arg17[%dma_start3A_180, %dma_start3A_181] : memref<80x128xf32, #tpu.memory_space<vmem>> -> memref<48x128xf32, #tpu.memory_space<vmem>>
      %dma_start3A_183 = arith.constant 0 : i32
      %dma_start3A_184 = tpu.memref_slice %arg7[%add3A_110, %dma_start3A_183] : memref<10000x128xf32, #tpu.memory_space<vmem_shared>> -> memref<48x128xf32, #tpu.memory_space<vmem_shared>>
      %dma_start3A_185 = arith.constant 0 : i32
      %dma_start3A_186 = tpu.memref_slice %arg7[%add3A_110, %dma_start3A_185] : memref<10000x128xf32, #tpu.memory_space<vmem_shared>> -> memref<48x128xf32, #tpu.memory_space<vmem_shared>>
      %dma_start3A_187 = arith.constant 0 : i32
      %dma_start3A_188 = arith.constant 0 : i32
      %dma_start3A_189 = tpu.memref_slice %arg17[%dma_start3A_187, %dma_start3A_188] : memref<80x128xf32, #tpu.memory_space<vmem>> -> memref<48x128xf32, #tpu.memory_space<vmem>>
      tpu.enqueue_dma source(%dma_start3A_189 : memref<48x128xf32, #tpu.memory_space<vmem>>) target(%dma_start3A_186 : memref<48x128xf32, #tpu.memory_space<vmem_shared>>) target_semaphore(%run_scoped3A : memref<!tpu.dma_semaphore, #tpu.memory_space<semaphore_mem>>)
      %dma_wait3A_190 = arith.constant 0 : i32
      %dma_wait3A_191 = arith.constant 0 : i32
      %dma_wait3A_192 = tpu.memref_slice %arg17[%dma_wait3A_190, %dma_wait3A_191] : memref<80x128xf32, #tpu.memory_space<vmem>> -> memref<48x128xf32, #tpu.memory_space<vmem>>
      %dma_wait3A_193 = arith.constant 0 : i32
      %dma_wait3A_194 = tpu.memref_slice %arg7[%add3A_110, %dma_wait3A_193] : memref<10000x128xf32, #tpu.memory_space<vmem_shared>> -> memref<48x128xf32, #tpu.memory_space<vmem_shared>>
      %dma_wait3A_195 = arith.constant 0 : i32
      %dma_wait3A_196 = tpu.memref_slice %arg7[%add3A_110, %dma_wait3A_195] : memref<10000x128xf32, #tpu.memory_space<vmem_shared>> -> memref<48x128xf32, #tpu.memory_space<vmem_shared>>
      %dma_wait3A_197 = arith.constant 0 : i32
      %dma_wait3A_198 = arith.constant 0 : i32
      %dma_wait3A_199 = tpu.memref_slice %arg17[%dma_wait3A_197, %dma_wait3A_198] : memref<80x128xf32, #tpu.memory_space<vmem>> -> memref<48x128xf32, #tpu.memory_space<vmem>>
      tpu.wait_dma2 semaphore(%run_scoped3A : memref<!tpu.dma_semaphore, #tpu.memory_space<semaphore_mem>>) src(%dma_wait3A_199 : memref<48x128xf32, #tpu.memory_space<vmem>>) dst(%dma_wait3A_196 : memref<48x128xf32, #tpu.memory_space<vmem_shared>>)
      tpu.yield
    }) : () -> ()
    %mul3A_111 = arith.constant 624 : i32
    %mul3A_112 = arith.muli %arg1, %mul3A_111 : i32
    %add3A_113 = arith.constant 528 : i32
    %add3A_114 = arith.addi %mul3A_112, %add3A_113 : i32
    "tpu.region"() ({
      %run_scoped3A = tpu.sem_alloc : memref<!tpu.dma_semaphore, #tpu.memory_space<semaphore_mem>>
      %dma_start3A_180 = arith.constant 0 : i32
      %dma_start3A_181 = arith.constant 0 : i32
      %dma_start3A_182 = tpu.memref_slice %arg17[%dma_start3A_180, %dma_start3A_181] : memref<80x128xf32, #tpu.memory_space<vmem>> -> memref<48x128xf32, #tpu.memory_space<vmem>>
      %dma_start3A_183 = arith.constant 0 : i32
      %dma_start3A_184 = tpu.memref_slice %arg7[%add3A_114, %dma_start3A_183] : memref<10000x128xf32, #tpu.memory_space<vmem_shared>> -> memref<48x128xf32, #tpu.memory_space<vmem_shared>>
      %dma_start3A_185 = arith.constant 0 : i32
      %dma_start3A_186 = tpu.memref_slice %arg7[%add3A_114, %dma_start3A_185] : memref<10000x128xf32, #tpu.memory_space<vmem_shared>> -> memref<48x128xf32, #tpu.memory_space<vmem_shared>>
      %dma_start3A_187 = arith.constant 0 : i32
      %dma_start3A_188 = arith.constant 0 : i32
      %dma_start3A_189 = tpu.memref_slice %arg17[%dma_start3A_187, %dma_start3A_188] : memref<80x128xf32, #tpu.memory_space<vmem>> -> memref<48x128xf32, #tpu.memory_space<vmem>>
      tpu.enqueue_dma source(%dma_start3A_189 : memref<48x128xf32, #tpu.memory_space<vmem>>) target(%dma_start3A_186 : memref<48x128xf32, #tpu.memory_space<vmem_shared>>) target_semaphore(%run_scoped3A : memref<!tpu.dma_semaphore, #tpu.memory_space<semaphore_mem>>)
      %dma_wait3A_190 = arith.constant 0 : i32
      %dma_wait3A_191 = arith.constant 0 : i32
      %dma_wait3A_192 = tpu.memref_slice %arg17[%dma_wait3A_190, %dma_wait3A_191] : memref<80x128xf32, #tpu.memory_space<vmem>> -> memref<48x128xf32, #tpu.memory_space<vmem>>
      %dma_wait3A_193 = arith.constant 0 : i32
      %dma_wait3A_194 = tpu.memref_slice %arg7[%add3A_114, %dma_wait3A_193] : memref<10000x128xf32, #tpu.memory_space<vmem_shared>> -> memref<48x128xf32, #tpu.memory_space<vmem_shared>>
      %dma_wait3A_195 = arith.constant 0 : i32
      %dma_wait3A_196 = tpu.memref_slice %arg7[%add3A_114, %dma_wait3A_195] : memref<10000x128xf32, #tpu.memory_space<vmem_shared>> -> memref<48x128xf32, #tpu.memory_space<vmem_shared>>
      %dma_wait3A_197 = arith.constant 0 : i32
      %dma_wait3A_198 = arith.constant 0 : i32
      %dma_wait3A_199 = tpu.memref_slice %arg17[%dma_wait3A_197, %dma_wait3A_198] : memref<80x128xf32, #tpu.memory_space<vmem>> -> memref<48x128xf32, #tpu.memory_space<vmem>>
      tpu.wait_dma2 semaphore(%run_scoped3A : memref<!tpu.dma_semaphore, #tpu.memory_space<semaphore_mem>>) src(%dma_wait3A_199 : memref<48x128xf32, #tpu.memory_space<vmem>>) dst(%dma_wait3A_196 : memref<48x128xf32, #tpu.memory_space<vmem_shared>>)
      tpu.yield
    }) : () -> ()
    %mul3A_115 = arith.constant 624 : i32
    %mul3A_116 = arith.muli %arg1, %mul3A_115 : i32
    %add3A_117 = arith.constant 576 : i32
    %add3A_118 = arith.addi %mul3A_116, %add3A_117 : i32
    "tpu.region"() ({
      %run_scoped3A = tpu.sem_alloc : memref<!tpu.dma_semaphore, #tpu.memory_space<semaphore_mem>>
      %dma_start3A_180 = arith.constant 0 : i32
      %dma_start3A_181 = arith.constant 0 : i32
      %dma_start3A_182 = tpu.memref_slice %arg17[%dma_start3A_180, %dma_start3A_181] : memref<80x128xf32, #tpu.memory_space<vmem>> -> memref<48x128xf32, #tpu.memory_space<vmem>>
      %dma_start3A_183 = arith.constant 0 : i32
      %dma_start3A_184 = tpu.memref_slice %arg7[%add3A_118, %dma_start3A_183] : memref<10000x128xf32, #tpu.memory_space<vmem_shared>> -> memref<48x128xf32, #tpu.memory_space<vmem_shared>>
      %dma_start3A_185 = arith.constant 0 : i32
      %dma_start3A_186 = tpu.memref_slice %arg7[%add3A_118, %dma_start3A_185] : memref<10000x128xf32, #tpu.memory_space<vmem_shared>> -> memref<48x128xf32, #tpu.memory_space<vmem_shared>>
      %dma_start3A_187 = arith.constant 0 : i32
      %dma_start3A_188 = arith.constant 0 : i32
      %dma_start3A_189 = tpu.memref_slice %arg17[%dma_start3A_187, %dma_start3A_188] : memref<80x128xf32, #tpu.memory_space<vmem>> -> memref<48x128xf32, #tpu.memory_space<vmem>>
      tpu.enqueue_dma source(%dma_start3A_189 : memref<48x128xf32, #tpu.memory_space<vmem>>) target(%dma_start3A_186 : memref<48x128xf32, #tpu.memory_space<vmem_shared>>) target_semaphore(%run_scoped3A : memref<!tpu.dma_semaphore, #tpu.memory_space<semaphore_mem>>)
      %dma_wait3A_190 = arith.constant 0 : i32
      %dma_wait3A_191 = arith.constant 0 : i32
      %dma_wait3A_192 = tpu.memref_slice %arg17[%dma_wait3A_190, %dma_wait3A_191] : memref<80x128xf32, #tpu.memory_space<vmem>> -> memref<48x128xf32, #tpu.memory_space<vmem>>
      %dma_wait3A_193 = arith.constant 0 : i32
      %dma_wait3A_194 = tpu.memref_slice %arg7[%add3A_118, %dma_wait3A_193] : memref<10000x128xf32, #tpu.memory_space<vmem_shared>> -> memref<48x128xf32, #tpu.memory_space<vmem_shared>>
      %dma_wait3A_195 = arith.constant 0 : i32
      %dma_wait3A_196 = tpu.memref_slice %arg7[%add3A_118, %dma_wait3A_195] : memref<10000x128xf32, #tpu.memory_space<vmem_shared>> -> memref<48x128xf32, #tpu.memory_space<vmem_shared>>
      %dma_wait3A_197 = arith.constant 0 : i32
      %dma_wait3A_198 = arith.constant 0 : i32
      %dma_wait3A_199 = tpu.memref_slice %arg17[%dma_wait3A_197, %dma_wait3A_198] : memref<80x128xf32, #tpu.memory_space<vmem>> -> memref<48x128xf32, #tpu.memory_space<vmem>>
      tpu.wait_dma2 semaphore(%run_scoped3A : memref<!tpu.dma_semaphore, #tpu.memory_space<semaphore_mem>>) src(%dma_wait3A_199 : memref<48x128xf32, #tpu.memory_space<vmem>>) dst(%dma_wait3A_196 : memref<48x128xf32, #tpu.memory_space<vmem_shared>>)
      tpu.yield
    }) : () -> ()
    %eq3A = arith.constant 0 : i32
    %eq3A_119 = arith.cmpi eq, %arg1, %eq3A : i32
    %convert_element_type3A = arith.extui %eq3A_119 : i1 to i32
    %cond3A = arith.constant 0 : i32
    %cond3A_120 = arith.cmpi ne, %convert_element_type3A, %cond3A : i32
    scf.if %cond3A_120 {
      "tpu.region"() ({
        %run_scoped3A = tpu.sem_alloc : memref<!tpu.dma_semaphore, #tpu.memory_space<semaphore_mem>>
        %dma_start3A_180 = arith.constant 0 : i32
        %dma_start3A_181 = arith.constant 0 : i32
        %dma_start3A_182 = tpu.memref_slice %arg17[%dma_start3A_180, %dma_start3A_181] : memref<80x128xf32, #tpu.memory_space<vmem>> -> memref<16x128xf32, #tpu.memory_space<vmem>>
        %dma_start3A_183 = arith.constant 9984 : i32
        %dma_start3A_184 = arith.constant 0 : i32
        %dma_start3A_185 = tpu.memref_slice %arg7[%dma_start3A_183, %dma_start3A_184] : memref<10000x128xf32, #tpu.memory_space<vmem_shared>> -> memref<16x128xf32, #tpu.memory_space<vmem_shared>>
        %dma_start3A_186 = arith.constant 9984 : i32
        %dma_start3A_187 = arith.constant 0 : i32
        %dma_start3A_188 = tpu.memref_slice %arg7[%dma_start3A_186, %dma_start3A_187] : memref<10000x128xf32, #tpu.memory_space<vmem_shared>> -> memref<16x128xf32, #tpu.memory_space<vmem_shared>>
        %dma_start3A_189 = arith.constant 0 : i32
        %dma_start3A_190 = arith.constant 0 : i32
        %dma_start3A_191 = tpu.memref_slice %arg17[%dma_start3A_189, %dma_start3A_190] : memref<80x128xf32, #tpu.memory_space<vmem>> -> memref<16x128xf32, #tpu.memory_space<vmem>>
        tpu.enqueue_dma source(%dma_start3A_191 : memref<16x128xf32, #tpu.memory_space<vmem>>) target(%dma_start3A_188 : memref<16x128xf32, #tpu.memory_space<vmem_shared>>) target_semaphore(%run_scoped3A : memref<!tpu.dma_semaphore, #tpu.memory_space<semaphore_mem>>)
        %dma_wait3A_192 = arith.constant 0 : i32
        %dma_wait3A_193 = arith.constant 0 : i32
        %dma_wait3A_194 = tpu.memref_slice %arg17[%dma_wait3A_192, %dma_wait3A_193] : memref<80x128xf32, #tpu.memory_space<vmem>> -> memref<16x128xf32, #tpu.memory_space<vmem>>
        %dma_wait3A_195 = arith.constant 9984 : i32
        %dma_wait3A_196 = arith.constant 0 : i32
        %dma_wait3A_197 = tpu.memref_slice %arg7[%dma_wait3A_195, %dma_wait3A_196] : memref<10000x128xf32, #tpu.memory_space<vmem_shared>> -> memref<16x128xf32, #tpu.memory_space<vmem_shared>>
        %dma_wait3A_198 = arith.constant 9984 : i32
        %dma_wait3A_199 = arith.constant 0 : i32
        %dma_wait3A_200 = tpu.memref_slice %arg7[%dma_wait3A_198, %dma_wait3A_199] : memref<10000x128xf32, #tpu.memory_space<vmem_shared>> -> memref<16x128xf32, #tpu.memory_space<vmem_shared>>
        %dma_wait3A_201 = arith.constant 0 : i32
        %dma_wait3A_202 = arith.constant 0 : i32
        %dma_wait3A_203 = tpu.memref_slice %arg17[%dma_wait3A_201, %dma_wait3A_202] : memref<80x128xf32, #tpu.memory_space<vmem>> -> memref<16x128xf32, #tpu.memory_space<vmem>>
        tpu.wait_dma2 semaphore(%run_scoped3A : memref<!tpu.dma_semaphore, #tpu.memory_space<semaphore_mem>>) src(%dma_wait3A_203 : memref<16x128xf32, #tpu.memory_space<vmem>>) dst(%dma_wait3A_200 : memref<16x128xf32, #tpu.memory_space<vmem_shared>>)
        tpu.yield
      }) : () -> ()
    } else {
    }
    %mul3A_121 = arith.constant 624 : i32
    %mul3A_122 = arith.muli %arg1, %mul3A_121 : i32
    "tpu.region"() ({
      %run_scoped3A = tpu.sem_alloc : memref<!tpu.dma_semaphore, #tpu.memory_space<semaphore_mem>>
      %dma_start3A_180 = tpu.memref_slice %arg8[%mul3A_122] : memref<10000xf32, #tpu.memory_space<vmem_shared>> -> memref<624xf32, #tpu.memory_space<vmem_shared>>
      %dma_start3A_181 = tpu.memref_slice %arg8[%mul3A_122] : memref<10000xf32, #tpu.memory_space<vmem_shared>> -> memref<624xf32, #tpu.memory_space<vmem_shared>>
      tpu.enqueue_dma source(%arg20 : memref<624xf32, #tpu.memory_space<vmem>>) target(%dma_start3A_181 : memref<624xf32, #tpu.memory_space<vmem_shared>>) target_semaphore(%run_scoped3A : memref<!tpu.dma_semaphore, #tpu.memory_space<semaphore_mem>>)
      %dma_wait3A_182 = tpu.memref_slice %arg8[%mul3A_122] : memref<10000xf32, #tpu.memory_space<vmem_shared>> -> memref<624xf32, #tpu.memory_space<vmem_shared>>
      %dma_wait3A_183 = tpu.memref_slice %arg8[%mul3A_122] : memref<10000xf32, #tpu.memory_space<vmem_shared>> -> memref<624xf32, #tpu.memory_space<vmem_shared>>
      tpu.wait_dma2 semaphore(%run_scoped3A : memref<!tpu.dma_semaphore, #tpu.memory_space<semaphore_mem>>) src(%arg20 : memref<624xf32, #tpu.memory_space<vmem>>) dst(%dma_wait3A_183 : memref<624xf32, #tpu.memory_space<vmem_shared>>)
      tpu.yield
    }) : () -> ()
    %eq3A_123 = arith.constant 0 : i32
    %eq3A_124 = arith.cmpi eq, %arg1, %eq3A_123 : i32
    %convert_element_type3A_125 = arith.extui %eq3A_124 : i1 to i32
    %cond3A_126 = arith.constant 0 : i32
    %cond3A_127 = arith.cmpi ne, %convert_element_type3A_125, %cond3A_126 : i32
    scf.if %cond3A_127 {
      "tpu.region"() ({
        %run_scoped3A = tpu.sem_alloc : memref<!tpu.dma_semaphore, #tpu.memory_space<semaphore_mem>>
        %dma_start3A_180 = arith.constant 0 : i32
        %dma_start3A_181 = tpu.memref_slice %arg20[%dma_start3A_180] : memref<624xf32, #tpu.memory_space<vmem>> -> memref<16xf32, #tpu.memory_space<vmem>>
        %dma_start3A_182 = arith.constant 9984 : i32
        %dma_start3A_183 = tpu.memref_slice %arg8[%dma_start3A_182] : memref<10000xf32, #tpu.memory_space<vmem_shared>> -> memref<16xf32, #tpu.memory_space<vmem_shared>>
        %dma_start3A_184 = arith.constant 9984 : i32
        %dma_start3A_185 = tpu.memref_slice %arg8[%dma_start3A_184] : memref<10000xf32, #tpu.memory_space<vmem_shared>> -> memref<16xf32, #tpu.memory_space<vmem_shared>>
        %dma_start3A_186 = arith.constant 0 : i32
        %dma_start3A_187 = tpu.memref_slice %arg20[%dma_start3A_186] : memref<624xf32, #tpu.memory_space<vmem>> -> memref<16xf32, #tpu.memory_space<vmem>>
        tpu.enqueue_dma source(%dma_start3A_187 : memref<16xf32, #tpu.memory_space<vmem>>) target(%dma_start3A_185 : memref<16xf32, #tpu.memory_space<vmem_shared>>) target_semaphore(%run_scoped3A : memref<!tpu.dma_semaphore, #tpu.memory_space<semaphore_mem>>)
        %dma_wait3A_188 = arith.constant 0 : i32
        %dma_wait3A_189 = tpu.memref_slice %arg20[%dma_wait3A_188] : memref<624xf32, #tpu.memory_space<vmem>> -> memref<16xf32, #tpu.memory_space<vmem>>
        %dma_wait3A_190 = arith.constant 9984 : i32
        %dma_wait3A_191 = tpu.memref_slice %arg8[%dma_wait3A_190] : memref<10000xf32, #tpu.memory_space<vmem_shared>> -> memref<16xf32, #tpu.memory_space<vmem_shared>>
        %dma_wait3A_192 = arith.constant 9984 : i32
        %dma_wait3A_193 = tpu.memref_slice %arg8[%dma_wait3A_192] : memref<10000xf32, #tpu.memory_space<vmem_shared>> -> memref<16xf32, #tpu.memory_space<vmem_shared>>
        %dma_wait3A_194 = arith.constant 0 : i32
        %dma_wait3A_195 = tpu.memref_slice %arg20[%dma_wait3A_194] : memref<624xf32, #tpu.memory_space<vmem>> -> memref<16xf32, #tpu.memory_space<vmem>>
        tpu.wait_dma2 semaphore(%run_scoped3A : memref<!tpu.dma_semaphore, #tpu.memory_space<semaphore_mem>>) src(%dma_wait3A_195 : memref<16xf32, #tpu.memory_space<vmem>>) dst(%dma_wait3A_193 : memref<16xf32, #tpu.memory_space<vmem_shared>>)
        tpu.yield
      }) : () -> ()
    } else {
    }
    %dma_wait3A = arith.constant 0 : i32
    %dma_wait3A_128 = tpu.memref_slice %arg3[%dma_wait3A] : memref<320000xi32, #tpu.memory_space<hbm>> -> memref<80xi32, #tpu.memory_space<hbm>>
    %dma_wait3A_129 = arith.constant 0 : i32
    %dma_wait3A_130 = tpu.memref_slice %arg3[%dma_wait3A_129] : memref<320000xi32, #tpu.memory_space<hbm>> -> memref<80xi32, #tpu.memory_space<hbm>>
    tpu.wait_dma2 semaphore(%arg21 : memref<!tpu.dma_semaphore, #tpu.memory_space<semaphore_mem>>) src(%dma_wait3A_130 : memref<80xi32, #tpu.memory_space<hbm>>) dst(%arg9 : memref<80xi32, #tpu.memory_space<vmem>>)
    %dma_wait3A_131 = arith.constant 0 : i32
    %dma_wait3A_132 = tpu.memref_slice %arg4[%dma_wait3A_131] : memref<320000xi32, #tpu.memory_space<hbm>> -> memref<80xi32, #tpu.memory_space<hbm>>
    %dma_wait3A_133 = arith.constant 0 : i32
    %dma_wait3A_134 = tpu.memref_slice %arg4[%dma_wait3A_133] : memref<320000xi32, #tpu.memory_space<hbm>> -> memref<80xi32, #tpu.memory_space<hbm>>
    tpu.wait_dma2 semaphore(%arg21 : memref<!tpu.dma_semaphore, #tpu.memory_space<semaphore_mem>>) src(%dma_wait3A_134 : memref<80xi32, #tpu.memory_space<hbm>>) dst(%arg13 : memref<80xi32, #tpu.memory_space<vmem>>)
    %dma_start3A_135 = arith.constant 0 : i32
    %dma_start3A_136 = arith.constant 0 : i32
    %dma_start3A_137 = tpu.memref_slice %arg2[%dma_start3A_135, %dma_start3A_136] : memref<10000x128xf32, #tpu.memory_space<hbm>> -> memref<10000x128xf32, #tpu.memory_space<hbm>>
    tpu.enqueue_indirect_dma source(%dma_start3A_137 : memref<10000x128xf32, #tpu.memory_space<hbm>>) target(%arg17 : memref<80x128xf32, #tpu.memory_space<vmem>>) offsets(%arg9 : memref<80xi32, #tpu.memory_space<vmem>>) semaphore(%arg25 : memref<!tpu.dma_semaphore, #tpu.memory_space<semaphore_mem>>)
    %dma_wait3A_138 = arith.constant 0 : i32
    %dma_wait3A_139 = tpu.memref_slice %arg3[%dma_wait3A_138] : memref<320000xi32, #tpu.memory_space<hbm>> -> memref<80xi32, #tpu.memory_space<hbm>>
    %dma_wait3A_140 = arith.constant 0 : i32
    %dma_wait3A_141 = tpu.memref_slice %arg3[%dma_wait3A_140] : memref<320000xi32, #tpu.memory_space<hbm>> -> memref<80xi32, #tpu.memory_space<hbm>>
    tpu.wait_dma2 semaphore(%arg22 : memref<!tpu.dma_semaphore, #tpu.memory_space<semaphore_mem>>) src(%dma_wait3A_141 : memref<80xi32, #tpu.memory_space<hbm>>) dst(%arg10 : memref<80xi32, #tpu.memory_space<vmem>>)
    %dma_wait3A_142 = arith.constant 0 : i32
    %dma_wait3A_143 = tpu.memref_slice %arg4[%dma_wait3A_142] : memref<320000xi32, #tpu.memory_space<hbm>> -> memref<80xi32, #tpu.memory_space<hbm>>
    %dma_wait3A_144 = arith.constant 0 : i32
    %dma_wait3A_145 = tpu.memref_slice %arg4[%dma_wait3A_144] : memref<320000xi32, #tpu.memory_space<hbm>> -> memref<80xi32, #tpu.memory_space<hbm>>
    tpu.wait_dma2 semaphore(%arg22 : memref<!tpu.dma_semaphore, #tpu.memory_space<semaphore_mem>>) src(%dma_wait3A_145 : memref<80xi32, #tpu.memory_space<hbm>>) dst(%arg14 : memref<80xi32, #tpu.memory_space<vmem>>)
    %dma_start3A_146 = arith.constant 0 : i32
    %dma_start3A_147 = arith.constant 0 : i32
    %dma_start3A_148 = tpu.memref_slice %arg2[%dma_start3A_146, %dma_start3A_147] : memref<10000x128xf32, #tpu.memory_space<hbm>> -> memref<10000x128xf32, #tpu.memory_space<hbm>>
    tpu.enqueue_indirect_dma source(%dma_start3A_148 : memref<10000x128xf32, #tpu.memory_space<hbm>>) target(%arg18 : memref<80x128xf32, #tpu.memory_space<vmem>>) offsets(%arg10 : memref<80xi32, #tpu.memory_space<vmem>>) semaphore(%arg26 : memref<!tpu.dma_semaphore, #tpu.memory_space<semaphore_mem>>)
    %barrier3A = arith.constant 0 : index
    tpu.barrier barrier_id(%barrier3A)
    %scan3A_149 = arith.constant 0 : i32
    %scan3A_150 = arith.constant 0 : i32
    %scan3A_151 = arith.constant 31 : i32
    %scan3A_152 = arith.addi %scan3A_150, %scan3A_151 : i32
    %scan3A_153 = arith.constant 1 : i32
    scf.for %scan3A_180 = %scan3A_150 to %scan3A_152 step %scan3A_153  : i32 {
      %mul3A_181 = arith.constant 4 : i32
      %mul3A_182 = arith.muli %mul3A_181, %scan3A_180 : i32
      %add3A_183 = arith.constant 0 : i32
      %add3A_184 = arith.addi %mul3A_182, %add3A_183 : i32
      %dma_wait3A_185 = arith.constant 0 : i32
      %dma_wait3A_186 = arith.constant 0 : i32
      %dma_wait3A_187 = tpu.memref_slice %arg2[%dma_wait3A_185, %dma_wait3A_186] : memref<10000x128xf32, #tpu.memory_space<hbm>> -> memref<10000x128xf32, #tpu.memory_space<hbm>>
      tpu.wait_indirect_dma semaphore(%arg25 : memref<!tpu.dma_semaphore, #tpu.memory_space<semaphore_mem>>) src(%dma_wait3A_187 : memref<10000x128xf32, #tpu.memory_space<hbm>>) dst(%arg17 : memref<80x128xf32, #tpu.memory_space<vmem>>)
      "tpu.region"() ({
        %run_scoped3A = tpu.sem_alloc : memref<!tpu.dma_semaphore, #tpu.memory_space<semaphore_mem>>
        %dma_start3A_258 = arith.constant 0 : i32
        %dma_start3A_259 = arith.constant 0 : i32
        %dma_start3A_260 = tpu.memref_slice %arg7[%dma_start3A_258, %dma_start3A_259] : memref<10000x128xf32, #tpu.memory_space<vmem_shared>> -> memref<10000x128xf32, #tpu.memory_space<vmem_shared>>
        tpu.enqueue_indirect_dma source(%arg17 : memref<80x128xf32, #tpu.memory_space<vmem>>) target(%dma_start3A_260 : memref<10000x128xf32, #tpu.memory_space<vmem_shared>>) offsets(%arg13 : memref<80xi32, #tpu.memory_space<vmem>>) semaphore(%run_scoped3A : memref<!tpu.dma_semaphore, #tpu.memory_space<semaphore_mem>>) {add = true}
        %dma_wait3A_261 = arith.constant 0 : i32
        %dma_wait3A_262 = arith.constant 0 : i32
        %dma_wait3A_263 = tpu.memref_slice %arg7[%dma_wait3A_261, %dma_wait3A_262] : memref<10000x128xf32, #tpu.memory_space<vmem_shared>> -> memref<10000x128xf32, #tpu.memory_space<vmem_shared>>
        tpu.wait_indirect_dma semaphore(%run_scoped3A : memref<!tpu.dma_semaphore, #tpu.memory_space<semaphore_mem>>) src(%arg17 : memref<80x128xf32, #tpu.memory_space<vmem>>) dst(%dma_wait3A_263 : memref<10000x128xf32, #tpu.memory_space<vmem_shared>>)
        tpu.yield
      }) : () -> ()
      "tpu.region"() ({
        %run_scoped3A = tpu.sem_alloc : memref<!tpu.dma_semaphore, #tpu.memory_space<semaphore_mem>>
        %dma_start3A_258 = arith.constant 0 : i32
        %dma_start3A_259 = tpu.memref_slice %arg19[%dma_start3A_258] : memref<112xf32, #tpu.memory_space<vmem>> -> memref<80xf32, #tpu.memory_space<vmem>>
        %dma_start3A_260 = arith.constant 0 : i32
        %dma_start3A_261 = tpu.memref_slice %arg8[%dma_start3A_260] : memref<10000xf32, #tpu.memory_space<vmem_shared>> -> memref<10000xf32, #tpu.memory_space<vmem_shared>>
        tpu.enqueue_indirect_dma source(%dma_start3A_259 : memref<80xf32, #tpu.memory_space<vmem>>) target(%dma_start3A_261 : memref<10000xf32, #tpu.memory_space<vmem_shared>>) offsets(%arg13 : memref<80xi32, #tpu.memory_space<vmem>>) semaphore(%run_scoped3A : memref<!tpu.dma_semaphore, #tpu.memory_space<semaphore_mem>>) {add = true}
        %dma_wait3A_262 = arith.constant 0 : i32
        %dma_wait3A_263 = tpu.memref_slice %arg19[%dma_wait3A_262] : memref<112xf32, #tpu.memory_space<vmem>> -> memref<80xf32, #tpu.memory_space<vmem>>
        %dma_wait3A_264 = arith.constant 0 : i32
        %dma_wait3A_265 = tpu.memref_slice %arg8[%dma_wait3A_264] : memref<10000xf32, #tpu.memory_space<vmem_shared>> -> memref<10000xf32, #tpu.memory_space<vmem_shared>>
        tpu.wait_indirect_dma semaphore(%run_scoped3A : memref<!tpu.dma_semaphore, #tpu.memory_space<semaphore_mem>>) src(%dma_wait3A_263 : memref<80xf32, #tpu.memory_space<vmem>>) dst(%dma_wait3A_265 : memref<10000xf32, #tpu.memory_space<vmem_shared>>)
        tpu.yield
      }) : () -> ()
      %add3A_188 = arith.constant 2 : i32
      %add3A_189 = arith.addi %add3A_184, %add3A_188 : i32
      %lt3A = arith.constant 125 : i32
      %lt3A_190 = arith.cmpi slt, %add3A_189, %lt3A : i32
      %convert_element_type3A_191 = arith.extui %lt3A_190 : i1 to i32
      %cond3A_192 = arith.constant 0 : i32
      %cond3A_193 = arith.cmpi ne, %convert_element_type3A_191, %cond3A_192 : i32
      scf.if %cond3A_193 {
        %dma_wait3A_258 = arith.constant 0 : i32
        %dma_wait3A_259 = tpu.memref_slice %arg3[%dma_wait3A_258] : memref<320000xi32, #tpu.memory_space<hbm>> -> memref<80xi32, #tpu.memory_space<hbm>>
        %dma_wait3A_260 = arith.constant 0 : i32
        %dma_wait3A_261 = tpu.memref_slice %arg3[%dma_wait3A_260] : memref<320000xi32, #tpu.memory_space<hbm>> -> memref<80xi32, #tpu.memory_space<hbm>>
        tpu.wait_dma2 semaphore(%arg23 : memref<!tpu.dma_semaphore, #tpu.memory_space<semaphore_mem>>) src(%dma_wait3A_261 : memref<80xi32, #tpu.memory_space<hbm>>) dst(%arg11 : memref<80xi32, #tpu.memory_space<vmem>>)
        %dma_wait3A_262 = arith.constant 0 : i32
        %dma_wait3A_263 = tpu.memref_slice %arg4[%dma_wait3A_262] : memref<320000xi32, #tpu.memory_space<hbm>> -> memref<80xi32, #tpu.memory_space<hbm>>
        %dma_wait3A_264 = arith.constant 0 : i32
        %dma_wait3A_265 = tpu.memref_slice %arg4[%dma_wait3A_264] : memref<320000xi32, #tpu.memory_space<hbm>> -> memref<80xi32, #tpu.memory_space<hbm>>
        tpu.wait_dma2 semaphore(%arg23 : memref<!tpu.dma_semaphore, #tpu.memory_space<semaphore_mem>>) src(%dma_wait3A_265 : memref<80xi32, #tpu.memory_space<hbm>>) dst(%arg15 : memref<80xi32, #tpu.memory_space<vmem>>)
        %dma_start3A_266 = arith.constant 0 : i32
        %dma_start3A_267 = arith.constant 0 : i32
        %dma_start3A_268 = tpu.memref_slice %arg2[%dma_start3A_266, %dma_start3A_267] : memref<10000x128xf32, #tpu.memory_space<hbm>> -> memref<10000x128xf32, #tpu.memory_space<hbm>>
        tpu.enqueue_indirect_dma source(%dma_start3A_268 : memref<10000x128xf32, #tpu.memory_space<hbm>>) target(%arg17 : memref<80x128xf32, #tpu.memory_space<vmem>>) offsets(%arg11 : memref<80xi32, #tpu.memory_space<vmem>>) semaphore(%arg25 : memref<!tpu.dma_semaphore, #tpu.memory_space<semaphore_mem>>)
      } else {
      }
      %add3A_194 = arith.constant 4 : i32
      %add3A_195 = arith.addi %add3A_184, %add3A_194 : i32
      %lt3A_196 = arith.constant 125 : i32
      %lt3A_197 = arith.cmpi slt, %add3A_195, %lt3A_196 : i32
      %convert_element_type3A_198 = arith.extui %lt3A_197 : i1 to i32
      %cond3A_199 = arith.constant 0 : i32
      %cond3A_200 = arith.cmpi ne, %convert_element_type3A_198, %cond3A_199 : i32
      scf.if %cond3A_200 {
        %add3A_258 = arith.constant 4 : i32
        %add3A_259 = arith.addi %add3A_184, %add3A_258 : i32
        %mul3A_260 = arith.constant 80 : i32
        %mul3A_261 = arith.muli %add3A_259, %mul3A_260 : i32
        %add3A_262 = arith.addi %mul3A_2, %mul3A_261 : i32
        %dma_start3A_263 = tpu.memref_slice %arg3[%add3A_262] : memref<320000xi32, #tpu.memory_space<hbm>> -> memref<80xi32, #tpu.memory_space<hbm>>
        %dma_start3A_264 = tpu.memref_slice %arg3[%add3A_262] : memref<320000xi32, #tpu.memory_space<hbm>> -> memref<80xi32, #tpu.memory_space<hbm>>
        tpu.enqueue_dma source(%dma_start3A_264 : memref<80xi32, #tpu.memory_space<hbm>>) target(%arg9 : memref<80xi32, #tpu.memory_space<vmem>>) target_semaphore(%arg21 : memref<!tpu.dma_semaphore, #tpu.memory_space<semaphore_mem>>)
        %dma_start3A_265 = tpu.memref_slice %arg4[%add3A_262] : memref<320000xi32, #tpu.memory_space<hbm>> -> memref<80xi32, #tpu.memory_space<hbm>>
        %dma_start3A_266 = tpu.memref_slice %arg4[%add3A_262] : memref<320000xi32, #tpu.memory_space<hbm>> -> memref<80xi32, #tpu.memory_space<hbm>>
        tpu.enqueue_dma source(%dma_start3A_266 : memref<80xi32, #tpu.memory_space<hbm>>) target(%arg13 : memref<80xi32, #tpu.memory_space<vmem>>) target_semaphore(%arg21 : memref<!tpu.dma_semaphore, #tpu.memory_space<semaphore_mem>>)
      } else {
      }
      %add3A_201 = arith.constant 1 : i32
      %add3A_202 = arith.addi %mul3A_182, %add3A_201 : i32
      %dma_wait3A_203 = arith.constant 0 : i32
      %dma_wait3A_204 = arith.constant 0 : i32
      %dma_wait3A_205 = tpu.memref_slice %arg2[%dma_wait3A_203, %dma_wait3A_204] : memref<10000x128xf32, #tpu.memory_space<hbm>> -> memref<10000x128xf32, #tpu.memory_space<hbm>>
      tpu.wait_indirect_dma semaphore(%arg26 : memref<!tpu.dma_semaphore, #tpu.memory_space<semaphore_mem>>) src(%dma_wait3A_205 : memref<10000x128xf32, #tpu.memory_space<hbm>>) dst(%arg18 : memref<80x128xf32, #tpu.memory_space<vmem>>)
      "tpu.region"() ({
        %run_scoped3A = tpu.sem_alloc : memref<!tpu.dma_semaphore, #tpu.memory_space<semaphore_mem>>
        %dma_start3A_258 = arith.constant 0 : i32
        %dma_start3A_259 = arith.constant 0 : i32
        %dma_start3A_260 = tpu.memref_slice %arg7[%dma_start3A_258, %dma_start3A_259] : memref<10000x128xf32, #tpu.memory_space<vmem_shared>> -> memref<10000x128xf32, #tpu.memory_space<vmem_shared>>
        tpu.enqueue_indirect_dma source(%arg18 : memref<80x128xf32, #tpu.memory_space<vmem>>) target(%dma_start3A_260 : memref<10000x128xf32, #tpu.memory_space<vmem_shared>>) offsets(%arg14 : memref<80xi32, #tpu.memory_space<vmem>>) semaphore(%run_scoped3A : memref<!tpu.dma_semaphore, #tpu.memory_space<semaphore_mem>>) {add = true}
        %dma_wait3A_261 = arith.constant 0 : i32
        %dma_wait3A_262 = arith.constant 0 : i32
        %dma_wait3A_263 = tpu.memref_slice %arg7[%dma_wait3A_261, %dma_wait3A_262] : memref<10000x128xf32, #tpu.memory_space<vmem_shared>> -> memref<10000x128xf32, #tpu.memory_space<vmem_shared>>
        tpu.wait_indirect_dma semaphore(%run_scoped3A : memref<!tpu.dma_semaphore, #tpu.memory_space<semaphore_mem>>) src(%arg18 : memref<80x128xf32, #tpu.memory_space<vmem>>) dst(%dma_wait3A_263 : memref<10000x128xf32, #tpu.memory_space<vmem_shared>>)
        tpu.yield
      }) : () -> ()
      "tpu.region"() ({
        %run_scoped3A = tpu.sem_alloc : memref<!tpu.dma_semaphore, #tpu.memory_space<semaphore_mem>>
        %dma_start3A_258 = arith.constant 0 : i32
        %dma_start3A_259 = tpu.memref_slice %arg19[%dma_start3A_258] : memref<112xf32, #tpu.memory_space<vmem>> -> memref<80xf32, #tpu.memory_space<vmem>>
        %dma_start3A_260 = arith.constant 0 : i32
        %dma_start3A_261 = tpu.memref_slice %arg8[%dma_start3A_260] : memref<10000xf32, #tpu.memory_space<vmem_shared>> -> memref<10000xf32, #tpu.memory_space<vmem_shared>>
        tpu.enqueue_indirect_dma source(%dma_start3A_259 : memref<80xf32, #tpu.memory_space<vmem>>) target(%dma_start3A_261 : memref<10000xf32, #tpu.memory_space<vmem_shared>>) offsets(%arg14 : memref<80xi32, #tpu.memory_space<vmem>>) semaphore(%run_scoped3A : memref<!tpu.dma_semaphore, #tpu.memory_space<semaphore_mem>>) {add = true}
        %dma_wait3A_262 = arith.constant 0 : i32
        %dma_wait3A_263 = tpu.memref_slice %arg19[%dma_wait3A_262] : memref<112xf32, #tpu.memory_space<vmem>> -> memref<80xf32, #tpu.memory_space<vmem>>
        %dma_wait3A_264 = arith.constant 0 : i32
        %dma_wait3A_265 = tpu.memref_slice %arg8[%dma_wait3A_264] : memref<10000xf32, #tpu.memory_space<vmem_shared>> -> memref<10000xf32, #tpu.memory_space<vmem_shared>>
        tpu.wait_indirect_dma semaphore(%run_scoped3A : memref<!tpu.dma_semaphore, #tpu.memory_space<semaphore_mem>>) src(%dma_wait3A_263 : memref<80xf32, #tpu.memory_space<vmem>>) dst(%dma_wait3A_265 : memref<10000xf32, #tpu.memory_space<vmem_shared>>)
        tpu.yield
      }) : () -> ()
      %add3A_206 = arith.constant 2 : i32
      %add3A_207 = arith.addi %add3A_202, %add3A_206 : i32
      %lt3A_208 = arith.constant 125 : i32
      %lt3A_209 = arith.cmpi slt, %add3A_207, %lt3A_208 : i32
      %convert_element_type3A_210 = arith.extui %lt3A_209 : i1 to i32
      %cond3A_211 = arith.constant 0 : i32
      %cond3A_212 = arith.cmpi ne, %convert_element_type3A_210, %cond3A_211 : i32
      scf.if %cond3A_212 {
        %dma_wait3A_258 = arith.constant 0 : i32
        %dma_wait3A_259 = tpu.memref_slice %arg3[%dma_wait3A_258] : memref<320000xi32, #tpu.memory_space<hbm>> -> memref<80xi32, #tpu.memory_space<hbm>>
        %dma_wait3A_260 = arith.constant 0 : i32
        %dma_wait3A_261 = tpu.memref_slice %arg3[%dma_wait3A_260] : memref<320000xi32, #tpu.memory_space<hbm>> -> memref<80xi32, #tpu.memory_space<hbm>>
        tpu.wait_dma2 semaphore(%arg24 : memref<!tpu.dma_semaphore, #tpu.memory_space<semaphore_mem>>) src(%dma_wait3A_261 : memref<80xi32, #tpu.memory_space<hbm>>) dst(%arg12 : memref<80xi32, #tpu.memory_space<vmem>>)
        %dma_wait3A_262 = arith.constant 0 : i32
        %dma_wait3A_263 = tpu.memref_slice %arg4[%dma_wait3A_262] : memref<320000xi32, #tpu.memory_space<hbm>> -> memref<80xi32, #tpu.memory_space<hbm>>
        %dma_wait3A_264 = arith.constant 0 : i32
        %dma_wait3A_265 = tpu.memref_slice %arg4[%dma_wait3A_264] : memref<320000xi32, #tpu.memory_space<hbm>> -> memref<80xi32, #tpu.memory_space<hbm>>
        tpu.wait_dma2 semaphore(%arg24 : memref<!tpu.dma_semaphore, #tpu.memory_space<semaphore_mem>>) src(%dma_wait3A_265 : memref<80xi32, #tpu.memory_space<hbm>>) dst(%arg16 : memref<80xi32, #tpu.memory_space<vmem>>)
        %dma_start3A_266 = arith.constant 0 : i32
        %dma_start3A_267 = arith.constant 0 : i32
        %dma_start3A_268 = tpu.memref_slice %arg2[%dma_start3A_266, %dma_start3A_267] : memref<10000x128xf32, #tpu.memory_space<hbm>> -> memref<10000x128xf32, #tpu.memory_space<hbm>>
        tpu.enqueue_indirect_dma source(%dma_start3A_268 : memref<10000x128xf32, #tpu.memory_space<hbm>>) target(%arg18 : memref<80x128xf32, #tpu.memory_space<vmem>>) offsets(%arg12 : memref<80xi32, #tpu.memory_space<vmem>>) semaphore(%arg26 : memref<!tpu.dma_semaphore, #tpu.memory_space<semaphore_mem>>)
      } else {
      }
      %add3A_213 = arith.constant 4 : i32
      %add3A_214 = arith.addi %add3A_202, %add3A_213 : i32
      %lt3A_215 = arith.constant 125 : i32
      %lt3A_216 = arith.cmpi slt, %add3A_214, %lt3A_215 : i32
      %convert_element_type3A_217 = arith.extui %lt3A_216 : i1 to i32
      %cond3A_218 = arith.constant 0 : i32
      %cond3A_219 = arith.cmpi ne, %convert_element_type3A_217, %cond3A_218 : i32
      scf.if %cond3A_219 {
        %add3A_258 = arith.constant 4 : i32
        %add3A_259 = arith.addi %add3A_202, %add3A_258 : i32
        %mul3A_260 = arith.constant 80 : i32
        %mul3A_261 = arith.muli %add3A_259, %mul3A_260 : i32
        %add3A_262 = arith.addi %mul3A_2, %mul3A_261 : i32
        %dma_start3A_263 = tpu.memref_slice %arg3[%add3A_262] : memref<320000xi32, #tpu.memory_space<hbm>> -> memref<80xi32, #tpu.memory_space<hbm>>
        %dma_start3A_264 = tpu.memref_slice %arg3[%add3A_262] : memref<320000xi32, #tpu.memory_space<hbm>> -> memref<80xi32, #tpu.memory_space<hbm>>
        tpu.enqueue_dma source(%dma_start3A_264 : memref<80xi32, #tpu.memory_space<hbm>>) target(%arg10 : memref<80xi32, #tpu.memory_space<vmem>>) target_semaphore(%arg22 : memref<!tpu.dma_semaphore, #tpu.memory_space<semaphore_mem>>)
        %dma_start3A_265 = tpu.memref_slice %arg4[%add3A_262] : memref<320000xi32, #tpu.memory_space<hbm>> -> memref<80xi32, #tpu.memory_space<hbm>>
        %dma_start3A_266 = tpu.memref_slice %arg4[%add3A_262] : memref<320000xi32, #tpu.memory_space<hbm>> -> memref<80xi32, #tpu.memory_space<hbm>>
        tpu.enqueue_dma source(%dma_start3A_266 : memref<80xi32, #tpu.memory_space<hbm>>) target(%arg14 : memref<80xi32, #tpu.memory_space<vmem>>) target_semaphore(%arg22 : memref<!tpu.dma_semaphore, #tpu.memory_space<semaphore_mem>>)
      } else {
      }
      %add3A_220 = arith.constant 2 : i32
      %add3A_221 = arith.addi %mul3A_182, %add3A_220 : i32
      %dma_wait3A_222 = arith.constant 0 : i32
      %dma_wait3A_223 = arith.constant 0 : i32
      %dma_wait3A_224 = tpu.memref_slice %arg2[%dma_wait3A_222, %dma_wait3A_223] : memref<10000x128xf32, #tpu.memory_space<hbm>> -> memref<10000x128xf32, #tpu.memory_space<hbm>>
      tpu.wait_indirect_dma semaphore(%arg25 : memref<!tpu.dma_semaphore, #tpu.memory_space<semaphore_mem>>) src(%dma_wait3A_224 : memref<10000x128xf32, #tpu.memory_space<hbm>>) dst(%arg17 : memref<80x128xf32, #tpu.memory_space<vmem>>)
      "tpu.region"() ({
        %run_scoped3A = tpu.sem_alloc : memref<!tpu.dma_semaphore, #tpu.memory_space<semaphore_mem>>
        %dma_start3A_258 = arith.constant 0 : i32
        %dma_start3A_259 = arith.constant 0 : i32
        %dma_start3A_260 = tpu.memref_slice %arg7[%dma_start3A_258, %dma_start3A_259] : memref<10000x128xf32, #tpu.memory_space<vmem_shared>> -> memref<10000x128xf32, #tpu.memory_space<vmem_shared>>
        tpu.enqueue_indirect_dma source(%arg17 : memref<80x128xf32, #tpu.memory_space<vmem>>) target(%dma_start3A_260 : memref<10000x128xf32, #tpu.memory_space<vmem_shared>>) offsets(%arg15 : memref<80xi32, #tpu.memory_space<vmem>>) semaphore(%run_scoped3A : memref<!tpu.dma_semaphore, #tpu.memory_space<semaphore_mem>>) {add = true}
        %dma_wait3A_261 = arith.constant 0 : i32
        %dma_wait3A_262 = arith.constant 0 : i32
        %dma_wait3A_263 = tpu.memref_slice %arg7[%dma_wait3A_261, %dma_wait3A_262] : memref<10000x128xf32, #tpu.memory_space<vmem_shared>> -> memref<10000x128xf32, #tpu.memory_space<vmem_shared>>
        tpu.wait_indirect_dma semaphore(%run_scoped3A : memref<!tpu.dma_semaphore, #tpu.memory_space<semaphore_mem>>) src(%arg17 : memref<80x128xf32, #tpu.memory_space<vmem>>) dst(%dma_wait3A_263 : memref<10000x128xf32, #tpu.memory_space<vmem_shared>>)
        tpu.yield
      }) : () -> ()
      "tpu.region"() ({
        %run_scoped3A = tpu.sem_alloc : memref<!tpu.dma_semaphore, #tpu.memory_space<semaphore_mem>>
        %dma_start3A_258 = arith.constant 0 : i32
        %dma_start3A_259 = tpu.memref_slice %arg19[%dma_start3A_258] : memref<112xf32, #tpu.memory_space<vmem>> -> memref<80xf32, #tpu.memory_space<vmem>>
        %dma_start3A_260 = arith.constant 0 : i32
        %dma_start3A_261 = tpu.memref_slice %arg8[%dma_start3A_260] : memref<10000xf32, #tpu.memory_space<vmem_shared>> -> memref<10000xf32, #tpu.memory_space<vmem_shared>>
        tpu.enqueue_indirect_dma source(%dma_start3A_259 : memref<80xf32, #tpu.memory_space<vmem>>) target(%dma_start3A_261 : memref<10000xf32, #tpu.memory_space<vmem_shared>>) offsets(%arg15 : memref<80xi32, #tpu.memory_space<vmem>>) semaphore(%run_scoped3A : memref<!tpu.dma_semaphore, #tpu.memory_space<semaphore_mem>>) {add = true}
        %dma_wait3A_262 = arith.constant 0 : i32
        %dma_wait3A_263 = tpu.memref_slice %arg19[%dma_wait3A_262] : memref<112xf32, #tpu.memory_space<vmem>> -> memref<80xf32, #tpu.memory_space<vmem>>
        %dma_wait3A_264 = arith.constant 0 : i32
        %dma_wait3A_265 = tpu.memref_slice %arg8[%dma_wait3A_264] : memref<10000xf32, #tpu.memory_space<vmem_shared>> -> memref<10000xf32, #tpu.memory_space<vmem_shared>>
        tpu.wait_indirect_dma semaphore(%run_scoped3A : memref<!tpu.dma_semaphore, #tpu.memory_space<semaphore_mem>>) src(%dma_wait3A_263 : memref<80xf32, #tpu.memory_space<vmem>>) dst(%dma_wait3A_265 : memref<10000xf32, #tpu.memory_space<vmem_shared>>)
        tpu.yield
      }) : () -> ()
      %add3A_225 = arith.constant 2 : i32
      %add3A_226 = arith.addi %add3A_221, %add3A_225 : i32
      %lt3A_227 = arith.constant 125 : i32
      %lt3A_228 = arith.cmpi slt, %add3A_226, %lt3A_227 : i32
      %convert_element_type3A_229 = arith.extui %lt3A_228 : i1 to i32
      %cond3A_230 = arith.constant 0 : i32
      %cond3A_231 = arith.cmpi ne, %convert_element_type3A_229, %cond3A_230 : i32
      scf.if %cond3A_231 {
        %dma_wait3A_258 = arith.constant 0 : i32
        %dma_wait3A_259 = tpu.memref_slice %arg3[%dma_wait3A_258] : memref<320000xi32, #tpu.memory_space<hbm>> -> memref<80xi32, #tpu.memory_space<hbm>>
        %dma_wait3A_260 = arith.constant 0 : i32
        %dma_wait3A_261 = tpu.memref_slice %arg3[%dma_wait3A_260] : memref<320000xi32, #tpu.memory_space<hbm>> -> memref<80xi32, #tpu.memory_space<hbm>>
        tpu.wait_dma2 semaphore(%arg21 : memref<!tpu.dma_semaphore, #tpu.memory_space<semaphore_mem>>) src(%dma_wait3A_261 : memref<80xi32, #tpu.memory_space<hbm>>) dst(%arg9 : memref<80xi32, #tpu.memory_space<vmem>>)
        %dma_wait3A_262 = arith.constant 0 : i32
        %dma_wait3A_263 = tpu.memref_slice %arg4[%dma_wait3A_262] : memref<320000xi32, #tpu.memory_space<hbm>> -> memref<80xi32, #tpu.memory_space<hbm>>
        %dma_wait3A_264 = arith.constant 0 : i32
        %dma_wait3A_265 = tpu.memref_slice %arg4[%dma_wait3A_264] : memref<320000xi32, #tpu.memory_space<hbm>> -> memref<80xi32, #tpu.memory_space<hbm>>
        tpu.wait_dma2 semaphore(%arg21 : memref<!tpu.dma_semaphore, #tpu.memory_space<semaphore_mem>>) src(%dma_wait3A_265 : memref<80xi32, #tpu.memory_space<hbm>>) dst(%arg13 : memref<80xi32, #tpu.memory_space<vmem>>)
        %dma_start3A_266 = arith.constant 0 : i32
        %dma_start3A_267 = arith.constant 0 : i32
        %dma_start3A_268 = tpu.memref_slice %arg2[%dma_start3A_266, %dma_start3A_267] : memref<10000x128xf32, #tpu.memory_space<hbm>> -> memref<10000x128xf32, #tpu.memory_space<hbm>>
        tpu.enqueue_indirect_dma source(%dma_start3A_268 : memref<10000x128xf32, #tpu.memory_space<hbm>>) target(%arg17 : memref<80x128xf32, #tpu.memory_space<vmem>>) offsets(%arg9 : memref<80xi32, #tpu.memory_space<vmem>>) semaphore(%arg25 : memref<!tpu.dma_semaphore, #tpu.memory_space<semaphore_mem>>)
      } else {
      }
      %add3A_232 = arith.constant 4 : i32
      %add3A_233 = arith.addi %add3A_221, %add3A_232 : i32
      %lt3A_234 = arith.constant 125 : i32
      %lt3A_235 = arith.cmpi slt, %add3A_233, %lt3A_234 : i32
      %convert_element_type3A_236 = arith.extui %lt3A_235 : i1 to i32
      %cond3A_237 = arith.constant 0 : i32
      %cond3A_238 = arith.cmpi ne, %convert_element_type3A_236, %cond3A_237 : i32
      scf.if %cond3A_238 {
        %add3A_258 = arith.constant 4 : i32
        %add3A_259 = arith.addi %add3A_221, %add3A_258 : i32
        %mul3A_260 = arith.constant 80 : i32
        %mul3A_261 = arith.muli %add3A_259, %mul3A_260 : i32
        %add3A_262 = arith.addi %mul3A_2, %mul3A_261 : i32
        %dma_start3A_263 = tpu.memref_slice %arg3[%add3A_262] : memref<320000xi32, #tpu.memory_space<hbm>> -> memref<80xi32, #tpu.memory_space<hbm>>
        %dma_start3A_264 = tpu.memref_slice %arg3[%add3A_262] : memref<320000xi32, #tpu.memory_space<hbm>> -> memref<80xi32, #tpu.memory_space<hbm>>
        tpu.enqueue_dma source(%dma_start3A_264 : memref<80xi32, #tpu.memory_space<hbm>>) target(%arg11 : memref<80xi32, #tpu.memory_space<vmem>>) target_semaphore(%arg23 : memref<!tpu.dma_semaphore, #tpu.memory_space<semaphore_mem>>)
        %dma_start3A_265 = tpu.memref_slice %arg4[%add3A_262] : memref<320000xi32, #tpu.memory_space<hbm>> -> memref<80xi32, #tpu.memory_space<hbm>>
        %dma_start3A_266 = tpu.memref_slice %arg4[%add3A_262] : memref<320000xi32, #tpu.memory_space<hbm>> -> memref<80xi32, #tpu.memory_space<hbm>>
        tpu.enqueue_dma source(%dma_start3A_266 : memref<80xi32, #tpu.memory_space<hbm>>) target(%arg15 : memref<80xi32, #tpu.memory_space<vmem>>) target_semaphore(%arg23 : memref<!tpu.dma_semaphore, #tpu.memory_space<semaphore_mem>>)
      } else {
      }
      %add3A_239 = arith.constant 3 : i32
      %add3A_240 = arith.addi %mul3A_182, %add3A_239 : i32
      %dma_wait3A_241 = arith.constant 0 : i32
      %dma_wait3A_242 = arith.constant 0 : i32
      %dma_wait3A_243 = tpu.memref_slice %arg2[%dma_wait3A_241, %dma_wait3A_242] : memref<10000x128xf32, #tpu.memory_space<hbm>> -> memref<10000x128xf32, #tpu.memory_space<hbm>>
      tpu.wait_indirect_dma semaphore(%arg26 : memref<!tpu.dma_semaphore, #tpu.memory_space<semaphore_mem>>) src(%dma_wait3A_243 : memref<10000x128xf32, #tpu.memory_space<hbm>>) dst(%arg18 : memref<80x128xf32, #tpu.memory_space<vmem>>)
      "tpu.region"() ({
        %run_scoped3A = tpu.sem_alloc : memref<!tpu.dma_semaphore, #tpu.memory_space<semaphore_mem>>
        %dma_start3A_258 = arith.constant 0 : i32
        %dma_start3A_259 = arith.constant 0 : i32
        %dma_start3A_260 = tpu.memref_slice %arg7[%dma_start3A_258, %dma_start3A_259] : memref<10000x128xf32, #tpu.memory_space<vmem_shared>> -> memref<10000x128xf32, #tpu.memory_space<vmem_shared>>
        tpu.enqueue_indirect_dma source(%arg18 : memref<80x128xf32, #tpu.memory_space<vmem>>) target(%dma_start3A_260 : memref<10000x128xf32, #tpu.memory_space<vmem_shared>>) offsets(%arg16 : memref<80xi32, #tpu.memory_space<vmem>>) semaphore(%run_scoped3A : memref<!tpu.dma_semaphore, #tpu.memory_space<semaphore_mem>>) {add = true}
        %dma_wait3A_261 = arith.constant 0 : i32
        %dma_wait3A_262 = arith.constant 0 : i32
        %dma_wait3A_263 = tpu.memref_slice %arg7[%dma_wait3A_261, %dma_wait3A_262] : memref<10000x128xf32, #tpu.memory_space<vmem_shared>> -> memref<10000x128xf32, #tpu.memory_space<vmem_shared>>
        tpu.wait_indirect_dma semaphore(%run_scoped3A : memref<!tpu.dma_semaphore, #tpu.memory_space<semaphore_mem>>) src(%arg18 : memref<80x128xf32, #tpu.memory_space<vmem>>) dst(%dma_wait3A_263 : memref<10000x128xf32, #tpu.memory_space<vmem_shared>>)
        tpu.yield
      }) : () -> ()
      "tpu.region"() ({
        %run_scoped3A = tpu.sem_alloc : memref<!tpu.dma_semaphore, #tpu.memory_space<semaphore_mem>>
        %dma_start3A_258 = arith.constant 0 : i32
        %dma_start3A_259 = tpu.memref_slice %arg19[%dma_start3A_258] : memref<112xf32, #tpu.memory_space<vmem>> -> memref<80xf32, #tpu.memory_space<vmem>>
        %dma_start3A_260 = arith.constant 0 : i32
        %dma_start3A_261 = tpu.memref_slice %arg8[%dma_start3A_260] : memref<10000xf32, #tpu.memory_space<vmem_shared>> -> memref<10000xf32, #tpu.memory_space<vmem_shared>>
        tpu.enqueue_indirect_dma source(%dma_start3A_259 : memref<80xf32, #tpu.memory_space<vmem>>) target(%dma_start3A_261 : memref<10000xf32, #tpu.memory_space<vmem_shared>>) offsets(%arg16 : memref<80xi32, #tpu.memory_space<vmem>>) semaphore(%run_scoped3A : memref<!tpu.dma_semaphore, #tpu.memory_space<semaphore_mem>>) {add = true}
        %dma_wait3A_262 = arith.constant 0 : i32
        %dma_wait3A_263 = tpu.memref_slice %arg19[%dma_wait3A_262] : memref<112xf32, #tpu.memory_space<vmem>> -> memref<80xf32, #tpu.memory_space<vmem>>
        %dma_wait3A_264 = arith.constant 0 : i32
        %dma_wait3A_265 = tpu.memref_slice %arg8[%dma_wait3A_264] : memref<10000xf32, #tpu.memory_space<vmem_shared>> -> memref<10000xf32, #tpu.memory_space<vmem_shared>>
        tpu.wait_indirect_dma semaphore(%run_scoped3A : memref<!tpu.dma_semaphore, #tpu.memory_space<semaphore_mem>>) src(%dma_wait3A_263 : memref<80xf32, #tpu.memory_space<vmem>>) dst(%dma_wait3A_265 : memref<10000xf32, #tpu.memory_space<vmem_shared>>)
        tpu.yield
      }) : () -> ()
      %add3A_244 = arith.constant 2 : i32
      %add3A_245 = arith.addi %add3A_240, %add3A_244 : i32
      %lt3A_246 = arith.constant 125 : i32
      %lt3A_247 = arith.cmpi slt, %add3A_245, %lt3A_246 : i32
      %convert_element_type3A_248 = arith.extui %lt3A_247 : i1 to i32
      %cond3A_249 = arith.constant 0 : i32
      %cond3A_250 = arith.cmpi ne, %convert_element_type3A_248, %cond3A_249 : i32
      scf.if %cond3A_250 {
        %dma_wait3A_258 = arith.constant 0 : i32
        %dma_wait3A_259 = tpu.memref_slice %arg3[%dma_wait3A_258] : memref<320000xi32, #tpu.memory_space<hbm>> -> memref<80xi32, #tpu.memory_space<hbm>>
        %dma_wait3A_260 = arith.constant 0 : i32
        %dma_wait3A_261 = tpu.memref_slice %arg3[%dma_wait3A_260] : memref<320000xi32, #tpu.memory_space<hbm>> -> memref<80xi32, #tpu.memory_space<hbm>>
        tpu.wait_dma2 semaphore(%arg22 : memref<!tpu.dma_semaphore, #tpu.memory_space<semaphore_mem>>) src(%dma_wait3A_261 : memref<80xi32, #tpu.memory_space<hbm>>) dst(%arg10 : memref<80xi32, #tpu.memory_space<vmem>>)
        %dma_wait3A_262 = arith.constant 0 : i32
        %dma_wait3A_263 = tpu.memref_slice %arg4[%dma_wait3A_262] : memref<320000xi32, #tpu.memory_space<hbm>> -> memref<80xi32, #tpu.memory_space<hbm>>
        %dma_wait3A_264 = arith.constant 0 : i32
        %dma_wait3A_265 = tpu.memref_slice %arg4[%dma_wait3A_264] : memref<320000xi32, #tpu.memory_space<hbm>> -> memref<80xi32, #tpu.memory_space<hbm>>
        tpu.wait_dma2 semaphore(%arg22 : memref<!tpu.dma_semaphore, #tpu.memory_space<semaphore_mem>>) src(%dma_wait3A_265 : memref<80xi32, #tpu.memory_space<hbm>>) dst(%arg14 : memref<80xi32, #tpu.memory_space<vmem>>)
        %dma_start3A_266 = arith.constant 0 : i32
        %dma_start3A_267 = arith.constant 0 : i32
        %dma_start3A_268 = tpu.memref_slice %arg2[%dma_start3A_266, %dma_start3A_267] : memref<10000x128xf32, #tpu.memory_space<hbm>> -> memref<10000x128xf32, #tpu.memory_space<hbm>>
        tpu.enqueue_indirect_dma source(%dma_start3A_268 : memref<10000x128xf32, #tpu.memory_space<hbm>>) target(%arg18 : memref<80x128xf32, #tpu.memory_space<vmem>>) offsets(%arg10 : memref<80xi32, #tpu.memory_space<vmem>>) semaphore(%arg26 : memref<!tpu.dma_semaphore, #tpu.memory_space<semaphore_mem>>)
      } else {
      }
      %add3A_251 = arith.constant 4 : i32
      %add3A_252 = arith.addi %add3A_240, %add3A_251 : i32
      %lt3A_253 = arith.constant 125 : i32
      %lt3A_254 = arith.cmpi slt, %add3A_252, %lt3A_253 : i32
      %convert_element_type3A_255 = arith.extui %lt3A_254 : i1 to i32
      %cond3A_256 = arith.constant 0 : i32
      %cond3A_257 = arith.cmpi ne, %convert_element_type3A_255, %cond3A_256 : i32
      scf.if %cond3A_257 {
        %add3A_258 = arith.constant 4 : i32
        %add3A_259 = arith.addi %add3A_240, %add3A_258 : i32
        %mul3A_260 = arith.constant 80 : i32
        %mul3A_261 = arith.muli %add3A_259, %mul3A_260 : i32
        %add3A_262 = arith.addi %mul3A_2, %mul3A_261 : i32
        %dma_start3A_263 = tpu.memref_slice %arg3[%add3A_262] : memref<320000xi32, #tpu.memory_space<hbm>> -> memref<80xi32, #tpu.memory_space<hbm>>
        %dma_start3A_264 = tpu.memref_slice %arg3[%add3A_262] : memref<320000xi32, #tpu.memory_space<hbm>> -> memref<80xi32, #tpu.memory_space<hbm>>
        tpu.enqueue_dma source(%dma_start3A_264 : memref<80xi32, #tpu.memory_space<hbm>>) target(%arg12 : memref<80xi32, #tpu.memory_space<vmem>>) target_semaphore(%arg24 : memref<!tpu.dma_semaphore, #tpu.memory_space<semaphore_mem>>)
        %dma_start3A_265 = tpu.memref_slice %arg4[%add3A_262] : memref<320000xi32, #tpu.memory_space<hbm>> -> memref<80xi32, #tpu.memory_space<hbm>>
        %dma_start3A_266 = tpu.memref_slice %arg4[%add3A_262] : memref<320000xi32, #tpu.memory_space<hbm>> -> memref<80xi32, #tpu.memory_space<hbm>>
        tpu.enqueue_dma source(%dma_start3A_266 : memref<80xi32, #tpu.memory_space<hbm>>) target(%arg16 : memref<80xi32, #tpu.memory_space<vmem>>) target_semaphore(%arg24 : memref<!tpu.dma_semaphore, #tpu.memory_space<semaphore_mem>>)
      } else {
      }
    }
    %scan3A_154 = arith.constant 31 : i32
    %dma_wait3A_155 = arith.constant 0 : i32
    %dma_wait3A_156 = arith.constant 0 : i32
    %dma_wait3A_157 = tpu.memref_slice %arg2[%dma_wait3A_155, %dma_wait3A_156] : memref<10000x128xf32, #tpu.memory_space<hbm>> -> memref<10000x128xf32, #tpu.memory_space<hbm>>
    tpu.wait_indirect_dma semaphore(%arg25 : memref<!tpu.dma_semaphore, #tpu.memory_space<semaphore_mem>>) src(%dma_wait3A_157 : memref<10000x128xf32, #tpu.memory_space<hbm>>) dst(%arg17 : memref<80x128xf32, #tpu.memory_space<vmem>>)
    "tpu.region"() ({
      %run_scoped3A = tpu.sem_alloc : memref<!tpu.dma_semaphore, #tpu.memory_space<semaphore_mem>>
      %dma_start3A_180 = arith.constant 0 : i32
      %dma_start3A_181 = arith.constant 0 : i32
      %dma_start3A_182 = tpu.memref_slice %arg7[%dma_start3A_180, %dma_start3A_181] : memref<10000x128xf32, #tpu.memory_space<vmem_shared>> -> memref<10000x128xf32, #tpu.memory_space<vmem_shared>>
      tpu.enqueue_indirect_dma source(%arg17 : memref<80x128xf32, #tpu.memory_space<vmem>>) target(%dma_start3A_182 : memref<10000x128xf32, #tpu.memory_space<vmem_shared>>) offsets(%arg13 : memref<80xi32, #tpu.memory_space<vmem>>) semaphore(%run_scoped3A : memref<!tpu.dma_semaphore, #tpu.memory_space<semaphore_mem>>) {add = true}
      %dma_wait3A_183 = arith.constant 0 : i32
      %dma_wait3A_184 = arith.constant 0 : i32
      %dma_wait3A_185 = tpu.memref_slice %arg7[%dma_wait3A_183, %dma_wait3A_184] : memref<10000x128xf32, #tpu.memory_space<vmem_shared>> -> memref<10000x128xf32, #tpu.memory_space<vmem_shared>>
      tpu.wait_indirect_dma semaphore(%run_scoped3A : memref<!tpu.dma_semaphore, #tpu.memory_space<semaphore_mem>>) src(%arg17 : memref<80x128xf32, #tpu.memory_space<vmem>>) dst(%dma_wait3A_185 : memref<10000x128xf32, #tpu.memory_space<vmem_shared>>)
      tpu.yield
    }) : () -> ()
    "tpu.region"() ({
      %run_scoped3A = tpu.sem_alloc : memref<!tpu.dma_semaphore, #tpu.memory_space<semaphore_mem>>
      %dma_start3A_180 = arith.constant 0 : i32
      %dma_start3A_181 = tpu.memref_slice %arg19[%dma_start3A_180] : memref<112xf32, #tpu.memory_space<vmem>> -> memref<80xf32, #tpu.memory_space<vmem>>
      %dma_start3A_182 = arith.constant 0 : i32
      %dma_start3A_183 = tpu.memref_slice %arg8[%dma_start3A_182] : memref<10000xf32, #tpu.memory_space<vmem_shared>> -> memref<10000xf32, #tpu.memory_space<vmem_shared>>
      tpu.enqueue_indirect_dma source(%dma_start3A_181 : memref<80xf32, #tpu.memory_space<vmem>>) target(%dma_start3A_183 : memref<10000xf32, #tpu.memory_space<vmem_shared>>) offsets(%arg13 : memref<80xi32, #tpu.memory_space<vmem>>) semaphore(%run_scoped3A : memref<!tpu.dma_semaphore, #tpu.memory_space<semaphore_mem>>) {add = true}
      %dma_wait3A_184 = arith.constant 0 : i32
      %dma_wait3A_185 = tpu.memref_slice %arg19[%dma_wait3A_184] : memref<112xf32, #tpu.memory_space<vmem>> -> memref<80xf32, #tpu.memory_space<vmem>>
      %dma_wait3A_186 = arith.constant 0 : i32
      %dma_wait3A_187 = tpu.memref_slice %arg8[%dma_wait3A_186] : memref<10000xf32, #tpu.memory_space<vmem_shared>> -> memref<10000xf32, #tpu.memory_space<vmem_shared>>
      tpu.wait_indirect_dma semaphore(%run_scoped3A : memref<!tpu.dma_semaphore, #tpu.memory_space<semaphore_mem>>) src(%dma_wait3A_185 : memref<80xf32, #tpu.memory_space<vmem>>) dst(%dma_wait3A_187 : memref<10000xf32, #tpu.memory_space<vmem_shared>>)
      tpu.yield
    }) : () -> ()
    %barrier3A_158 = arith.constant 0 : index
    tpu.barrier barrier_id(%barrier3A_158)
    %mul3A_159 = arith.constant 624 : i32
    %mul3A_160 = arith.muli %arg1, %mul3A_159 : i32
    %mul3A_161 = arith.constant 624 : i32
    %mul3A_162 = arith.muli %arg1, %mul3A_161 : i32
    "tpu.region"() ({
      %run_scoped3A = tpu.sem_alloc : memref<!tpu.dma_semaphore, #tpu.memory_space<semaphore_mem>>
      %dma_start3A_180 = arith.constant 0 : i32
      %dma_start3A_181 = tpu.memref_slice %arg5[%arg0, %mul3A_162, %dma_start3A_180] : memref<2x10000x128xf32, #tpu.memory_space<hbm>> -> memref<1x624x128xf32, #tpu.memory_space<hbm>>
      %dma_start3A_182 = tpu.memref_squeeze %dma_start3A_181 : memref<1x624x128xf32, #tpu.memory_space<hbm>> -> memref<624x128xf32, #tpu.memory_space<hbm>>
      %dma_start3A_183 = arith.constant 0 : i32
      %dma_start3A_184 = tpu.memref_slice %arg7[%mul3A_160, %dma_start3A_183] : memref<10000x128xf32, #tpu.memory_space<vmem_shared>> -> memref<624x128xf32, #tpu.memory_space<vmem_shared>>
      tpu.enqueue_dma source(%dma_start3A_184 : memref<624x128xf32, #tpu.memory_space<vmem_shared>>) target(%dma_start3A_182 : memref<624x128xf32, #tpu.memory_space<hbm>>) target_semaphore(%run_scoped3A : memref<!tpu.dma_semaphore, #tpu.memory_space<semaphore_mem>>)
      %dma_wait3A_185 = arith.constant 0 : i32
      %dma_wait3A_186 = tpu.memref_slice %arg5[%arg0, %mul3A_162, %dma_wait3A_185] : memref<2x10000x128xf32, #tpu.memory_space<hbm>> -> memref<1x624x128xf32, #tpu.memory_space<hbm>>
      %dma_wait3A_187 = tpu.memref_squeeze %dma_wait3A_186 : memref<1x624x128xf32, #tpu.memory_space<hbm>> -> memref<624x128xf32, #tpu.memory_space<hbm>>
      %dma_wait3A_188 = arith.constant 0 : i32
      %dma_wait3A_189 = tpu.memref_slice %arg7[%mul3A_160, %dma_wait3A_188] : memref<10000x128xf32, #tpu.memory_space<vmem_shared>> -> memref<624x128xf32, #tpu.memory_space<vmem_shared>>
      tpu.wait_dma2 semaphore(%run_scoped3A : memref<!tpu.dma_semaphore, #tpu.memory_space<semaphore_mem>>) src(%dma_wait3A_189 : memref<624x128xf32, #tpu.memory_space<vmem_shared>>) dst(%dma_wait3A_187 : memref<624x128xf32, #tpu.memory_space<hbm>>)
      tpu.yield
    }) : () -> ()
    %eq3A_163 = arith.constant 0 : i32
    %eq3A_164 = arith.cmpi eq, %arg1, %eq3A_163 : i32
    %convert_element_type3A_165 = arith.extui %eq3A_164 : i1 to i32
    %cond3A_166 = arith.constant 0 : i32
    %cond3A_167 = arith.cmpi ne, %convert_element_type3A_165, %cond3A_166 : i32
    scf.if %cond3A_167 {
      "tpu.region"() ({
        %run_scoped3A = tpu.sem_alloc : memref<!tpu.dma_semaphore, #tpu.memory_space<semaphore_mem>>
        %dma_start3A_180 = arith.constant 9984 : i32
        %dma_start3A_181 = arith.constant 0 : i32
        %dma_start3A_182 = tpu.memref_slice %arg5[%arg0, %dma_start3A_180, %dma_start3A_181] : memref<2x10000x128xf32, #tpu.memory_space<hbm>> -> memref<1x16x128xf32, #tpu.memory_space<hbm>>
        %dma_start3A_183 = tpu.memref_squeeze %dma_start3A_182 : memref<1x16x128xf32, #tpu.memory_space<hbm>> -> memref<16x128xf32, #tpu.memory_space<hbm>>
        %dma_start3A_184 = arith.constant 9984 : i32
        %dma_start3A_185 = arith.constant 0 : i32
        %dma_start3A_186 = tpu.memref_slice %arg7[%dma_start3A_184, %dma_start3A_185] : memref<10000x128xf32, #tpu.memory_space<vmem_shared>> -> memref<16x128xf32, #tpu.memory_space<vmem_shared>>
        tpu.enqueue_dma source(%dma_start3A_186 : memref<16x128xf32, #tpu.memory_space<vmem_shared>>) target(%dma_start3A_183 : memref<16x128xf32, #tpu.memory_space<hbm>>) target_semaphore(%run_scoped3A : memref<!tpu.dma_semaphore, #tpu.memory_space<semaphore_mem>>)
        %dma_wait3A_187 = arith.constant 9984 : i32
        %dma_wait3A_188 = arith.constant 0 : i32
        %dma_wait3A_189 = tpu.memref_slice %arg5[%arg0, %dma_wait3A_187, %dma_wait3A_188] : memref<2x10000x128xf32, #tpu.memory_space<hbm>> -> memref<1x16x128xf32, #tpu.memory_space<hbm>>
        %dma_wait3A_190 = tpu.memref_squeeze %dma_wait3A_189 : memref<1x16x128xf32, #tpu.memory_space<hbm>> -> memref<16x128xf32, #tpu.memory_space<hbm>>
        %dma_wait3A_191 = arith.constant 9984 : i32
        %dma_wait3A_192 = arith.constant 0 : i32
        %dma_wait3A_193 = tpu.memref_slice %arg7[%dma_wait3A_191, %dma_wait3A_192] : memref<10000x128xf32, #tpu.memory_space<vmem_shared>> -> memref<16x128xf32, #tpu.memory_space<vmem_shared>>
        tpu.wait_dma2 semaphore(%run_scoped3A : memref<!tpu.dma_semaphore, #tpu.memory_space<semaphore_mem>>) src(%dma_wait3A_193 : memref<16x128xf32, #tpu.memory_space<vmem_shared>>) dst(%dma_wait3A_190 : memref<16x128xf32, #tpu.memory_space<hbm>>)
        tpu.yield
      }) : () -> ()
    } else {
    }
    %mul3A_168 = arith.constant 624 : i32
    %mul3A_169 = arith.muli %arg1, %mul3A_168 : i32
    "tpu.region"() ({
      %run_scoped3A = tpu.sem_alloc : memref<!tpu.dma_semaphore, #tpu.memory_space<semaphore_mem>>
      %dma_start3A_180 = tpu.memref_slice %arg8[%mul3A_169] : memref<10000xf32, #tpu.memory_space<vmem_shared>> -> memref<624xf32, #tpu.memory_space<vmem_shared>>
      %dma_start3A_181 = tpu.memref_slice %arg8[%mul3A_169] : memref<10000xf32, #tpu.memory_space<vmem_shared>> -> memref<624xf32, #tpu.memory_space<vmem_shared>>
      tpu.enqueue_dma source(%dma_start3A_181 : memref<624xf32, #tpu.memory_space<vmem_shared>>) target(%arg20 : memref<624xf32, #tpu.memory_space<vmem>>) target_semaphore(%run_scoped3A : memref<!tpu.dma_semaphore, #tpu.memory_space<semaphore_mem>>)
      %dma_wait3A_182 = tpu.memref_slice %arg8[%mul3A_169] : memref<10000xf32, #tpu.memory_space<vmem_shared>> -> memref<624xf32, #tpu.memory_space<vmem_shared>>
      %dma_wait3A_183 = tpu.memref_slice %arg8[%mul3A_169] : memref<10000xf32, #tpu.memory_space<vmem_shared>> -> memref<624xf32, #tpu.memory_space<vmem_shared>>
      tpu.wait_dma2 semaphore(%run_scoped3A : memref<!tpu.dma_semaphore, #tpu.memory_space<semaphore_mem>>) src(%dma_wait3A_183 : memref<624xf32, #tpu.memory_space<vmem_shared>>) dst(%arg20 : memref<624xf32, #tpu.memory_space<vmem>>)
      tpu.yield
    }) : () -> ()
    %mul3A_170 = arith.constant 10000 : i32
    %mul3A_171 = arith.muli %arg0, %mul3A_170 : i32
    %mul3A_172 = arith.constant 624 : i32
    %mul3A_173 = arith.muli %arg1, %mul3A_172 : i32
    %add3A_174 = arith.addi %mul3A_171, %mul3A_173 : i32
    "tpu.region"() ({
      %run_scoped3A = tpu.sem_alloc : memref<!tpu.dma_semaphore, #tpu.memory_space<semaphore_mem>>
      %dma_start3A_180 = tpu.memref_slice %arg6[%add3A_174] : memref<20000xf32, #tpu.memory_space<hbm>> -> memref<624xf32, #tpu.memory_space<hbm>>
      %dma_start3A_181 = tpu.memref_slice %arg6[%add3A_174] : memref<20000xf32, #tpu.memory_space<hbm>> -> memref<624xf32, #tpu.memory_space<hbm>>
      tpu.enqueue_dma source(%arg20 : memref<624xf32, #tpu.memory_space<vmem>>) target(%dma_start3A_181 : memref<624xf32, #tpu.memory_space<hbm>>) target_semaphore(%run_scoped3A : memref<!tpu.dma_semaphore, #tpu.memory_space<semaphore_mem>>)
      %dma_wait3A_182 = tpu.memref_slice %arg6[%add3A_174] : memref<20000xf32, #tpu.memory_space<hbm>> -> memref<624xf32, #tpu.memory_space<hbm>>
      %dma_wait3A_183 = tpu.memref_slice %arg6[%add3A_174] : memref<20000xf32, #tpu.memory_space<hbm>> -> memref<624xf32, #tpu.memory_space<hbm>>
      tpu.wait_dma2 semaphore(%run_scoped3A : memref<!tpu.dma_semaphore, #tpu.memory_space<semaphore_mem>>) src(%arg20 : memref<624xf32, #tpu.memory_space<vmem>>) dst(%dma_wait3A_183 : memref<624xf32, #tpu.memory_space<hbm>>)
      tpu.yield
    }) : () -> ()
    %eq3A_175 = arith.constant 0 : i32
    %eq3A_176 = arith.cmpi eq, %arg1, %eq3A_175 : i32
    %convert_element_type3A_177 = arith.extui %eq3A_176 : i1 to i32
    %cond3A_178 = arith.constant 0 : i32
    %cond3A_179 = arith.cmpi ne, %convert_element_type3A_177, %cond3A_178 : i32
    scf.if %cond3A_179 {
      "tpu.region"() ({
        %run_scoped3A = tpu.sem_alloc : memref<!tpu.dma_semaphore, #tpu.memory_space<semaphore_mem>>
        %dma_start3A_184 = arith.constant 0 : i32
        %dma_start3A_185 = tpu.memref_slice %arg19[%dma_start3A_184] : memref<112xf32, #tpu.memory_space<vmem>> -> memref<16xf32, #tpu.memory_space<vmem>>
        %dma_start3A_186 = arith.constant 9984 : i32
        %dma_start3A_187 = tpu.memref_slice %arg8[%dma_start3A_186] : memref<10000xf32, #tpu.memory_space<vmem_shared>> -> memref<16xf32, #tpu.memory_space<vmem_shared>>
        %dma_start3A_188 = arith.constant 0 : i32
        %dma_start3A_189 = tpu.memref_slice %arg19[%dma_start3A_188] : memref<112xf32, #tpu.memory_space<vmem>> -> memref<16xf32, #tpu.memory_space<vmem>>
        %dma_start3A_190 = arith.constant 9984 : i32
        %dma_start3A_191 = tpu.memref_slice %arg8[%dma_start3A_190] : memref<10000xf32, #tpu.memory_space<vmem_shared>> -> memref<16xf32, #tpu.memory_space<vmem_shared>>
        tpu.enqueue_dma source(%dma_start3A_191 : memref<16xf32, #tpu.memory_space<vmem_shared>>) target(%dma_start3A_189 : memref<16xf32, #tpu.memory_space<vmem>>) target_semaphore(%run_scoped3A : memref<!tpu.dma_semaphore, #tpu.memory_space<semaphore_mem>>)
        %dma_wait3A_192 = arith.constant 0 : i32
        %dma_wait3A_193 = tpu.memref_slice %arg19[%dma_wait3A_192] : memref<112xf32, #tpu.memory_space<vmem>> -> memref<16xf32, #tpu.memory_space<vmem>>
        %dma_wait3A_194 = arith.constant 9984 : i32
        %dma_wait3A_195 = tpu.memref_slice %arg8[%dma_wait3A_194] : memref<10000xf32, #tpu.memory_space<vmem_shared>> -> memref<16xf32, #tpu.memory_space<vmem_shared>>
        %dma_wait3A_196 = arith.constant 0 : i32
        %dma_wait3A_197 = tpu.memref_slice %arg19[%dma_wait3A_196] : memref<112xf32, #tpu.memory_space<vmem>> -> memref<16xf32, #tpu.memory_space<vmem>>
        %dma_wait3A_198 = arith.constant 9984 : i32
        %dma_wait3A_199 = tpu.memref_slice %arg8[%dma_wait3A_198] : memref<10000xf32, #tpu.memory_space<vmem_shared>> -> memref<16xf32, #tpu.memory_space<vmem_shared>>
        tpu.wait_dma2 semaphore(%run_scoped3A : memref<!tpu.dma_semaphore, #tpu.memory_space<semaphore_mem>>) src(%dma_wait3A_199 : memref<16xf32, #tpu.memory_space<vmem_shared>>) dst(%dma_wait3A_197 : memref<16xf32, #tpu.memory_space<vmem>>)
        tpu.yield
      }) : () -> ()
      %mul3A_180 = arith.constant 10000 : i32
      %mul3A_181 = arith.muli %arg0, %mul3A_180 : i32
      %add3A_182 = arith.constant 9984 : i32
      %add3A_183 = arith.addi %mul3A_181, %add3A_182 : i32
      "tpu.region"() ({
        %run_scoped3A = tpu.sem_alloc : memref<!tpu.dma_semaphore, #tpu.memory_space<semaphore_mem>>
        %dma_start3A_184 = arith.constant 0 : i32
        %dma_start3A_185 = tpu.memref_slice %arg19[%dma_start3A_184] : memref<112xf32, #tpu.memory_space<vmem>> -> memref<16xf32, #tpu.memory_space<vmem>>
        %dma_start3A_186 = tpu.memref_slice %arg6[%add3A_183] : memref<20000xf32, #tpu.memory_space<hbm>> -> memref<16xf32, #tpu.memory_space<hbm>>
        %dma_start3A_187 = tpu.memref_slice %arg6[%add3A_183] : memref<20000xf32, #tpu.memory_space<hbm>> -> memref<16xf32, #tpu.memory_space<hbm>>
        %dma_start3A_188 = arith.constant 0 : i32
        %dma_start3A_189 = tpu.memref_slice %arg19[%dma_start3A_188] : memref<112xf32, #tpu.memory_space<vmem>> -> memref<16xf32, #tpu.memory_space<vmem>>
        tpu.enqueue_dma source(%dma_start3A_189 : memref<16xf32, #tpu.memory_space<vmem>>) target(%dma_start3A_187 : memref<16xf32, #tpu.memory_space<hbm>>) target_semaphore(%run_scoped3A : memref<!tpu.dma_semaphore, #tpu.memory_space<semaphore_mem>>)
        %dma_wait3A_190 = arith.constant 0 : i32
        %dma_wait3A_191 = tpu.memref_slice %arg19[%dma_wait3A_190] : memref<112xf32, #tpu.memory_space<vmem>> -> memref<16xf32, #tpu.memory_space<vmem>>
        %dma_wait3A_192 = tpu.memref_slice %arg6[%add3A_183] : memref<20000xf32, #tpu.memory_space<hbm>> -> memref<16xf32, #tpu.memory_space<hbm>>
        %dma_wait3A_193 = tpu.memref_slice %arg6[%add3A_183] : memref<20000xf32, #tpu.memory_space<hbm>> -> memref<16xf32, #tpu.memory_space<hbm>>
        %dma_wait3A_194 = arith.constant 0 : i32
        %dma_wait3A_195 = tpu.memref_slice %arg19[%dma_wait3A_194] : memref<112xf32, #tpu.memory_space<vmem>> -> memref<16xf32, #tpu.memory_space<vmem>>
        tpu.wait_dma2 semaphore(%run_scoped3A : memref<!tpu.dma_semaphore, #tpu.memory_space<semaphore_mem>>) src(%dma_wait3A_195 : memref<16xf32, #tpu.memory_space<vmem>>) dst(%dma_wait3A_193 : memref<16xf32, #tpu.memory_space<hbm>>)
        tpu.yield
      }) : () -> ()
    } else {
    }
    return
  }
}

#map = affine_map<(d0, d1) -> (0, 0)>
#map1 = affine_map<(d0, d1) -> (0)>
#map2 = affine_map<(d0, d1) -> (0, 0, 0)>
module attributes {stable_mosaic.version = 14 : i64} {
  func.func @_seg_sum_body(%arg0: i32, %arg1: i32, %arg2: memref<10000x128xf32, #tpu.memory_space<hbm>>, %arg3: memref<320000xi32, #tpu.memory_space<hbm>>, %arg4: memref<320000xi32, #tpu.memory_space<hbm>>, %arg5: memref<2x10000x128xf32, #tpu.memory_space<hbm>>, %arg6: memref<10000x128xf32, #tpu.memory_space<vmem_shared>>, %arg7: memref<80xi32, #tpu.memory_space<vmem>>, %arg8: memref<80xi32, #tpu.memory_space<vmem>>, %arg9: memref<80xi32, #tpu.memory_space<vmem>>, %arg10: memref<80xi32, #tpu.memory_space<vmem>>, %arg11: memref<80xi32, #tpu.memory_space<vmem>>, %arg12: memref<80xi32, #tpu.memory_space<vmem>>, %arg13: memref<80xi32, #tpu.memory_space<vmem>>, %arg14: memref<80xi32, #tpu.memory_space<vmem>>, %arg15: memref<80x128xf32, #tpu.memory_space<vmem>>, %arg16: memref<80x128xf32, #tpu.memory_space<vmem>>, %arg17: memref<!tpu.dma_semaphore, #tpu.memory_space<semaphore_mem>>, %arg18: memref<!tpu.dma_semaphore, #tpu.memory_space<semaphore_mem>>, %arg19: memref<!tpu.dma_semaphore, #tpu.memory_space<semaphore_mem>>, %arg20: memref<!tpu.dma_semaphore, #tpu.memory_space<semaphore_mem>>, %arg21: memref<!tpu.dma_semaphore, #tpu.memory_space<semaphore_mem>>, %arg22: memref<!tpu.dma_semaphore, #tpu.memory_space<semaphore_mem>>) attributes {dimension_semantics = [#tpu.dimension_semantics<core_parallel>, #tpu.dimension_semantics<subcore_parallel>], iteration_bounds = array<i64: 2, 16>, scalar_prefetch = 0 : i64, scratch_operands = 17 : i64, tpu.core_type = #tpu.core_type<sc_vector_subcore>, window_params = [{transform_indices = #map}, {transform_indices = #map1}, {transform_indices = #map1}, {transform_indices = #map2}]} {
    %mul3A = arith.constant 16 : i32
    %mul3A_0 = arith.muli %arg0, %mul3A : i32
    %add3A = arith.addi %mul3A_0, %arg1 : i32
    %mul3A_1 = arith.constant 10000 : i32
    %mul3A_2 = arith.muli %add3A, %mul3A_1 : i32
    %add3A_3 = arith.constant 0 : i32
    %add3A_4 = arith.addi %mul3A_2, %add3A_3 : i32
    %dma_start3A = tpu.memref_slice %arg3[%add3A_4] : memref<320000xi32, #tpu.memory_space<hbm>> -> memref<80xi32, #tpu.memory_space<hbm>>
    %dma_start3A_5 = tpu.memref_slice %arg3[%add3A_4] : memref<320000xi32, #tpu.memory_space<hbm>> -> memref<80xi32, #tpu.memory_space<hbm>>
    tpu.enqueue_dma source(%dma_start3A_5 : memref<80xi32, #tpu.memory_space<hbm>>) target(%arg7 : memref<80xi32, #tpu.memory_space<vmem>>) target_semaphore(%arg17 : memref<!tpu.dma_semaphore, #tpu.memory_space<semaphore_mem>>)
    %dma_start3A_6 = tpu.memref_slice %arg4[%add3A_4] : memref<320000xi32, #tpu.memory_space<hbm>> -> memref<80xi32, #tpu.memory_space<hbm>>
    %dma_start3A_7 = tpu.memref_slice %arg4[%add3A_4] : memref<320000xi32, #tpu.memory_space<hbm>> -> memref<80xi32, #tpu.memory_space<hbm>>
    tpu.enqueue_dma source(%dma_start3A_7 : memref<80xi32, #tpu.memory_space<hbm>>) target(%arg11 : memref<80xi32, #tpu.memory_space<vmem>>) target_semaphore(%arg17 : memref<!tpu.dma_semaphore, #tpu.memory_space<semaphore_mem>>)
    %add3A_8 = arith.constant 80 : i32
    %add3A_9 = arith.addi %mul3A_2, %add3A_8 : i32
    %dma_start3A_10 = tpu.memref_slice %arg3[%add3A_9] : memref<320000xi32, #tpu.memory_space<hbm>> -> memref<80xi32, #tpu.memory_space<hbm>>
    %dma_start3A_11 = tpu.memref_slice %arg3[%add3A_9] : memref<320000xi32, #tpu.memory_space<hbm>> -> memref<80xi32, #tpu.memory_space<hbm>>
    tpu.enqueue_dma source(%dma_start3A_11 : memref<80xi32, #tpu.memory_space<hbm>>) target(%arg8 : memref<80xi32, #tpu.memory_space<vmem>>) target_semaphore(%arg18 : memref<!tpu.dma_semaphore, #tpu.memory_space<semaphore_mem>>)
    %dma_start3A_12 = tpu.memref_slice %arg4[%add3A_9] : memref<320000xi32, #tpu.memory_space<hbm>> -> memref<80xi32, #tpu.memory_space<hbm>>
    %dma_start3A_13 = tpu.memref_slice %arg4[%add3A_9] : memref<320000xi32, #tpu.memory_space<hbm>> -> memref<80xi32, #tpu.memory_space<hbm>>
    tpu.enqueue_dma source(%dma_start3A_13 : memref<80xi32, #tpu.memory_space<hbm>>) target(%arg12 : memref<80xi32, #tpu.memory_space<vmem>>) target_semaphore(%arg18 : memref<!tpu.dma_semaphore, #tpu.memory_space<semaphore_mem>>)
    %add3A_14 = arith.constant 160 : i32
    %add3A_15 = arith.addi %mul3A_2, %add3A_14 : i32
    %dma_start3A_16 = tpu.memref_slice %arg3[%add3A_15] : memref<320000xi32, #tpu.memory_space<hbm>> -> memref<80xi32, #tpu.memory_space<hbm>>
    %dma_start3A_17 = tpu.memref_slice %arg3[%add3A_15] : memref<320000xi32, #tpu.memory_space<hbm>> -> memref<80xi32, #tpu.memory_space<hbm>>
    tpu.enqueue_dma source(%dma_start3A_17 : memref<80xi32, #tpu.memory_space<hbm>>) target(%arg9 : memref<80xi32, #tpu.memory_space<vmem>>) target_semaphore(%arg19 : memref<!tpu.dma_semaphore, #tpu.memory_space<semaphore_mem>>)
    %dma_start3A_18 = tpu.memref_slice %arg4[%add3A_15] : memref<320000xi32, #tpu.memory_space<hbm>> -> memref<80xi32, #tpu.memory_space<hbm>>
    %dma_start3A_19 = tpu.memref_slice %arg4[%add3A_15] : memref<320000xi32, #tpu.memory_space<hbm>> -> memref<80xi32, #tpu.memory_space<hbm>>
    tpu.enqueue_dma source(%dma_start3A_19 : memref<80xi32, #tpu.memory_space<hbm>>) target(%arg13 : memref<80xi32, #tpu.memory_space<vmem>>) target_semaphore(%arg19 : memref<!tpu.dma_semaphore, #tpu.memory_space<semaphore_mem>>)
    %add3A_20 = arith.constant 240 : i32
    %add3A_21 = arith.addi %mul3A_2, %add3A_20 : i32
    %dma_start3A_22 = tpu.memref_slice %arg3[%add3A_21] : memref<320000xi32, #tpu.memory_space<hbm>> -> memref<80xi32, #tpu.memory_space<hbm>>
    %dma_start3A_23 = tpu.memref_slice %arg3[%add3A_21] : memref<320000xi32, #tpu.memory_space<hbm>> -> memref<80xi32, #tpu.memory_space<hbm>>
    tpu.enqueue_dma source(%dma_start3A_23 : memref<80xi32, #tpu.memory_space<hbm>>) target(%arg10 : memref<80xi32, #tpu.memory_space<vmem>>) target_semaphore(%arg20 : memref<!tpu.dma_semaphore, #tpu.memory_space<semaphore_mem>>)
    %dma_start3A_24 = tpu.memref_slice %arg4[%add3A_21] : memref<320000xi32, #tpu.memory_space<hbm>> -> memref<80xi32, #tpu.memory_space<hbm>>
    %dma_start3A_25 = tpu.memref_slice %arg4[%add3A_21] : memref<320000xi32, #tpu.memory_space<hbm>> -> memref<80xi32, #tpu.memory_space<hbm>>
    tpu.enqueue_dma source(%dma_start3A_25 : memref<80xi32, #tpu.memory_space<hbm>>) target(%arg14 : memref<80xi32, #tpu.memory_space<vmem>>) target_semaphore(%arg20 : memref<!tpu.dma_semaphore, #tpu.memory_space<semaphore_mem>>)
    %broadcast_in_dim3A = arith.constant 0.000000e+00 : f32
    %broadcast_in_dim3A_26 = vector.broadcast %broadcast_in_dim3A : f32 to vector<16xf32>
    %scan3A = arith.constant 0 : i32
    %scan3A_27 = arith.constant 0 : i32
    %scan3A_28 = arith.constant 48 : i32
    %scan3A_29 = arith.addi %scan3A_27, %scan3A_28 : i32
    %scan3A_30 = arith.constant 1 : i32
    scf.for %scan3A_126 = %scan3A_27 to %scan3A_29 step %scan3A_30  : i32 {
      %swap3A = arith.index_cast %scan3A_126 : i32 to index
      %swap3A_127 = arith.constant 0 : index
      %swap3A_128 = tpu.vector_load %arg15[%swap3A, %swap3A_127] {strides = array<i32>} : memref<80x128xf32, #tpu.memory_space<vmem>>, vector<1x16xf32>,
      %swap3A_129 = vector.shape_cast %swap3A_128 : vector<1x16xf32> to vector<16xf32>
      %swap3A_130 = vector.shape_cast %broadcast_in_dim3A_26 : vector<16xf32> to vector<1x16xf32>
      tpu.vector_store %arg15[%swap3A, %swap3A_127], %swap3A_130 {strides = array<i32>} : memref<80x128xf32, #tpu.memory_space<vmem>>, vector<1x16xf32>,
      %swap3A_131 = arith.index_cast %scan3A_126 : i32 to index
      %swap3A_132 = arith.constant 16 : index
      %swap3A_133 = tpu.vector_load %arg15[%swap3A_131, %swap3A_132] {strides = array<i32>} : memref<80x128xf32, #tpu.memory_space<vmem>>, vector<1x16xf32>,
      %swap3A_134 = vector.shape_cast %swap3A_133 : vector<1x16xf32> to vector<16xf32>
      %swap3A_135 = vector.shape_cast %broadcast_in_dim3A_26 : vector<16xf32> to vector<1x16xf32>
      tpu.vector_store %arg15[%swap3A_131, %swap3A_132], %swap3A_135 {strides = array<i32>} : memref<80x128xf32, #tpu.memory_space<vmem>>, vector<1x16xf32>,
      %swap3A_136 = arith.index_cast %scan3A_126 : i32 to index
      %swap3A_137 = arith.constant 32 : index
      %swap3A_138 = tpu.vector_load %arg15[%swap3A_136, %swap3A_137] {strides = array<i32>} : memref<80x128xf32, #tpu.memory_space<vmem>>, vector<1x16xf32>,
      %swap3A_139 = vector.shape_cast %swap3A_138 : vector<1x16xf32> to vector<16xf32>
      %swap3A_140 = vector.shape_cast %broadcast_in_dim3A_26 : vector<16xf32> to vector<1x16xf32>
      tpu.vector_store %arg15[%swap3A_136, %swap3A_137], %swap3A_140 {strides = array<i32>} : memref<80x128xf32, #tpu.memory_space<vmem>>, vector<1x16xf32>,
      %swap3A_141 = arith.index_cast %scan3A_126 : i32 to index
      %swap3A_142 = arith.constant 48 : index
      %swap3A_143 = tpu.vector_load %arg15[%swap3A_141, %swap3A_142] {strides = array<i32>} : memref<80x128xf32, #tpu.memory_space<vmem>>, vector<1x16xf32>,
      %swap3A_144 = vector.shape_cast %swap3A_143 : vector<1x16xf32> to vector<16xf32>
      %swap3A_145 = vector.shape_cast %broadcast_in_dim3A_26 : vector<16xf32> to vector<1x16xf32>
      tpu.vector_store %arg15[%swap3A_141, %swap3A_142], %swap3A_145 {strides = array<i32>} : memref<80x128xf32, #tpu.memory_space<vmem>>, vector<1x16xf32>,
      %swap3A_146 = arith.index_cast %scan3A_126 : i32 to index
      %swap3A_147 = arith.constant 64 : index
      %swap3A_148 = tpu.vector_load %arg15[%swap3A_146, %swap3A_147] {strides = array<i32>} : memref<80x128xf32, #tpu.memory_space<vmem>>, vector<1x16xf32>,
      %swap3A_149 = vector.shape_cast %swap3A_148 : vector<1x16xf32> to vector<16xf32>
      %swap3A_150 = vector.shape_cast %broadcast_in_dim3A_26 : vector<16xf32> to vector<1x16xf32>
      tpu.vector_store %arg15[%swap3A_146, %swap3A_147], %swap3A_150 {strides = array<i32>} : memref<80x128xf32, #tpu.memory_space<vmem>>, vector<1x16xf32>,
      %swap3A_151 = arith.index_cast %scan3A_126 : i32 to index
      %swap3A_152 = arith.constant 80 : index
      %swap3A_153 = tpu.vector_load %arg15[%swap3A_151, %swap3A_152] {strides = array<i32>} : memref<80x128xf32, #tpu.memory_space<vmem>>, vector<1x16xf32>,
      %swap3A_154 = vector.shape_cast %swap3A_153 : vector<1x16xf32> to vector<16xf32>
      %swap3A_155 = vector.shape_cast %broadcast_in_dim3A_26 : vector<16xf32> to vector<1x16xf32>
      tpu.vector_store %arg15[%swap3A_151, %swap3A_152], %swap3A_155 {strides = array<i32>} : memref<80x128xf32, #tpu.memory_space<vmem>>, vector<1x16xf32>,
      %swap3A_156 = arith.index_cast %scan3A_126 : i32 to index
      %swap3A_157 = arith.constant 96 : index
      %swap3A_158 = tpu.vector_load %arg15[%swap3A_156, %swap3A_157] {strides = array<i32>} : memref<80x128xf32, #tpu.memory_space<vmem>>, vector<1x16xf32>,
      %swap3A_159 = vector.shape_cast %swap3A_158 : vector<1x16xf32> to vector<16xf32>
      %swap3A_160 = vector.shape_cast %broadcast_in_dim3A_26 : vector<16xf32> to vector<1x16xf32>
      tpu.vector_store %arg15[%swap3A_156, %swap3A_157], %swap3A_160 {strides = array<i32>} : memref<80x128xf32, #tpu.memory_space<vmem>>, vector<1x16xf32>,
      %swap3A_161 = arith.index_cast %scan3A_126 : i32 to index
      %swap3A_162 = arith.constant 112 : index
      %swap3A_163 = tpu.vector_load %arg15[%swap3A_161, %swap3A_162] {strides = array<i32>} : memref<80x128xf32, #tpu.memory_space<vmem>>, vector<1x16xf32>,
      %swap3A_164 = vector.shape_cast %swap3A_163 : vector<1x16xf32> to vector<16xf32>
      %swap3A_165 = vector.shape_cast %broadcast_in_dim3A_26 : vector<16xf32> to vector<1x16xf32>
      tpu.vector_store %arg15[%swap3A_161, %swap3A_162], %swap3A_165 {strides = array<i32>} : memref<80x128xf32, #tpu.memory_space<vmem>>, vector<1x16xf32>,
    }
    %scan3A_31 = arith.constant 48 : i32
    %mul3A_32 = arith.constant 624 : i32
    %mul3A_33 = arith.muli %arg1, %mul3A_32 : i32
    %add3A_34 = arith.constant 0 : i32
    %add3A_35 = arith.addi %mul3A_33, %add3A_34 : i32
    "tpu.region"() ({
      %run_scoped3A = tpu.sem_alloc : memref<!tpu.dma_semaphore, #tpu.memory_space<semaphore_mem>>
      %dma_start3A_126 = arith.constant 0 : i32
      %dma_start3A_127 = arith.constant 0 : i32
      %dma_start3A_128 = tpu.memref_slice %arg15[%dma_start3A_126, %dma_start3A_127] : memref<80x128xf32, #tpu.memory_space<vmem>> -> memref<48x128xf32, #tpu.memory_space<vmem>>
      %dma_start3A_129 = arith.constant 0 : i32
      %dma_start3A_130 = tpu.memref_slice %arg6[%add3A_35, %dma_start3A_129] : memref<10000x128xf32, #tpu.memory_space<vmem_shared>> -> memref<48x128xf32, #tpu.memory_space<vmem_shared>>
      %dma_start3A_131 = arith.constant 0 : i32
      %dma_start3A_132 = tpu.memref_slice %arg6[%add3A_35, %dma_start3A_131] : memref<10000x128xf32, #tpu.memory_space<vmem_shared>> -> memref<48x128xf32, #tpu.memory_space<vmem_shared>>
      %dma_start3A_133 = arith.constant 0 : i32
      %dma_start3A_134 = arith.constant 0 : i32
      %dma_start3A_135 = tpu.memref_slice %arg15[%dma_start3A_133, %dma_start3A_134] : memref<80x128xf32, #tpu.memory_space<vmem>> -> memref<48x128xf32, #tpu.memory_space<vmem>>
      tpu.enqueue_dma source(%dma_start3A_135 : memref<48x128xf32, #tpu.memory_space<vmem>>) target(%dma_start3A_132 : memref<48x128xf32, #tpu.memory_space<vmem_shared>>) target_semaphore(%run_scoped3A : memref<!tpu.dma_semaphore, #tpu.memory_space<semaphore_mem>>)
      %dma_wait3A_136 = arith.constant 0 : i32
      %dma_wait3A_137 = arith.constant 0 : i32
      %dma_wait3A_138 = tpu.memref_slice %arg15[%dma_wait3A_136, %dma_wait3A_137] : memref<80x128xf32, #tpu.memory_space<vmem>> -> memref<48x128xf32, #tpu.memory_space<vmem>>
      %dma_wait3A_139 = arith.constant 0 : i32
      %dma_wait3A_140 = tpu.memref_slice %arg6[%add3A_35, %dma_wait3A_139] : memref<10000x128xf32, #tpu.memory_space<vmem_shared>> -> memref<48x128xf32, #tpu.memory_space<vmem_shared>>
      %dma_wait3A_141 = arith.constant 0 : i32
      %dma_wait3A_142 = tpu.memref_slice %arg6[%add3A_35, %dma_wait3A_141] : memref<10000x128xf32, #tpu.memory_space<vmem_shared>> -> memref<48x128xf32, #tpu.memory_space<vmem_shared>>
      %dma_wait3A_143 = arith.constant 0 : i32
      %dma_wait3A_144 = arith.constant 0 : i32
      %dma_wait3A_145 = tpu.memref_slice %arg15[%dma_wait3A_143, %dma_wait3A_144] : memref<80x128xf32, #tpu.memory_space<vmem>> -> memref<48x128xf32, #tpu.memory_space<vmem>>
      tpu.wait_dma2 semaphore(%run_scoped3A : memref<!tpu.dma_semaphore, #tpu.memory_space<semaphore_mem>>) src(%dma_wait3A_145 : memref<48x128xf32, #tpu.memory_space<vmem>>) dst(%dma_wait3A_142 : memref<48x128xf32, #tpu.memory_space<vmem_shared>>)
      tpu.yield
    }) : () -> ()
    %mul3A_36 = arith.constant 624 : i32
    %mul3A_37 = arith.muli %arg1, %mul3A_36 : i32
    %add3A_38 = arith.constant 48 : i32
    %add3A_39 = arith.addi %mul3A_37, %add3A_38 : i32
    "tpu.region"() ({
      %run_scoped3A = tpu.sem_alloc : memref<!tpu.dma_semaphore, #tpu.memory_space<semaphore_mem>>
      %dma_start3A_126 = arith.constant 0 : i32
      %dma_start3A_127 = arith.constant 0 : i32
      %dma_start3A_128 = tpu.memref_slice %arg15[%dma_start3A_126, %dma_start3A_127] : memref<80x128xf32, #tpu.memory_space<vmem>> -> memref<48x128xf32, #tpu.memory_space<vmem>>
      %dma_start3A_129 = arith.constant 0 : i32
      %dma_start3A_130 = tpu.memref_slice %arg6[%add3A_39, %dma_start3A_129] : memref<10000x128xf32, #tpu.memory_space<vmem_shared>> -> memref<48x128xf32, #tpu.memory_space<vmem_shared>>
      %dma_start3A_131 = arith.constant 0 : i32
      %dma_start3A_132 = tpu.memref_slice %arg6[%add3A_39, %dma_start3A_131] : memref<10000x128xf32, #tpu.memory_space<vmem_shared>> -> memref<48x128xf32, #tpu.memory_space<vmem_shared>>
      %dma_start3A_133 = arith.constant 0 : i32
      %dma_start3A_134 = arith.constant 0 : i32
      %dma_start3A_135 = tpu.memref_slice %arg15[%dma_start3A_133, %dma_start3A_134] : memref<80x128xf32, #tpu.memory_space<vmem>> -> memref<48x128xf32, #tpu.memory_space<vmem>>
      tpu.enqueue_dma source(%dma_start3A_135 : memref<48x128xf32, #tpu.memory_space<vmem>>) target(%dma_start3A_132 : memref<48x128xf32, #tpu.memory_space<vmem_shared>>) target_semaphore(%run_scoped3A : memref<!tpu.dma_semaphore, #tpu.memory_space<semaphore_mem>>)
      %dma_wait3A_136 = arith.constant 0 : i32
      %dma_wait3A_137 = arith.constant 0 : i32
      %dma_wait3A_138 = tpu.memref_slice %arg15[%dma_wait3A_136, %dma_wait3A_137] : memref<80x128xf32, #tpu.memory_space<vmem>> -> memref<48x128xf32, #tpu.memory_space<vmem>>
      %dma_wait3A_139 = arith.constant 0 : i32
      %dma_wait3A_140 = tpu.memref_slice %arg6[%add3A_39, %dma_wait3A_139] : memref<10000x128xf32, #tpu.memory_space<vmem_shared>> -> memref<48x128xf32, #tpu.memory_space<vmem_shared>>
      %dma_wait3A_141 = arith.constant 0 : i32
      %dma_wait3A_142 = tpu.memref_slice %arg6[%add3A_39, %dma_wait3A_141] : memref<10000x128xf32, #tpu.memory_space<vmem_shared>> -> memref<48x128xf32, #tpu.memory_space<vmem_shared>>
      %dma_wait3A_143 = arith.constant 0 : i32
      %dma_wait3A_144 = arith.constant 0 : i32
      %dma_wait3A_145 = tpu.memref_slice %arg15[%dma_wait3A_143, %dma_wait3A_144] : memref<80x128xf32, #tpu.memory_space<vmem>> -> memref<48x128xf32, #tpu.memory_space<vmem>>
      tpu.wait_dma2 semaphore(%run_scoped3A : memref<!tpu.dma_semaphore, #tpu.memory_space<semaphore_mem>>) src(%dma_wait3A_145 : memref<48x128xf32, #tpu.memory_space<vmem>>) dst(%dma_wait3A_142 : memref<48x128xf32, #tpu.memory_space<vmem_shared>>)
      tpu.yield
    }) : () -> ()
    %mul3A_40 = arith.constant 624 : i32
    %mul3A_41 = arith.muli %arg1, %mul3A_40 : i32
    %add3A_42 = arith.constant 96 : i32
    %add3A_43 = arith.addi %mul3A_41, %add3A_42 : i32
    "tpu.region"() ({
      %run_scoped3A = tpu.sem_alloc : memref<!tpu.dma_semaphore, #tpu.memory_space<semaphore_mem>>
      %dma_start3A_126 = arith.constant 0 : i32
      %dma_start3A_127 = arith.constant 0 : i32
      %dma_start3A_128 = tpu.memref_slice %arg15[%dma_start3A_126, %dma_start3A_127] : memref<80x128xf32, #tpu.memory_space<vmem>> -> memref<48x128xf32, #tpu.memory_space<vmem>>
      %dma_start3A_129 = arith.constant 0 : i32
      %dma_start3A_130 = tpu.memref_slice %arg6[%add3A_43, %dma_start3A_129] : memref<10000x128xf32, #tpu.memory_space<vmem_shared>> -> memref<48x128xf32, #tpu.memory_space<vmem_shared>>
      %dma_start3A_131 = arith.constant 0 : i32
      %dma_start3A_132 = tpu.memref_slice %arg6[%add3A_43, %dma_start3A_131] : memref<10000x128xf32, #tpu.memory_space<vmem_shared>> -> memref<48x128xf32, #tpu.memory_space<vmem_shared>>
      %dma_start3A_133 = arith.constant 0 : i32
      %dma_start3A_134 = arith.constant 0 : i32
      %dma_start3A_135 = tpu.memref_slice %arg15[%dma_start3A_133, %dma_start3A_134] : memref<80x128xf32, #tpu.memory_space<vmem>> -> memref<48x128xf32, #tpu.memory_space<vmem>>
      tpu.enqueue_dma source(%dma_start3A_135 : memref<48x128xf32, #tpu.memory_space<vmem>>) target(%dma_start3A_132 : memref<48x128xf32, #tpu.memory_space<vmem_shared>>) target_semaphore(%run_scoped3A : memref<!tpu.dma_semaphore, #tpu.memory_space<semaphore_mem>>)
      %dma_wait3A_136 = arith.constant 0 : i32
      %dma_wait3A_137 = arith.constant 0 : i32
      %dma_wait3A_138 = tpu.memref_slice %arg15[%dma_wait3A_136, %dma_wait3A_137] : memref<80x128xf32, #tpu.memory_space<vmem>> -> memref<48x128xf32, #tpu.memory_space<vmem>>
      %dma_wait3A_139 = arith.constant 0 : i32
      %dma_wait3A_140 = tpu.memref_slice %arg6[%add3A_43, %dma_wait3A_139] : memref<10000x128xf32, #tpu.memory_space<vmem_shared>> -> memref<48x128xf32, #tpu.memory_space<vmem_shared>>
      %dma_wait3A_141 = arith.constant 0 : i32
      %dma_wait3A_142 = tpu.memref_slice %arg6[%add3A_43, %dma_wait3A_141] : memref<10000x128xf32, #tpu.memory_space<vmem_shared>> -> memref<48x128xf32, #tpu.memory_space<vmem_shared>>
      %dma_wait3A_143 = arith.constant 0 : i32
      %dma_wait3A_144 = arith.constant 0 : i32
      %dma_wait3A_145 = tpu.memref_slice %arg15[%dma_wait3A_143, %dma_wait3A_144] : memref<80x128xf32, #tpu.memory_space<vmem>> -> memref<48x128xf32, #tpu.memory_space<vmem>>
      tpu.wait_dma2 semaphore(%run_scoped3A : memref<!tpu.dma_semaphore, #tpu.memory_space<semaphore_mem>>) src(%dma_wait3A_145 : memref<48x128xf32, #tpu.memory_space<vmem>>) dst(%dma_wait3A_142 : memref<48x128xf32, #tpu.memory_space<vmem_shared>>)
      tpu.yield
    }) : () -> ()
    %mul3A_44 = arith.constant 624 : i32
    %mul3A_45 = arith.muli %arg1, %mul3A_44 : i32
    %add3A_46 = arith.constant 144 : i32
    %add3A_47 = arith.addi %mul3A_45, %add3A_46 : i32
    "tpu.region"() ({
      %run_scoped3A = tpu.sem_alloc : memref<!tpu.dma_semaphore, #tpu.memory_space<semaphore_mem>>
      %dma_start3A_126 = arith.constant 0 : i32
      %dma_start3A_127 = arith.constant 0 : i32
      %dma_start3A_128 = tpu.memref_slice %arg15[%dma_start3A_126, %dma_start3A_127] : memref<80x128xf32, #tpu.memory_space<vmem>> -> memref<48x128xf32, #tpu.memory_space<vmem>>
      %dma_start3A_129 = arith.constant 0 : i32
      %dma_start3A_130 = tpu.memref_slice %arg6[%add3A_47, %dma_start3A_129] : memref<10000x128xf32, #tpu.memory_space<vmem_shared>> -> memref<48x128xf32, #tpu.memory_space<vmem_shared>>
      %dma_start3A_131 = arith.constant 0 : i32
      %dma_start3A_132 = tpu.memref_slice %arg6[%add3A_47, %dma_start3A_131] : memref<10000x128xf32, #tpu.memory_space<vmem_shared>> -> memref<48x128xf32, #tpu.memory_space<vmem_shared>>
      %dma_start3A_133 = arith.constant 0 : i32
      %dma_start3A_134 = arith.constant 0 : i32
      %dma_start3A_135 = tpu.memref_slice %arg15[%dma_start3A_133, %dma_start3A_134] : memref<80x128xf32, #tpu.memory_space<vmem>> -> memref<48x128xf32, #tpu.memory_space<vmem>>
      tpu.enqueue_dma source(%dma_start3A_135 : memref<48x128xf32, #tpu.memory_space<vmem>>) target(%dma_start3A_132 : memref<48x128xf32, #tpu.memory_space<vmem_shared>>) target_semaphore(%run_scoped3A : memref<!tpu.dma_semaphore, #tpu.memory_space<semaphore_mem>>)
      %dma_wait3A_136 = arith.constant 0 : i32
      %dma_wait3A_137 = arith.constant 0 : i32
      %dma_wait3A_138 = tpu.memref_slice %arg15[%dma_wait3A_136, %dma_wait3A_137] : memref<80x128xf32, #tpu.memory_space<vmem>> -> memref<48x128xf32, #tpu.memory_space<vmem>>
      %dma_wait3A_139 = arith.constant 0 : i32
      %dma_wait3A_140 = tpu.memref_slice %arg6[%add3A_47, %dma_wait3A_139] : memref<10000x128xf32, #tpu.memory_space<vmem_shared>> -> memref<48x128xf32, #tpu.memory_space<vmem_shared>>
      %dma_wait3A_141 = arith.constant 0 : i32
      %dma_wait3A_142 = tpu.memref_slice %arg6[%add3A_47, %dma_wait3A_141] : memref<10000x128xf32, #tpu.memory_space<vmem_shared>> -> memref<48x128xf32, #tpu.memory_space<vmem_shared>>
      %dma_wait3A_143 = arith.constant 0 : i32
      %dma_wait3A_144 = arith.constant 0 : i32
      %dma_wait3A_145 = tpu.memref_slice %arg15[%dma_wait3A_143, %dma_wait3A_144] : memref<80x128xf32, #tpu.memory_space<vmem>> -> memref<48x128xf32, #tpu.memory_space<vmem>>
      tpu.wait_dma2 semaphore(%run_scoped3A : memref<!tpu.dma_semaphore, #tpu.memory_space<semaphore_mem>>) src(%dma_wait3A_145 : memref<48x128xf32, #tpu.memory_space<vmem>>) dst(%dma_wait3A_142 : memref<48x128xf32, #tpu.memory_space<vmem_shared>>)
      tpu.yield
    }) : () -> ()
    %mul3A_48 = arith.constant 624 : i32
    %mul3A_49 = arith.muli %arg1, %mul3A_48 : i32
    %add3A_50 = arith.constant 192 : i32
    %add3A_51 = arith.addi %mul3A_49, %add3A_50 : i32
    "tpu.region"() ({
      %run_scoped3A = tpu.sem_alloc : memref<!tpu.dma_semaphore, #tpu.memory_space<semaphore_mem>>
      %dma_start3A_126 = arith.constant 0 : i32
      %dma_start3A_127 = arith.constant 0 : i32
      %dma_start3A_128 = tpu.memref_slice %arg15[%dma_start3A_126, %dma_start3A_127] : memref<80x128xf32, #tpu.memory_space<vmem>> -> memref<48x128xf32, #tpu.memory_space<vmem>>
      %dma_start3A_129 = arith.constant 0 : i32
      %dma_start3A_130 = tpu.memref_slice %arg6[%add3A_51, %dma_start3A_129] : memref<10000x128xf32, #tpu.memory_space<vmem_shared>> -> memref<48x128xf32, #tpu.memory_space<vmem_shared>>
      %dma_start3A_131 = arith.constant 0 : i32
      %dma_start3A_132 = tpu.memref_slice %arg6[%add3A_51, %dma_start3A_131] : memref<10000x128xf32, #tpu.memory_space<vmem_shared>> -> memref<48x128xf32, #tpu.memory_space<vmem_shared>>
      %dma_start3A_133 = arith.constant 0 : i32
      %dma_start3A_134 = arith.constant 0 : i32
      %dma_start3A_135 = tpu.memref_slice %arg15[%dma_start3A_133, %dma_start3A_134] : memref<80x128xf32, #tpu.memory_space<vmem>> -> memref<48x128xf32, #tpu.memory_space<vmem>>
      tpu.enqueue_dma source(%dma_start3A_135 : memref<48x128xf32, #tpu.memory_space<vmem>>) target(%dma_start3A_132 : memref<48x128xf32, #tpu.memory_space<vmem_shared>>) target_semaphore(%run_scoped3A : memref<!tpu.dma_semaphore, #tpu.memory_space<semaphore_mem>>)
      %dma_wait3A_136 = arith.constant 0 : i32
      %dma_wait3A_137 = arith.constant 0 : i32
      %dma_wait3A_138 = tpu.memref_slice %arg15[%dma_wait3A_136, %dma_wait3A_137] : memref<80x128xf32, #tpu.memory_space<vmem>> -> memref<48x128xf32, #tpu.memory_space<vmem>>
      %dma_wait3A_139 = arith.constant 0 : i32
      %dma_wait3A_140 = tpu.memref_slice %arg6[%add3A_51, %dma_wait3A_139] : memref<10000x128xf32, #tpu.memory_space<vmem_shared>> -> memref<48x128xf32, #tpu.memory_space<vmem_shared>>
      %dma_wait3A_141 = arith.constant 0 : i32
      %dma_wait3A_142 = tpu.memref_slice %arg6[%add3A_51, %dma_wait3A_141] : memref<10000x128xf32, #tpu.memory_space<vmem_shared>> -> memref<48x128xf32, #tpu.memory_space<vmem_shared>>
      %dma_wait3A_143 = arith.constant 0 : i32
      %dma_wait3A_144 = arith.constant 0 : i32
      %dma_wait3A_145 = tpu.memref_slice %arg15[%dma_wait3A_143, %dma_wait3A_144] : memref<80x128xf32, #tpu.memory_space<vmem>> -> memref<48x128xf32, #tpu.memory_space<vmem>>
      tpu.wait_dma2 semaphore(%run_scoped3A : memref<!tpu.dma_semaphore, #tpu.memory_space<semaphore_mem>>) src(%dma_wait3A_145 : memref<48x128xf32, #tpu.memory_space<vmem>>) dst(%dma_wait3A_142 : memref<48x128xf32, #tpu.memory_space<vmem_shared>>)
      tpu.yield
    }) : () -> ()
    %mul3A_52 = arith.constant 624 : i32
    %mul3A_53 = arith.muli %arg1, %mul3A_52 : i32
    %add3A_54 = arith.constant 240 : i32
    %add3A_55 = arith.addi %mul3A_53, %add3A_54 : i32
    "tpu.region"() ({
      %run_scoped3A = tpu.sem_alloc : memref<!tpu.dma_semaphore, #tpu.memory_space<semaphore_mem>>
      %dma_start3A_126 = arith.constant 0 : i32
      %dma_start3A_127 = arith.constant 0 : i32
      %dma_start3A_128 = tpu.memref_slice %arg15[%dma_start3A_126, %dma_start3A_127] : memref<80x128xf32, #tpu.memory_space<vmem>> -> memref<48x128xf32, #tpu.memory_space<vmem>>
      %dma_start3A_129 = arith.constant 0 : i32
      %dma_start3A_130 = tpu.memref_slice %arg6[%add3A_55, %dma_start3A_129] : memref<10000x128xf32, #tpu.memory_space<vmem_shared>> -> memref<48x128xf32, #tpu.memory_space<vmem_shared>>
      %dma_start3A_131 = arith.constant 0 : i32
      %dma_start3A_132 = tpu.memref_slice %arg6[%add3A_55, %dma_start3A_131] : memref<10000x128xf32, #tpu.memory_space<vmem_shared>> -> memref<48x128xf32, #tpu.memory_space<vmem_shared>>
      %dma_start3A_133 = arith.constant 0 : i32
      %dma_start3A_134 = arith.constant 0 : i32
      %dma_start3A_135 = tpu.memref_slice %arg15[%dma_start3A_133, %dma_start3A_134] : memref<80x128xf32, #tpu.memory_space<vmem>> -> memref<48x128xf32, #tpu.memory_space<vmem>>
      tpu.enqueue_dma source(%dma_start3A_135 : memref<48x128xf32, #tpu.memory_space<vmem>>) target(%dma_start3A_132 : memref<48x128xf32, #tpu.memory_space<vmem_shared>>) target_semaphore(%run_scoped3A : memref<!tpu.dma_semaphore, #tpu.memory_space<semaphore_mem>>)
      %dma_wait3A_136 = arith.constant 0 : i32
      %dma_wait3A_137 = arith.constant 0 : i32
      %dma_wait3A_138 = tpu.memref_slice %arg15[%dma_wait3A_136, %dma_wait3A_137] : memref<80x128xf32, #tpu.memory_space<vmem>> -> memref<48x128xf32, #tpu.memory_space<vmem>>
      %dma_wait3A_139 = arith.constant 0 : i32
      %dma_wait3A_140 = tpu.memref_slice %arg6[%add3A_55, %dma_wait3A_139] : memref<10000x128xf32, #tpu.memory_space<vmem_shared>> -> memref<48x128xf32, #tpu.memory_space<vmem_shared>>
      %dma_wait3A_141 = arith.constant 0 : i32
      %dma_wait3A_142 = tpu.memref_slice %arg6[%add3A_55, %dma_wait3A_141] : memref<10000x128xf32, #tpu.memory_space<vmem_shared>> -> memref<48x128xf32, #tpu.memory_space<vmem_shared>>
      %dma_wait3A_143 = arith.constant 0 : i32
      %dma_wait3A_144 = arith.constant 0 : i32
      %dma_wait3A_145 = tpu.memref_slice %arg15[%dma_wait3A_143, %dma_wait3A_144] : memref<80x128xf32, #tpu.memory_space<vmem>> -> memref<48x128xf32, #tpu.memory_space<vmem>>
      tpu.wait_dma2 semaphore(%run_scoped3A : memref<!tpu.dma_semaphore, #tpu.memory_space<semaphore_mem>>) src(%dma_wait3A_145 : memref<48x128xf32, #tpu.memory_space<vmem>>) dst(%dma_wait3A_142 : memref<48x128xf32, #tpu.memory_space<vmem_shared>>)
      tpu.yield
    }) : () -> ()
    %mul3A_56 = arith.constant 624 : i32
    %mul3A_57 = arith.muli %arg1, %mul3A_56 : i32
    %add3A_58 = arith.constant 288 : i32
    %add3A_59 = arith.addi %mul3A_57, %add3A_58 : i32
    "tpu.region"() ({
      %run_scoped3A = tpu.sem_alloc : memref<!tpu.dma_semaphore, #tpu.memory_space<semaphore_mem>>
      %dma_start3A_126 = arith.constant 0 : i32
      %dma_start3A_127 = arith.constant 0 : i32
      %dma_start3A_128 = tpu.memref_slice %arg15[%dma_start3A_126, %dma_start3A_127] : memref<80x128xf32, #tpu.memory_space<vmem>> -> memref<48x128xf32, #tpu.memory_space<vmem>>
      %dma_start3A_129 = arith.constant 0 : i32
      %dma_start3A_130 = tpu.memref_slice %arg6[%add3A_59, %dma_start3A_129] : memref<10000x128xf32, #tpu.memory_space<vmem_shared>> -> memref<48x128xf32, #tpu.memory_space<vmem_shared>>
      %dma_start3A_131 = arith.constant 0 : i32
      %dma_start3A_132 = tpu.memref_slice %arg6[%add3A_59, %dma_start3A_131] : memref<10000x128xf32, #tpu.memory_space<vmem_shared>> -> memref<48x128xf32, #tpu.memory_space<vmem_shared>>
      %dma_start3A_133 = arith.constant 0 : i32
      %dma_start3A_134 = arith.constant 0 : i32
      %dma_start3A_135 = tpu.memref_slice %arg15[%dma_start3A_133, %dma_start3A_134] : memref<80x128xf32, #tpu.memory_space<vmem>> -> memref<48x128xf32, #tpu.memory_space<vmem>>
      tpu.enqueue_dma source(%dma_start3A_135 : memref<48x128xf32, #tpu.memory_space<vmem>>) target(%dma_start3A_132 : memref<48x128xf32, #tpu.memory_space<vmem_shared>>) target_semaphore(%run_scoped3A : memref<!tpu.dma_semaphore, #tpu.memory_space<semaphore_mem>>)
      %dma_wait3A_136 = arith.constant 0 : i32
      %dma_wait3A_137 = arith.constant 0 : i32
      %dma_wait3A_138 = tpu.memref_slice %arg15[%dma_wait3A_136, %dma_wait3A_137] : memref<80x128xf32, #tpu.memory_space<vmem>> -> memref<48x128xf32, #tpu.memory_space<vmem>>
      %dma_wait3A_139 = arith.constant 0 : i32
      %dma_wait3A_140 = tpu.memref_slice %arg6[%add3A_59, %dma_wait3A_139] : memref<10000x128xf32, #tpu.memory_space<vmem_shared>> -> memref<48x128xf32, #tpu.memory_space<vmem_shared>>
      %dma_wait3A_141 = arith.constant 0 : i32
      %dma_wait3A_142 = tpu.memref_slice %arg6[%add3A_59, %dma_wait3A_141] : memref<10000x128xf32, #tpu.memory_space<vmem_shared>> -> memref<48x128xf32, #tpu.memory_space<vmem_shared>>
      %dma_wait3A_143 = arith.constant 0 : i32
      %dma_wait3A_144 = arith.constant 0 : i32
      %dma_wait3A_145 = tpu.memref_slice %arg15[%dma_wait3A_143, %dma_wait3A_144] : memref<80x128xf32, #tpu.memory_space<vmem>> -> memref<48x128xf32, #tpu.memory_space<vmem>>
      tpu.wait_dma2 semaphore(%run_scoped3A : memref<!tpu.dma_semaphore, #tpu.memory_space<semaphore_mem>>) src(%dma_wait3A_145 : memref<48x128xf32, #tpu.memory_space<vmem>>) dst(%dma_wait3A_142 : memref<48x128xf32, #tpu.memory_space<vmem_shared>>)
      tpu.yield
    }) : () -> ()
    %mul3A_60 = arith.constant 624 : i32
    %mul3A_61 = arith.muli %arg1, %mul3A_60 : i32
    %add3A_62 = arith.constant 336 : i32
    %add3A_63 = arith.addi %mul3A_61, %add3A_62 : i32
    "tpu.region"() ({
      %run_scoped3A = tpu.sem_alloc : memref<!tpu.dma_semaphore, #tpu.memory_space<semaphore_mem>>
      %dma_start3A_126 = arith.constant 0 : i32
      %dma_start3A_127 = arith.constant 0 : i32
      %dma_start3A_128 = tpu.memref_slice %arg15[%dma_start3A_126, %dma_start3A_127] : memref<80x128xf32, #tpu.memory_space<vmem>> -> memref<48x128xf32, #tpu.memory_space<vmem>>
      %dma_start3A_129 = arith.constant 0 : i32
      %dma_start3A_130 = tpu.memref_slice %arg6[%add3A_63, %dma_start3A_129] : memref<10000x128xf32, #tpu.memory_space<vmem_shared>> -> memref<48x128xf32, #tpu.memory_space<vmem_shared>>
      %dma_start3A_131 = arith.constant 0 : i32
      %dma_start3A_132 = tpu.memref_slice %arg6[%add3A_63, %dma_start3A_131] : memref<10000x128xf32, #tpu.memory_space<vmem_shared>> -> memref<48x128xf32, #tpu.memory_space<vmem_shared>>
      %dma_start3A_133 = arith.constant 0 : i32
      %dma_start3A_134 = arith.constant 0 : i32
      %dma_start3A_135 = tpu.memref_slice %arg15[%dma_start3A_133, %dma_start3A_134] : memref<80x128xf32, #tpu.memory_space<vmem>> -> memref<48x128xf32, #tpu.memory_space<vmem>>
      tpu.enqueue_dma source(%dma_start3A_135 : memref<48x128xf32, #tpu.memory_space<vmem>>) target(%dma_start3A_132 : memref<48x128xf32, #tpu.memory_space<vmem_shared>>) target_semaphore(%run_scoped3A : memref<!tpu.dma_semaphore, #tpu.memory_space<semaphore_mem>>)
      %dma_wait3A_136 = arith.constant 0 : i32
      %dma_wait3A_137 = arith.constant 0 : i32
      %dma_wait3A_138 = tpu.memref_slice %arg15[%dma_wait3A_136, %dma_wait3A_137] : memref<80x128xf32, #tpu.memory_space<vmem>> -> memref<48x128xf32, #tpu.memory_space<vmem>>
      %dma_wait3A_139 = arith.constant 0 : i32
      %dma_wait3A_140 = tpu.memref_slice %arg6[%add3A_63, %dma_wait3A_139] : memref<10000x128xf32, #tpu.memory_space<vmem_shared>> -> memref<48x128xf32, #tpu.memory_space<vmem_shared>>
      %dma_wait3A_141 = arith.constant 0 : i32
      %dma_wait3A_142 = tpu.memref_slice %arg6[%add3A_63, %dma_wait3A_141] : memref<10000x128xf32, #tpu.memory_space<vmem_shared>> -> memref<48x128xf32, #tpu.memory_space<vmem_shared>>
      %dma_wait3A_143 = arith.constant 0 : i32
      %dma_wait3A_144 = arith.constant 0 : i32
      %dma_wait3A_145 = tpu.memref_slice %arg15[%dma_wait3A_143, %dma_wait3A_144] : memref<80x128xf32, #tpu.memory_space<vmem>> -> memref<48x128xf32, #tpu.memory_space<vmem>>
      tpu.wait_dma2 semaphore(%run_scoped3A : memref<!tpu.dma_semaphore, #tpu.memory_space<semaphore_mem>>) src(%dma_wait3A_145 : memref<48x128xf32, #tpu.memory_space<vmem>>) dst(%dma_wait3A_142 : memref<48x128xf32, #tpu.memory_space<vmem_shared>>)
      tpu.yield
    }) : () -> ()
    %mul3A_64 = arith.constant 624 : i32
    %mul3A_65 = arith.muli %arg1, %mul3A_64 : i32
    %add3A_66 = arith.constant 384 : i32
    %add3A_67 = arith.addi %mul3A_65, %add3A_66 : i32
    "tpu.region"() ({
      %run_scoped3A = tpu.sem_alloc : memref<!tpu.dma_semaphore, #tpu.memory_space<semaphore_mem>>
      %dma_start3A_126 = arith.constant 0 : i32
      %dma_start3A_127 = arith.constant 0 : i32
      %dma_start3A_128 = tpu.memref_slice %arg15[%dma_start3A_126, %dma_start3A_127] : memref<80x128xf32, #tpu.memory_space<vmem>> -> memref<48x128xf32, #tpu.memory_space<vmem>>
      %dma_start3A_129 = arith.constant 0 : i32
      %dma_start3A_130 = tpu.memref_slice %arg6[%add3A_67, %dma_start3A_129] : memref<10000x128xf32, #tpu.memory_space<vmem_shared>> -> memref<48x128xf32, #tpu.memory_space<vmem_shared>>
      %dma_start3A_131 = arith.constant 0 : i32
      %dma_start3A_132 = tpu.memref_slice %arg6[%add3A_67, %dma_start3A_131] : memref<10000x128xf32, #tpu.memory_space<vmem_shared>> -> memref<48x128xf32, #tpu.memory_space<vmem_shared>>
      %dma_start3A_133 = arith.constant 0 : i32
      %dma_start3A_134 = arith.constant 0 : i32
      %dma_start3A_135 = tpu.memref_slice %arg15[%dma_start3A_133, %dma_start3A_134] : memref<80x128xf32, #tpu.memory_space<vmem>> -> memref<48x128xf32, #tpu.memory_space<vmem>>
      tpu.enqueue_dma source(%dma_start3A_135 : memref<48x128xf32, #tpu.memory_space<vmem>>) target(%dma_start3A_132 : memref<48x128xf32, #tpu.memory_space<vmem_shared>>) target_semaphore(%run_scoped3A : memref<!tpu.dma_semaphore, #tpu.memory_space<semaphore_mem>>)
      %dma_wait3A_136 = arith.constant 0 : i32
      %dma_wait3A_137 = arith.constant 0 : i32
      %dma_wait3A_138 = tpu.memref_slice %arg15[%dma_wait3A_136, %dma_wait3A_137] : memref<80x128xf32, #tpu.memory_space<vmem>> -> memref<48x128xf32, #tpu.memory_space<vmem>>
      %dma_wait3A_139 = arith.constant 0 : i32
      %dma_wait3A_140 = tpu.memref_slice %arg6[%add3A_67, %dma_wait3A_139] : memref<10000x128xf32, #tpu.memory_space<vmem_shared>> -> memref<48x128xf32, #tpu.memory_space<vmem_shared>>
      %dma_wait3A_141 = arith.constant 0 : i32
      %dma_wait3A_142 = tpu.memref_slice %arg6[%add3A_67, %dma_wait3A_141] : memref<10000x128xf32, #tpu.memory_space<vmem_shared>> -> memref<48x128xf32, #tpu.memory_space<vmem_shared>>
      %dma_wait3A_143 = arith.constant 0 : i32
      %dma_wait3A_144 = arith.constant 0 : i32
      %dma_wait3A_145 = tpu.memref_slice %arg15[%dma_wait3A_143, %dma_wait3A_144] : memref<80x128xf32, #tpu.memory_space<vmem>> -> memref<48x128xf32, #tpu.memory_space<vmem>>
      tpu.wait_dma2 semaphore(%run_scoped3A : memref<!tpu.dma_semaphore, #tpu.memory_space<semaphore_mem>>) src(%dma_wait3A_145 : memref<48x128xf32, #tpu.memory_space<vmem>>) dst(%dma_wait3A_142 : memref<48x128xf32, #tpu.memory_space<vmem_shared>>)
      tpu.yield
    }) : () -> ()
    %mul3A_68 = arith.constant 624 : i32
    %mul3A_69 = arith.muli %arg1, %mul3A_68 : i32
    %add3A_70 = arith.constant 432 : i32
    %add3A_71 = arith.addi %mul3A_69, %add3A_70 : i32
    "tpu.region"() ({
      %run_scoped3A = tpu.sem_alloc : memref<!tpu.dma_semaphore, #tpu.memory_space<semaphore_mem>>
      %dma_start3A_126 = arith.constant 0 : i32
      %dma_start3A_127 = arith.constant 0 : i32
      %dma_start3A_128 = tpu.memref_slice %arg15[%dma_start3A_126, %dma_start3A_127] : memref<80x128xf32, #tpu.memory_space<vmem>> -> memref<48x128xf32, #tpu.memory_space<vmem>>
      %dma_start3A_129 = arith.constant 0 : i32
      %dma_start3A_130 = tpu.memref_slice %arg6[%add3A_71, %dma_start3A_129] : memref<10000x128xf32, #tpu.memory_space<vmem_shared>> -> memref<48x128xf32, #tpu.memory_space<vmem_shared>>
      %dma_start3A_131 = arith.constant 0 : i32
      %dma_start3A_132 = tpu.memref_slice %arg6[%add3A_71, %dma_start3A_131] : memref<10000x128xf32, #tpu.memory_space<vmem_shared>> -> memref<48x128xf32, #tpu.memory_space<vmem_shared>>
      %dma_start3A_133 = arith.constant 0 : i32
      %dma_start3A_134 = arith.constant 0 : i32
      %dma_start3A_135 = tpu.memref_slice %arg15[%dma_start3A_133, %dma_start3A_134] : memref<80x128xf32, #tpu.memory_space<vmem>> -> memref<48x128xf32, #tpu.memory_space<vmem>>
      tpu.enqueue_dma source(%dma_start3A_135 : memref<48x128xf32, #tpu.memory_space<vmem>>) target(%dma_start3A_132 : memref<48x128xf32, #tpu.memory_space<vmem_shared>>) target_semaphore(%run_scoped3A : memref<!tpu.dma_semaphore, #tpu.memory_space<semaphore_mem>>)
      %dma_wait3A_136 = arith.constant 0 : i32
      %dma_wait3A_137 = arith.constant 0 : i32
      %dma_wait3A_138 = tpu.memref_slice %arg15[%dma_wait3A_136, %dma_wait3A_137] : memref<80x128xf32, #tpu.memory_space<vmem>> -> memref<48x128xf32, #tpu.memory_space<vmem>>
      %dma_wait3A_139 = arith.constant 0 : i32
      %dma_wait3A_140 = tpu.memref_slice %arg6[%add3A_71, %dma_wait3A_139] : memref<10000x128xf32, #tpu.memory_space<vmem_shared>> -> memref<48x128xf32, #tpu.memory_space<vmem_shared>>
      %dma_wait3A_141 = arith.constant 0 : i32
      %dma_wait3A_142 = tpu.memref_slice %arg6[%add3A_71, %dma_wait3A_141] : memref<10000x128xf32, #tpu.memory_space<vmem_shared>> -> memref<48x128xf32, #tpu.memory_space<vmem_shared>>
      %dma_wait3A_143 = arith.constant 0 : i32
      %dma_wait3A_144 = arith.constant 0 : i32
      %dma_wait3A_145 = tpu.memref_slice %arg15[%dma_wait3A_143, %dma_wait3A_144] : memref<80x128xf32, #tpu.memory_space<vmem>> -> memref<48x128xf32, #tpu.memory_space<vmem>>
      tpu.wait_dma2 semaphore(%run_scoped3A : memref<!tpu.dma_semaphore, #tpu.memory_space<semaphore_mem>>) src(%dma_wait3A_145 : memref<48x128xf32, #tpu.memory_space<vmem>>) dst(%dma_wait3A_142 : memref<48x128xf32, #tpu.memory_space<vmem_shared>>)
      tpu.yield
    }) : () -> ()
    %mul3A_72 = arith.constant 624 : i32
    %mul3A_73 = arith.muli %arg1, %mul3A_72 : i32
    %add3A_74 = arith.constant 480 : i32
    %add3A_75 = arith.addi %mul3A_73, %add3A_74 : i32
    "tpu.region"() ({
      %run_scoped3A = tpu.sem_alloc : memref<!tpu.dma_semaphore, #tpu.memory_space<semaphore_mem>>
      %dma_start3A_126 = arith.constant 0 : i32
      %dma_start3A_127 = arith.constant 0 : i32
      %dma_start3A_128 = tpu.memref_slice %arg15[%dma_start3A_126, %dma_start3A_127] : memref<80x128xf32, #tpu.memory_space<vmem>> -> memref<48x128xf32, #tpu.memory_space<vmem>>
      %dma_start3A_129 = arith.constant 0 : i32
      %dma_start3A_130 = tpu.memref_slice %arg6[%add3A_75, %dma_start3A_129] : memref<10000x128xf32, #tpu.memory_space<vmem_shared>> -> memref<48x128xf32, #tpu.memory_space<vmem_shared>>
      %dma_start3A_131 = arith.constant 0 : i32
      %dma_start3A_132 = tpu.memref_slice %arg6[%add3A_75, %dma_start3A_131] : memref<10000x128xf32, #tpu.memory_space<vmem_shared>> -> memref<48x128xf32, #tpu.memory_space<vmem_shared>>
      %dma_start3A_133 = arith.constant 0 : i32
      %dma_start3A_134 = arith.constant 0 : i32
      %dma_start3A_135 = tpu.memref_slice %arg15[%dma_start3A_133, %dma_start3A_134] : memref<80x128xf32, #tpu.memory_space<vmem>> -> memref<48x128xf32, #tpu.memory_space<vmem>>
      tpu.enqueue_dma source(%dma_start3A_135 : memref<48x128xf32, #tpu.memory_space<vmem>>) target(%dma_start3A_132 : memref<48x128xf32, #tpu.memory_space<vmem_shared>>) target_semaphore(%run_scoped3A : memref<!tpu.dma_semaphore, #tpu.memory_space<semaphore_mem>>)
      %dma_wait3A_136 = arith.constant 0 : i32
      %dma_wait3A_137 = arith.constant 0 : i32
      %dma_wait3A_138 = tpu.memref_slice %arg15[%dma_wait3A_136, %dma_wait3A_137] : memref<80x128xf32, #tpu.memory_space<vmem>> -> memref<48x128xf32, #tpu.memory_space<vmem>>
      %dma_wait3A_139 = arith.constant 0 : i32
      %dma_wait3A_140 = tpu.memref_slice %arg6[%add3A_75, %dma_wait3A_139] : memref<10000x128xf32, #tpu.memory_space<vmem_shared>> -> memref<48x128xf32, #tpu.memory_space<vmem_shared>>
      %dma_wait3A_141 = arith.constant 0 : i32
      %dma_wait3A_142 = tpu.memref_slice %arg6[%add3A_75, %dma_wait3A_141] : memref<10000x128xf32, #tpu.memory_space<vmem_shared>> -> memref<48x128xf32, #tpu.memory_space<vmem_shared>>
      %dma_wait3A_143 = arith.constant 0 : i32
      %dma_wait3A_144 = arith.constant 0 : i32
      %dma_wait3A_145 = tpu.memref_slice %arg15[%dma_wait3A_143, %dma_wait3A_144] : memref<80x128xf32, #tpu.memory_space<vmem>> -> memref<48x128xf32, #tpu.memory_space<vmem>>
      tpu.wait_dma2 semaphore(%run_scoped3A : memref<!tpu.dma_semaphore, #tpu.memory_space<semaphore_mem>>) src(%dma_wait3A_145 : memref<48x128xf32, #tpu.memory_space<vmem>>) dst(%dma_wait3A_142 : memref<48x128xf32, #tpu.memory_space<vmem_shared>>)
      tpu.yield
    }) : () -> ()
    %mul3A_76 = arith.constant 624 : i32
    %mul3A_77 = arith.muli %arg1, %mul3A_76 : i32
    %add3A_78 = arith.constant 528 : i32
    %add3A_79 = arith.addi %mul3A_77, %add3A_78 : i32
    "tpu.region"() ({
      %run_scoped3A = tpu.sem_alloc : memref<!tpu.dma_semaphore, #tpu.memory_space<semaphore_mem>>
      %dma_start3A_126 = arith.constant 0 : i32
      %dma_start3A_127 = arith.constant 0 : i32
      %dma_start3A_128 = tpu.memref_slice %arg15[%dma_start3A_126, %dma_start3A_127] : memref<80x128xf32, #tpu.memory_space<vmem>> -> memref<48x128xf32, #tpu.memory_space<vmem>>
      %dma_start3A_129 = arith.constant 0 : i32
      %dma_start3A_130 = tpu.memref_slice %arg6[%add3A_79, %dma_start3A_129] : memref<10000x128xf32, #tpu.memory_space<vmem_shared>> -> memref<48x128xf32, #tpu.memory_space<vmem_shared>>
      %dma_start3A_131 = arith.constant 0 : i32
      %dma_start3A_132 = tpu.memref_slice %arg6[%add3A_79, %dma_start3A_131] : memref<10000x128xf32, #tpu.memory_space<vmem_shared>> -> memref<48x128xf32, #tpu.memory_space<vmem_shared>>
      %dma_start3A_133 = arith.constant 0 : i32
      %dma_start3A_134 = arith.constant 0 : i32
      %dma_start3A_135 = tpu.memref_slice %arg15[%dma_start3A_133, %dma_start3A_134] : memref<80x128xf32, #tpu.memory_space<vmem>> -> memref<48x128xf32, #tpu.memory_space<vmem>>
      tpu.enqueue_dma source(%dma_start3A_135 : memref<48x128xf32, #tpu.memory_space<vmem>>) target(%dma_start3A_132 : memref<48x128xf32, #tpu.memory_space<vmem_shared>>) target_semaphore(%run_scoped3A : memref<!tpu.dma_semaphore, #tpu.memory_space<semaphore_mem>>)
      %dma_wait3A_136 = arith.constant 0 : i32
      %dma_wait3A_137 = arith.constant 0 : i32
      %dma_wait3A_138 = tpu.memref_slice %arg15[%dma_wait3A_136, %dma_wait3A_137] : memref<80x128xf32, #tpu.memory_space<vmem>> -> memref<48x128xf32, #tpu.memory_space<vmem>>
      %dma_wait3A_139 = arith.constant 0 : i32
      %dma_wait3A_140 = tpu.memref_slice %arg6[%add3A_79, %dma_wait3A_139] : memref<10000x128xf32, #tpu.memory_space<vmem_shared>> -> memref<48x128xf32, #tpu.memory_space<vmem_shared>>
      %dma_wait3A_141 = arith.constant 0 : i32
      %dma_wait3A_142 = tpu.memref_slice %arg6[%add3A_79, %dma_wait3A_141] : memref<10000x128xf32, #tpu.memory_space<vmem_shared>> -> memref<48x128xf32, #tpu.memory_space<vmem_shared>>
      %dma_wait3A_143 = arith.constant 0 : i32
      %dma_wait3A_144 = arith.constant 0 : i32
      %dma_wait3A_145 = tpu.memref_slice %arg15[%dma_wait3A_143, %dma_wait3A_144] : memref<80x128xf32, #tpu.memory_space<vmem>> -> memref<48x128xf32, #tpu.memory_space<vmem>>
      tpu.wait_dma2 semaphore(%run_scoped3A : memref<!tpu.dma_semaphore, #tpu.memory_space<semaphore_mem>>) src(%dma_wait3A_145 : memref<48x128xf32, #tpu.memory_space<vmem>>) dst(%dma_wait3A_142 : memref<48x128xf32, #tpu.memory_space<vmem_shared>>)
      tpu.yield
    }) : () -> ()
    %mul3A_80 = arith.constant 624 : i32
    %mul3A_81 = arith.muli %arg1, %mul3A_80 : i32
    %add3A_82 = arith.constant 576 : i32
    %add3A_83 = arith.addi %mul3A_81, %add3A_82 : i32
    "tpu.region"() ({
      %run_scoped3A = tpu.sem_alloc : memref<!tpu.dma_semaphore, #tpu.memory_space<semaphore_mem>>
      %dma_start3A_126 = arith.constant 0 : i32
      %dma_start3A_127 = arith.constant 0 : i32
      %dma_start3A_128 = tpu.memref_slice %arg15[%dma_start3A_126, %dma_start3A_127] : memref<80x128xf32, #tpu.memory_space<vmem>> -> memref<48x128xf32, #tpu.memory_space<vmem>>
      %dma_start3A_129 = arith.constant 0 : i32
      %dma_start3A_130 = tpu.memref_slice %arg6[%add3A_83, %dma_start3A_129] : memref<10000x128xf32, #tpu.memory_space<vmem_shared>> -> memref<48x128xf32, #tpu.memory_space<vmem_shared>>
      %dma_start3A_131 = arith.constant 0 : i32
      %dma_start3A_132 = tpu.memref_slice %arg6[%add3A_83, %dma_start3A_131] : memref<10000x128xf32, #tpu.memory_space<vmem_shared>> -> memref<48x128xf32, #tpu.memory_space<vmem_shared>>
      %dma_start3A_133 = arith.constant 0 : i32
      %dma_start3A_134 = arith.constant 0 : i32
      %dma_start3A_135 = tpu.memref_slice %arg15[%dma_start3A_133, %dma_start3A_134] : memref<80x128xf32, #tpu.memory_space<vmem>> -> memref<48x128xf32, #tpu.memory_space<vmem>>
      tpu.enqueue_dma source(%dma_start3A_135 : memref<48x128xf32, #tpu.memory_space<vmem>>) target(%dma_start3A_132 : memref<48x128xf32, #tpu.memory_space<vmem_shared>>) target_semaphore(%run_scoped3A : memref<!tpu.dma_semaphore, #tpu.memory_space<semaphore_mem>>)
      %dma_wait3A_136 = arith.constant 0 : i32
      %dma_wait3A_137 = arith.constant 0 : i32
      %dma_wait3A_138 = tpu.memref_slice %arg15[%dma_wait3A_136, %dma_wait3A_137] : memref<80x128xf32, #tpu.memory_space<vmem>> -> memref<48x128xf32, #tpu.memory_space<vmem>>
      %dma_wait3A_139 = arith.constant 0 : i32
      %dma_wait3A_140 = tpu.memref_slice %arg6[%add3A_83, %dma_wait3A_139] : memref<10000x128xf32, #tpu.memory_space<vmem_shared>> -> memref<48x128xf32, #tpu.memory_space<vmem_shared>>
      %dma_wait3A_141 = arith.constant 0 : i32
      %dma_wait3A_142 = tpu.memref_slice %arg6[%add3A_83, %dma_wait3A_141] : memref<10000x128xf32, #tpu.memory_space<vmem_shared>> -> memref<48x128xf32, #tpu.memory_space<vmem_shared>>
      %dma_wait3A_143 = arith.constant 0 : i32
      %dma_wait3A_144 = arith.constant 0 : i32
      %dma_wait3A_145 = tpu.memref_slice %arg15[%dma_wait3A_143, %dma_wait3A_144] : memref<80x128xf32, #tpu.memory_space<vmem>> -> memref<48x128xf32, #tpu.memory_space<vmem>>
      tpu.wait_dma2 semaphore(%run_scoped3A : memref<!tpu.dma_semaphore, #tpu.memory_space<semaphore_mem>>) src(%dma_wait3A_145 : memref<48x128xf32, #tpu.memory_space<vmem>>) dst(%dma_wait3A_142 : memref<48x128xf32, #tpu.memory_space<vmem_shared>>)
      tpu.yield
    }) : () -> ()
    %eq3A = arith.constant 0 : i32
    %eq3A_84 = arith.cmpi eq, %arg1, %eq3A : i32
    %convert_element_type3A = arith.extui %eq3A_84 : i1 to i32
    %cond3A = arith.constant 0 : i32
    %cond3A_85 = arith.cmpi ne, %convert_element_type3A, %cond3A : i32
    scf.if %cond3A_85 {
      "tpu.region"() ({
        %run_scoped3A = tpu.sem_alloc : memref<!tpu.dma_semaphore, #tpu.memory_space<semaphore_mem>>
        %dma_start3A_126 = arith.constant 0 : i32
        %dma_start3A_127 = arith.constant 0 : i32
        %dma_start3A_128 = tpu.memref_slice %arg15[%dma_start3A_126, %dma_start3A_127] : memref<80x128xf32, #tpu.memory_space<vmem>> -> memref<16x128xf32, #tpu.memory_space<vmem>>
        %dma_start3A_129 = arith.constant 9984 : i32
        %dma_start3A_130 = arith.constant 0 : i32
        %dma_start3A_131 = tpu.memref_slice %arg6[%dma_start3A_129, %dma_start3A_130] : memref<10000x128xf32, #tpu.memory_space<vmem_shared>> -> memref<16x128xf32, #tpu.memory_space<vmem_shared>>
        %dma_start3A_132 = arith.constant 9984 : i32
        %dma_start3A_133 = arith.constant 0 : i32
        %dma_start3A_134 = tpu.memref_slice %arg6[%dma_start3A_132, %dma_start3A_133] : memref<10000x128xf32, #tpu.memory_space<vmem_shared>> -> memref<16x128xf32, #tpu.memory_space<vmem_shared>>
        %dma_start3A_135 = arith.constant 0 : i32
        %dma_start3A_136 = arith.constant 0 : i32
        %dma_start3A_137 = tpu.memref_slice %arg15[%dma_start3A_135, %dma_start3A_136] : memref<80x128xf32, #tpu.memory_space<vmem>> -> memref<16x128xf32, #tpu.memory_space<vmem>>
        tpu.enqueue_dma source(%dma_start3A_137 : memref<16x128xf32, #tpu.memory_space<vmem>>) target(%dma_start3A_134 : memref<16x128xf32, #tpu.memory_space<vmem_shared>>) target_semaphore(%run_scoped3A : memref<!tpu.dma_semaphore, #tpu.memory_space<semaphore_mem>>)
        %dma_wait3A_138 = arith.constant 0 : i32
        %dma_wait3A_139 = arith.constant 0 : i32
        %dma_wait3A_140 = tpu.memref_slice %arg15[%dma_wait3A_138, %dma_wait3A_139] : memref<80x128xf32, #tpu.memory_space<vmem>> -> memref<16x128xf32, #tpu.memory_space<vmem>>
        %dma_wait3A_141 = arith.constant 9984 : i32
        %dma_wait3A_142 = arith.constant 0 : i32
        %dma_wait3A_143 = tpu.memref_slice %arg6[%dma_wait3A_141, %dma_wait3A_142] : memref<10000x128xf32, #tpu.memory_space<vmem_shared>> -> memref<16x128xf32, #tpu.memory_space<vmem_shared>>
        %dma_wait3A_144 = arith.constant 9984 : i32
        %dma_wait3A_145 = arith.constant 0 : i32
        %dma_wait3A_146 = tpu.memref_slice %arg6[%dma_wait3A_144, %dma_wait3A_145] : memref<10000x128xf32, #tpu.memory_space<vmem_shared>> -> memref<16x128xf32, #tpu.memory_space<vmem_shared>>
        %dma_wait3A_147 = arith.constant 0 : i32
        %dma_wait3A_148 = arith.constant 0 : i32
        %dma_wait3A_149 = tpu.memref_slice %arg15[%dma_wait3A_147, %dma_wait3A_148] : memref<80x128xf32, #tpu.memory_space<vmem>> -> memref<16x128xf32, #tpu.memory_space<vmem>>
        tpu.wait_dma2 semaphore(%run_scoped3A : memref<!tpu.dma_semaphore, #tpu.memory_space<semaphore_mem>>) src(%dma_wait3A_149 : memref<16x128xf32, #tpu.memory_space<vmem>>) dst(%dma_wait3A_146 : memref<16x128xf32, #tpu.memory_space<vmem_shared>>)
        tpu.yield
      }) : () -> ()
    } else {
    }
    %dma_wait3A = arith.constant 0 : i32
    %dma_wait3A_86 = tpu.memref_slice %arg3[%dma_wait3A] : memref<320000xi32, #tpu.memory_space<hbm>> -> memref<80xi32, #tpu.memory_space<hbm>>
    %dma_wait3A_87 = arith.constant 0 : i32
    %dma_wait3A_88 = tpu.memref_slice %arg3[%dma_wait3A_87] : memref<320000xi32, #tpu.memory_space<hbm>> -> memref<80xi32, #tpu.memory_space<hbm>>
    tpu.wait_dma2 semaphore(%arg17 : memref<!tpu.dma_semaphore, #tpu.memory_space<semaphore_mem>>) src(%dma_wait3A_88 : memref<80xi32, #tpu.memory_space<hbm>>) dst(%arg7 : memref<80xi32, #tpu.memory_space<vmem>>)
    %dma_wait3A_89 = arith.constant 0 : i32
    %dma_wait3A_90 = tpu.memref_slice %arg4[%dma_wait3A_89] : memref<320000xi32, #tpu.memory_space<hbm>> -> memref<80xi32, #tpu.memory_space<hbm>>
    %dma_wait3A_91 = arith.constant 0 : i32
    %dma_wait3A_92 = tpu.memref_slice %arg4[%dma_wait3A_91] : memref<320000xi32, #tpu.memory_space<hbm>> -> memref<80xi32, #tpu.memory_space<hbm>>
    tpu.wait_dma2 semaphore(%arg17 : memref<!tpu.dma_semaphore, #tpu.memory_space<semaphore_mem>>) src(%dma_wait3A_92 : memref<80xi32, #tpu.memory_space<hbm>>) dst(%arg11 : memref<80xi32, #tpu.memory_space<vmem>>)
    %dma_start3A_93 = arith.constant 0 : i32
    %dma_start3A_94 = arith.constant 0 : i32
    %dma_start3A_95 = tpu.memref_slice %arg2[%dma_start3A_93, %dma_start3A_94] : memref<10000x128xf32, #tpu.memory_space<hbm>> -> memref<10000x128xf32, #tpu.memory_space<hbm>>
    tpu.enqueue_indirect_dma source(%dma_start3A_95 : memref<10000x128xf32, #tpu.memory_space<hbm>>) target(%arg15 : memref<80x128xf32, #tpu.memory_space<vmem>>) offsets(%arg7 : memref<80xi32, #tpu.memory_space<vmem>>) semaphore(%arg21 : memref<!tpu.dma_semaphore, #tpu.memory_space<semaphore_mem>>)
    %dma_wait3A_96 = arith.constant 0 : i32
    %dma_wait3A_97 = tpu.memref_slice %arg3[%dma_wait3A_96] : memref<320000xi32, #tpu.memory_space<hbm>> -> memref<80xi32, #tpu.memory_space<hbm>>
    %dma_wait3A_98 = arith.constant 0 : i32
    %dma_wait3A_99 = tpu.memref_slice %arg3[%dma_wait3A_98] : memref<320000xi32, #tpu.memory_space<hbm>> -> memref<80xi32, #tpu.memory_space<hbm>>
    tpu.wait_dma2 semaphore(%arg18 : memref<!tpu.dma_semaphore, #tpu.memory_space<semaphore_mem>>) src(%dma_wait3A_99 : memref<80xi32, #tpu.memory_space<hbm>>) dst(%arg8 : memref<80xi32, #tpu.memory_space<vmem>>)
    %dma_wait3A_100 = arith.constant 0 : i32
    %dma_wait3A_101 = tpu.memref_slice %arg4[%dma_wait3A_100] : memref<320000xi32, #tpu.memory_space<hbm>> -> memref<80xi32, #tpu.memory_space<hbm>>
    %dma_wait3A_102 = arith.constant 0 : i32
    %dma_wait3A_103 = tpu.memref_slice %arg4[%dma_wait3A_102] : memref<320000xi32, #tpu.memory_space<hbm>> -> memref<80xi32, #tpu.memory_space<hbm>>
    tpu.wait_dma2 semaphore(%arg18 : memref<!tpu.dma_semaphore, #tpu.memory_space<semaphore_mem>>) src(%dma_wait3A_103 : memref<80xi32, #tpu.memory_space<hbm>>) dst(%arg12 : memref<80xi32, #tpu.memory_space<vmem>>)
    %dma_start3A_104 = arith.constant 0 : i32
    %dma_start3A_105 = arith.constant 0 : i32
    %dma_start3A_106 = tpu.memref_slice %arg2[%dma_start3A_104, %dma_start3A_105] : memref<10000x128xf32, #tpu.memory_space<hbm>> -> memref<10000x128xf32, #tpu.memory_space<hbm>>
    tpu.enqueue_indirect_dma source(%dma_start3A_106 : memref<10000x128xf32, #tpu.memory_space<hbm>>) target(%arg16 : memref<80x128xf32, #tpu.memory_space<vmem>>) offsets(%arg8 : memref<80xi32, #tpu.memory_space<vmem>>) semaphore(%arg22 : memref<!tpu.dma_semaphore, #tpu.memory_space<semaphore_mem>>)
    %barrier3A = arith.constant 0 : index
    tpu.barrier barrier_id(%barrier3A)
    %scan3A_107 = arith.constant 0 : i32
    %scan3A_108 = arith.constant 0 : i32
    %scan3A_109 = arith.constant 31 : i32
    %scan3A_110 = arith.addi %scan3A_108, %scan3A_109 : i32
    %scan3A_111 = arith.constant 1 : i32
    scf.for %scan3A_126 = %scan3A_108 to %scan3A_110 step %scan3A_111  : i32 {
      %mul3A_127 = arith.constant 4 : i32
      %mul3A_128 = arith.muli %mul3A_127, %scan3A_126 : i32
      %add3A_129 = arith.constant 0 : i32
      %add3A_130 = arith.addi %mul3A_128, %add3A_129 : i32
      %dma_wait3A_131 = arith.constant 0 : i32
      %dma_wait3A_132 = arith.constant 0 : i32
      %dma_wait3A_133 = tpu.memref_slice %arg2[%dma_wait3A_131, %dma_wait3A_132] : memref<10000x128xf32, #tpu.memory_space<hbm>> -> memref<10000x128xf32, #tpu.memory_space<hbm>>
      tpu.wait_indirect_dma semaphore(%arg21 : memref<!tpu.dma_semaphore, #tpu.memory_space<semaphore_mem>>) src(%dma_wait3A_133 : memref<10000x128xf32, #tpu.memory_space<hbm>>) dst(%arg15 : memref<80x128xf32, #tpu.memory_space<vmem>>)
      "tpu.region"() ({
        %run_scoped3A = tpu.sem_alloc : memref<!tpu.dma_semaphore, #tpu.memory_space<semaphore_mem>>
        %dma_start3A_204 = arith.constant 0 : i32
        %dma_start3A_205 = arith.constant 0 : i32
        %dma_start3A_206 = tpu.memref_slice %arg6[%dma_start3A_204, %dma_start3A_205] : memref<10000x128xf32, #tpu.memory_space<vmem_shared>> -> memref<10000x128xf32, #tpu.memory_space<vmem_shared>>
        tpu.enqueue_indirect_dma source(%arg15 : memref<80x128xf32, #tpu.memory_space<vmem>>) target(%dma_start3A_206 : memref<10000x128xf32, #tpu.memory_space<vmem_shared>>) offsets(%arg11 : memref<80xi32, #tpu.memory_space<vmem>>) semaphore(%run_scoped3A : memref<!tpu.dma_semaphore, #tpu.memory_space<semaphore_mem>>) {add = true}
        %dma_wait3A_207 = arith.constant 0 : i32
        %dma_wait3A_208 = arith.constant 0 : i32
        %dma_wait3A_209 = tpu.memref_slice %arg6[%dma_wait3A_207, %dma_wait3A_208] : memref<10000x128xf32, #tpu.memory_space<vmem_shared>> -> memref<10000x128xf32, #tpu.memory_space<vmem_shared>>
        tpu.wait_indirect_dma semaphore(%run_scoped3A : memref<!tpu.dma_semaphore, #tpu.memory_space<semaphore_mem>>) src(%arg15 : memref<80x128xf32, #tpu.memory_space<vmem>>) dst(%dma_wait3A_209 : memref<10000x128xf32, #tpu.memory_space<vmem_shared>>)
        tpu.yield
      }) : () -> ()
      %add3A_134 = arith.constant 2 : i32
      %add3A_135 = arith.addi %add3A_130, %add3A_134 : i32
      %lt3A = arith.constant 125 : i32
      %lt3A_136 = arith.cmpi slt, %add3A_135, %lt3A : i32
      %convert_element_type3A_137 = arith.extui %lt3A_136 : i1 to i32
      %cond3A_138 = arith.constant 0 : i32
      %cond3A_139 = arith.cmpi ne, %convert_element_type3A_137, %cond3A_138 : i32
      scf.if %cond3A_139 {
        %dma_wait3A_204 = arith.constant 0 : i32
        %dma_wait3A_205 = tpu.memref_slice %arg3[%dma_wait3A_204] : memref<320000xi32, #tpu.memory_space<hbm>> -> memref<80xi32, #tpu.memory_space<hbm>>
        %dma_wait3A_206 = arith.constant 0 : i32
        %dma_wait3A_207 = tpu.memref_slice %arg3[%dma_wait3A_206] : memref<320000xi32, #tpu.memory_space<hbm>> -> memref<80xi32, #tpu.memory_space<hbm>>
        tpu.wait_dma2 semaphore(%arg19 : memref<!tpu.dma_semaphore, #tpu.memory_space<semaphore_mem>>) src(%dma_wait3A_207 : memref<80xi32, #tpu.memory_space<hbm>>) dst(%arg9 : memref<80xi32, #tpu.memory_space<vmem>>)
        %dma_wait3A_208 = arith.constant 0 : i32
        %dma_wait3A_209 = tpu.memref_slice %arg4[%dma_wait3A_208] : memref<320000xi32, #tpu.memory_space<hbm>> -> memref<80xi32, #tpu.memory_space<hbm>>
        %dma_wait3A_210 = arith.constant 0 : i32
        %dma_wait3A_211 = tpu.memref_slice %arg4[%dma_wait3A_210] : memref<320000xi32, #tpu.memory_space<hbm>> -> memref<80xi32, #tpu.memory_space<hbm>>
        tpu.wait_dma2 semaphore(%arg19 : memref<!tpu.dma_semaphore, #tpu.memory_space<semaphore_mem>>) src(%dma_wait3A_211 : memref<80xi32, #tpu.memory_space<hbm>>) dst(%arg13 : memref<80xi32, #tpu.memory_space<vmem>>)
        %dma_start3A_212 = arith.constant 0 : i32
        %dma_start3A_213 = arith.constant 0 : i32
        %dma_start3A_214 = tpu.memref_slice %arg2[%dma_start3A_212, %dma_start3A_213] : memref<10000x128xf32, #tpu.memory_space<hbm>> -> memref<10000x128xf32, #tpu.memory_space<hbm>>
        tpu.enqueue_indirect_dma source(%dma_start3A_214 : memref<10000x128xf32, #tpu.memory_space<hbm>>) target(%arg15 : memref<80x128xf32, #tpu.memory_space<vmem>>) offsets(%arg9 : memref<80xi32, #tpu.memory_space<vmem>>) semaphore(%arg21 : memref<!tpu.dma_semaphore, #tpu.memory_space<semaphore_mem>>)
      } else {
      }
      %add3A_140 = arith.constant 4 : i32
      %add3A_141 = arith.addi %add3A_130, %add3A_140 : i32
      %lt3A_142 = arith.constant 125 : i32
      %lt3A_143 = arith.cmpi slt, %add3A_141, %lt3A_142 : i32
      %convert_element_type3A_144 = arith.extui %lt3A_143 : i1 to i32
      %cond3A_145 = arith.constant 0 : i32
      %cond3A_146 = arith.cmpi ne, %convert_element_type3A_144, %cond3A_145 : i32
      scf.if %cond3A_146 {
        %add3A_204 = arith.constant 4 : i32
        %add3A_205 = arith.addi %add3A_130, %add3A_204 : i32
        %mul3A_206 = arith.constant 80 : i32
        %mul3A_207 = arith.muli %add3A_205, %mul3A_206 : i32
        %add3A_208 = arith.addi %mul3A_2, %mul3A_207 : i32
        %dma_start3A_209 = tpu.memref_slice %arg3[%add3A_208] : memref<320000xi32, #tpu.memory_space<hbm>> -> memref<80xi32, #tpu.memory_space<hbm>>
        %dma_start3A_210 = tpu.memref_slice %arg3[%add3A_208] : memref<320000xi32, #tpu.memory_space<hbm>> -> memref<80xi32, #tpu.memory_space<hbm>>
        tpu.enqueue_dma source(%dma_start3A_210 : memref<80xi32, #tpu.memory_space<hbm>>) target(%arg7 : memref<80xi32, #tpu.memory_space<vmem>>) target_semaphore(%arg17 : memref<!tpu.dma_semaphore, #tpu.memory_space<semaphore_mem>>)
        %dma_start3A_211 = tpu.memref_slice %arg4[%add3A_208] : memref<320000xi32, #tpu.memory_space<hbm>> -> memref<80xi32, #tpu.memory_space<hbm>>
        %dma_start3A_212 = tpu.memref_slice %arg4[%add3A_208] : memref<320000xi32, #tpu.memory_space<hbm>> -> memref<80xi32, #tpu.memory_space<hbm>>
        tpu.enqueue_dma source(%dma_start3A_212 : memref<80xi32, #tpu.memory_space<hbm>>) target(%arg11 : memref<80xi32, #tpu.memory_space<vmem>>) target_semaphore(%arg17 : memref<!tpu.dma_semaphore, #tpu.memory_space<semaphore_mem>>)
      } else {
      }
      %add3A_147 = arith.constant 1 : i32
      %add3A_148 = arith.addi %mul3A_128, %add3A_147 : i32
      %dma_wait3A_149 = arith.constant 0 : i32
      %dma_wait3A_150 = arith.constant 0 : i32
      %dma_wait3A_151 = tpu.memref_slice %arg2[%dma_wait3A_149, %dma_wait3A_150] : memref<10000x128xf32, #tpu.memory_space<hbm>> -> memref<10000x128xf32, #tpu.memory_space<hbm>>
      tpu.wait_indirect_dma semaphore(%arg22 : memref<!tpu.dma_semaphore, #tpu.memory_space<semaphore_mem>>) src(%dma_wait3A_151 : memref<10000x128xf32, #tpu.memory_space<hbm>>) dst(%arg16 : memref<80x128xf32, #tpu.memory_space<vmem>>)
      "tpu.region"() ({
        %run_scoped3A = tpu.sem_alloc : memref<!tpu.dma_semaphore, #tpu.memory_space<semaphore_mem>>
        %dma_start3A_204 = arith.constant 0 : i32
        %dma_start3A_205 = arith.constant 0 : i32
        %dma_start3A_206 = tpu.memref_slice %arg6[%dma_start3A_204, %dma_start3A_205] : memref<10000x128xf32, #tpu.memory_space<vmem_shared>> -> memref<10000x128xf32, #tpu.memory_space<vmem_shared>>
        tpu.enqueue_indirect_dma source(%arg16 : memref<80x128xf32, #tpu.memory_space<vmem>>) target(%dma_start3A_206 : memref<10000x128xf32, #tpu.memory_space<vmem_shared>>) offsets(%arg12 : memref<80xi32, #tpu.memory_space<vmem>>) semaphore(%run_scoped3A : memref<!tpu.dma_semaphore, #tpu.memory_space<semaphore_mem>>) {add = true}
        %dma_wait3A_207 = arith.constant 0 : i32
        %dma_wait3A_208 = arith.constant 0 : i32
        %dma_wait3A_209 = tpu.memref_slice %arg6[%dma_wait3A_207, %dma_wait3A_208] : memref<10000x128xf32, #tpu.memory_space<vmem_shared>> -> memref<10000x128xf32, #tpu.memory_space<vmem_shared>>
        tpu.wait_indirect_dma semaphore(%run_scoped3A : memref<!tpu.dma_semaphore, #tpu.memory_space<semaphore_mem>>) src(%arg16 : memref<80x128xf32, #tpu.memory_space<vmem>>) dst(%dma_wait3A_209 : memref<10000x128xf32, #tpu.memory_space<vmem_shared>>)
        tpu.yield
      }) : () -> ()
      %add3A_152 = arith.constant 2 : i32
      %add3A_153 = arith.addi %add3A_148, %add3A_152 : i32
      %lt3A_154 = arith.constant 125 : i32
      %lt3A_155 = arith.cmpi slt, %add3A_153, %lt3A_154 : i32
      %convert_element_type3A_156 = arith.extui %lt3A_155 : i1 to i32
      %cond3A_157 = arith.constant 0 : i32
      %cond3A_158 = arith.cmpi ne, %convert_element_type3A_156, %cond3A_157 : i32
      scf.if %cond3A_158 {
        %dma_wait3A_204 = arith.constant 0 : i32
        %dma_wait3A_205 = tpu.memref_slice %arg3[%dma_wait3A_204] : memref<320000xi32, #tpu.memory_space<hbm>> -> memref<80xi32, #tpu.memory_space<hbm>>
        %dma_wait3A_206 = arith.constant 0 : i32
        %dma_wait3A_207 = tpu.memref_slice %arg3[%dma_wait3A_206] : memref<320000xi32, #tpu.memory_space<hbm>> -> memref<80xi32, #tpu.memory_space<hbm>>
        tpu.wait_dma2 semaphore(%arg20 : memref<!tpu.dma_semaphore, #tpu.memory_space<semaphore_mem>>) src(%dma_wait3A_207 : memref<80xi32, #tpu.memory_space<hbm>>) dst(%arg10 : memref<80xi32, #tpu.memory_space<vmem>>)
        %dma_wait3A_208 = arith.constant 0 : i32
        %dma_wait3A_209 = tpu.memref_slice %arg4[%dma_wait3A_208] : memref<320000xi32, #tpu.memory_space<hbm>> -> memref<80xi32, #tpu.memory_space<hbm>>
        %dma_wait3A_210 = arith.constant 0 : i32
        %dma_wait3A_211 = tpu.memref_slice %arg4[%dma_wait3A_210] : memref<320000xi32, #tpu.memory_space<hbm>> -> memref<80xi32, #tpu.memory_space<hbm>>
        tpu.wait_dma2 semaphore(%arg20 : memref<!tpu.dma_semaphore, #tpu.memory_space<semaphore_mem>>) src(%dma_wait3A_211 : memref<80xi32, #tpu.memory_space<hbm>>) dst(%arg14 : memref<80xi32, #tpu.memory_space<vmem>>)
        %dma_start3A_212 = arith.constant 0 : i32
        %dma_start3A_213 = arith.constant 0 : i32
        %dma_start3A_214 = tpu.memref_slice %arg2[%dma_start3A_212, %dma_start3A_213] : memref<10000x128xf32, #tpu.memory_space<hbm>> -> memref<10000x128xf32, #tpu.memory_space<hbm>>
        tpu.enqueue_indirect_dma source(%dma_start3A_214 : memref<10000x128xf32, #tpu.memory_space<hbm>>) target(%arg16 : memref<80x128xf32, #tpu.memory_space<vmem>>) offsets(%arg10 : memref<80xi32, #tpu.memory_space<vmem>>) semaphore(%arg22 : memref<!tpu.dma_semaphore, #tpu.memory_space<semaphore_mem>>)
      } else {
      }
      %add3A_159 = arith.constant 4 : i32
      %add3A_160 = arith.addi %add3A_148, %add3A_159 : i32
      %lt3A_161 = arith.constant 125 : i32
      %lt3A_162 = arith.cmpi slt, %add3A_160, %lt3A_161 : i32
      %convert_element_type3A_163 = arith.extui %lt3A_162 : i1 to i32
      %cond3A_164 = arith.constant 0 : i32
      %cond3A_165 = arith.cmpi ne, %convert_element_type3A_163, %cond3A_164 : i32
      scf.if %cond3A_165 {
        %add3A_204 = arith.constant 4 : i32
        %add3A_205 = arith.addi %add3A_148, %add3A_204 : i32
        %mul3A_206 = arith.constant 80 : i32
        %mul3A_207 = arith.muli %add3A_205, %mul3A_206 : i32
        %add3A_208 = arith.addi %mul3A_2, %mul3A_207 : i32
        %dma_start3A_209 = tpu.memref_slice %arg3[%add3A_208] : memref<320000xi32, #tpu.memory_space<hbm>> -> memref<80xi32, #tpu.memory_space<hbm>>
        %dma_start3A_210 = tpu.memref_slice %arg3[%add3A_208] : memref<320000xi32, #tpu.memory_space<hbm>> -> memref<80xi32, #tpu.memory_space<hbm>>
        tpu.enqueue_dma source(%dma_start3A_210 : memref<80xi32, #tpu.memory_space<hbm>>) target(%arg8 : memref<80xi32, #tpu.memory_space<vmem>>) target_semaphore(%arg18 : memref<!tpu.dma_semaphore, #tpu.memory_space<semaphore_mem>>)
        %dma_start3A_211 = tpu.memref_slice %arg4[%add3A_208] : memref<320000xi32, #tpu.memory_space<hbm>> -> memref<80xi32, #tpu.memory_space<hbm>>
        %dma_start3A_212 = tpu.memref_slice %arg4[%add3A_208] : memref<320000xi32, #tpu.memory_space<hbm>> -> memref<80xi32, #tpu.memory_space<hbm>>
        tpu.enqueue_dma source(%dma_start3A_212 : memref<80xi32, #tpu.memory_space<hbm>>) target(%arg12 : memref<80xi32, #tpu.memory_space<vmem>>) target_semaphore(%arg18 : memref<!tpu.dma_semaphore, #tpu.memory_space<semaphore_mem>>)
      } else {
      }
      %add3A_166 = arith.constant 2 : i32
      %add3A_167 = arith.addi %mul3A_128, %add3A_166 : i32
      %dma_wait3A_168 = arith.constant 0 : i32
      %dma_wait3A_169 = arith.constant 0 : i32
      %dma_wait3A_170 = tpu.memref_slice %arg2[%dma_wait3A_168, %dma_wait3A_169] : memref<10000x128xf32, #tpu.memory_space<hbm>> -> memref<10000x128xf32, #tpu.memory_space<hbm>>
      tpu.wait_indirect_dma semaphore(%arg21 : memref<!tpu.dma_semaphore, #tpu.memory_space<semaphore_mem>>) src(%dma_wait3A_170 : memref<10000x128xf32, #tpu.memory_space<hbm>>) dst(%arg15 : memref<80x128xf32, #tpu.memory_space<vmem>>)
      "tpu.region"() ({
        %run_scoped3A = tpu.sem_alloc : memref<!tpu.dma_semaphore, #tpu.memory_space<semaphore_mem>>
        %dma_start3A_204 = arith.constant 0 : i32
        %dma_start3A_205 = arith.constant 0 : i32
        %dma_start3A_206 = tpu.memref_slice %arg6[%dma_start3A_204, %dma_start3A_205] : memref<10000x128xf32, #tpu.memory_space<vmem_shared>> -> memref<10000x128xf32, #tpu.memory_space<vmem_shared>>
        tpu.enqueue_indirect_dma source(%arg15 : memref<80x128xf32, #tpu.memory_space<vmem>>) target(%dma_start3A_206 : memref<10000x128xf32, #tpu.memory_space<vmem_shared>>) offsets(%arg13 : memref<80xi32, #tpu.memory_space<vmem>>) semaphore(%run_scoped3A : memref<!tpu.dma_semaphore, #tpu.memory_space<semaphore_mem>>) {add = true}
        %dma_wait3A_207 = arith.constant 0 : i32
        %dma_wait3A_208 = arith.constant 0 : i32
        %dma_wait3A_209 = tpu.memref_slice %arg6[%dma_wait3A_207, %dma_wait3A_208] : memref<10000x128xf32, #tpu.memory_space<vmem_shared>> -> memref<10000x128xf32, #tpu.memory_space<vmem_shared>>
        tpu.wait_indirect_dma semaphore(%run_scoped3A : memref<!tpu.dma_semaphore, #tpu.memory_space<semaphore_mem>>) src(%arg15 : memref<80x128xf32, #tpu.memory_space<vmem>>) dst(%dma_wait3A_209 : memref<10000x128xf32, #tpu.memory_space<vmem_shared>>)
        tpu.yield
      }) : () -> ()
      %add3A_171 = arith.constant 2 : i32
      %add3A_172 = arith.addi %add3A_167, %add3A_171 : i32
      %lt3A_173 = arith.constant 125 : i32
      %lt3A_174 = arith.cmpi slt, %add3A_172, %lt3A_173 : i32
      %convert_element_type3A_175 = arith.extui %lt3A_174 : i1 to i32
      %cond3A_176 = arith.constant 0 : i32
      %cond3A_177 = arith.cmpi ne, %convert_element_type3A_175, %cond3A_176 : i32
      scf.if %cond3A_177 {
        %dma_wait3A_204 = arith.constant 0 : i32
        %dma_wait3A_205 = tpu.memref_slice %arg3[%dma_wait3A_204] : memref<320000xi32, #tpu.memory_space<hbm>> -> memref<80xi32, #tpu.memory_space<hbm>>
        %dma_wait3A_206 = arith.constant 0 : i32
        %dma_wait3A_207 = tpu.memref_slice %arg3[%dma_wait3A_206] : memref<320000xi32, #tpu.memory_space<hbm>> -> memref<80xi32, #tpu.memory_space<hbm>>
        tpu.wait_dma2 semaphore(%arg17 : memref<!tpu.dma_semaphore, #tpu.memory_space<semaphore_mem>>) src(%dma_wait3A_207 : memref<80xi32, #tpu.memory_space<hbm>>) dst(%arg7 : memref<80xi32, #tpu.memory_space<vmem>>)
        %dma_wait3A_208 = arith.constant 0 : i32
        %dma_wait3A_209 = tpu.memref_slice %arg4[%dma_wait3A_208] : memref<320000xi32, #tpu.memory_space<hbm>> -> memref<80xi32, #tpu.memory_space<hbm>>
        %dma_wait3A_210 = arith.constant 0 : i32
        %dma_wait3A_211 = tpu.memref_slice %arg4[%dma_wait3A_210] : memref<320000xi32, #tpu.memory_space<hbm>> -> memref<80xi32, #tpu.memory_space<hbm>>
        tpu.wait_dma2 semaphore(%arg17 : memref<!tpu.dma_semaphore, #tpu.memory_space<semaphore_mem>>) src(%dma_wait3A_211 : memref<80xi32, #tpu.memory_space<hbm>>) dst(%arg11 : memref<80xi32, #tpu.memory_space<vmem>>)
        %dma_start3A_212 = arith.constant 0 : i32
        %dma_start3A_213 = arith.constant 0 : i32
        %dma_start3A_214 = tpu.memref_slice %arg2[%dma_start3A_212, %dma_start3A_213] : memref<10000x128xf32, #tpu.memory_space<hbm>> -> memref<10000x128xf32, #tpu.memory_space<hbm>>
        tpu.enqueue_indirect_dma source(%dma_start3A_214 : memref<10000x128xf32, #tpu.memory_space<hbm>>) target(%arg15 : memref<80x128xf32, #tpu.memory_space<vmem>>) offsets(%arg7 : memref<80xi32, #tpu.memory_space<vmem>>) semaphore(%arg21 : memref<!tpu.dma_semaphore, #tpu.memory_space<semaphore_mem>>)
      } else {
      }
      %add3A_178 = arith.constant 4 : i32
      %add3A_179 = arith.addi %add3A_167, %add3A_178 : i32
      %lt3A_180 = arith.constant 125 : i32
      %lt3A_181 = arith.cmpi slt, %add3A_179, %lt3A_180 : i32
      %convert_element_type3A_182 = arith.extui %lt3A_181 : i1 to i32
      %cond3A_183 = arith.constant 0 : i32
      %cond3A_184 = arith.cmpi ne, %convert_element_type3A_182, %cond3A_183 : i32
      scf.if %cond3A_184 {
        %add3A_204 = arith.constant 4 : i32
        %add3A_205 = arith.addi %add3A_167, %add3A_204 : i32
        %mul3A_206 = arith.constant 80 : i32
        %mul3A_207 = arith.muli %add3A_205, %mul3A_206 : i32
        %add3A_208 = arith.addi %mul3A_2, %mul3A_207 : i32
        %dma_start3A_209 = tpu.memref_slice %arg3[%add3A_208] : memref<320000xi32, #tpu.memory_space<hbm>> -> memref<80xi32, #tpu.memory_space<hbm>>
        %dma_start3A_210 = tpu.memref_slice %arg3[%add3A_208] : memref<320000xi32, #tpu.memory_space<hbm>> -> memref<80xi32, #tpu.memory_space<hbm>>
        tpu.enqueue_dma source(%dma_start3A_210 : memref<80xi32, #tpu.memory_space<hbm>>) target(%arg9 : memref<80xi32, #tpu.memory_space<vmem>>) target_semaphore(%arg19 : memref<!tpu.dma_semaphore, #tpu.memory_space<semaphore_mem>>)
        %dma_start3A_211 = tpu.memref_slice %arg4[%add3A_208] : memref<320000xi32, #tpu.memory_space<hbm>> -> memref<80xi32, #tpu.memory_space<hbm>>
        %dma_start3A_212 = tpu.memref_slice %arg4[%add3A_208] : memref<320000xi32, #tpu.memory_space<hbm>> -> memref<80xi32, #tpu.memory_space<hbm>>
        tpu.enqueue_dma source(%dma_start3A_212 : memref<80xi32, #tpu.memory_space<hbm>>) target(%arg13 : memref<80xi32, #tpu.memory_space<vmem>>) target_semaphore(%arg19 : memref<!tpu.dma_semaphore, #tpu.memory_space<semaphore_mem>>)
      } else {
      }
      %add3A_185 = arith.constant 3 : i32
      %add3A_186 = arith.addi %mul3A_128, %add3A_185 : i32
      %dma_wait3A_187 = arith.constant 0 : i32
      %dma_wait3A_188 = arith.constant 0 : i32
      %dma_wait3A_189 = tpu.memref_slice %arg2[%dma_wait3A_187, %dma_wait3A_188] : memref<10000x128xf32, #tpu.memory_space<hbm>> -> memref<10000x128xf32, #tpu.memory_space<hbm>>
      tpu.wait_indirect_dma semaphore(%arg22 : memref<!tpu.dma_semaphore, #tpu.memory_space<semaphore_mem>>) src(%dma_wait3A_189 : memref<10000x128xf32, #tpu.memory_space<hbm>>) dst(%arg16 : memref<80x128xf32, #tpu.memory_space<vmem>>)
      "tpu.region"() ({
        %run_scoped3A = tpu.sem_alloc : memref<!tpu.dma_semaphore, #tpu.memory_space<semaphore_mem>>
        %dma_start3A_204 = arith.constant 0 : i32
        %dma_start3A_205 = arith.constant 0 : i32
        %dma_start3A_206 = tpu.memref_slice %arg6[%dma_start3A_204, %dma_start3A_205] : memref<10000x128xf32, #tpu.memory_space<vmem_shared>> -> memref<10000x128xf32, #tpu.memory_space<vmem_shared>>
        tpu.enqueue_indirect_dma source(%arg16 : memref<80x128xf32, #tpu.memory_space<vmem>>) target(%dma_start3A_206 : memref<10000x128xf32, #tpu.memory_space<vmem_shared>>) offsets(%arg14 : memref<80xi32, #tpu.memory_space<vmem>>) semaphore(%run_scoped3A : memref<!tpu.dma_semaphore, #tpu.memory_space<semaphore_mem>>) {add = true}
        %dma_wait3A_207 = arith.constant 0 : i32
        %dma_wait3A_208 = arith.constant 0 : i32
        %dma_wait3A_209 = tpu.memref_slice %arg6[%dma_wait3A_207, %dma_wait3A_208] : memref<10000x128xf32, #tpu.memory_space<vmem_shared>> -> memref<10000x128xf32, #tpu.memory_space<vmem_shared>>
        tpu.wait_indirect_dma semaphore(%run_scoped3A : memref<!tpu.dma_semaphore, #tpu.memory_space<semaphore_mem>>) src(%arg16 : memref<80x128xf32, #tpu.memory_space<vmem>>) dst(%dma_wait3A_209 : memref<10000x128xf32, #tpu.memory_space<vmem_shared>>)
        tpu.yield
      }) : () -> ()
      %add3A_190 = arith.constant 2 : i32
      %add3A_191 = arith.addi %add3A_186, %add3A_190 : i32
      %lt3A_192 = arith.constant 125 : i32
      %lt3A_193 = arith.cmpi slt, %add3A_191, %lt3A_192 : i32
      %convert_element_type3A_194 = arith.extui %lt3A_193 : i1 to i32
      %cond3A_195 = arith.constant 0 : i32
      %cond3A_196 = arith.cmpi ne, %convert_element_type3A_194, %cond3A_195 : i32
      scf.if %cond3A_196 {
        %dma_wait3A_204 = arith.constant 0 : i32
        %dma_wait3A_205 = tpu.memref_slice %arg3[%dma_wait3A_204] : memref<320000xi32, #tpu.memory_space<hbm>> -> memref<80xi32, #tpu.memory_space<hbm>>
        %dma_wait3A_206 = arith.constant 0 : i32
        %dma_wait3A_207 = tpu.memref_slice %arg3[%dma_wait3A_206] : memref<320000xi32, #tpu.memory_space<hbm>> -> memref<80xi32, #tpu.memory_space<hbm>>
        tpu.wait_dma2 semaphore(%arg18 : memref<!tpu.dma_semaphore, #tpu.memory_space<semaphore_mem>>) src(%dma_wait3A_207 : memref<80xi32, #tpu.memory_space<hbm>>) dst(%arg8 : memref<80xi32, #tpu.memory_space<vmem>>)
        %dma_wait3A_208 = arith.constant 0 : i32
        %dma_wait3A_209 = tpu.memref_slice %arg4[%dma_wait3A_208] : memref<320000xi32, #tpu.memory_space<hbm>> -> memref<80xi32, #tpu.memory_space<hbm>>
        %dma_wait3A_210 = arith.constant 0 : i32
        %dma_wait3A_211 = tpu.memref_slice %arg4[%dma_wait3A_210] : memref<320000xi32, #tpu.memory_space<hbm>> -> memref<80xi32, #tpu.memory_space<hbm>>
        tpu.wait_dma2 semaphore(%arg18 : memref<!tpu.dma_semaphore, #tpu.memory_space<semaphore_mem>>) src(%dma_wait3A_211 : memref<80xi32, #tpu.memory_space<hbm>>) dst(%arg12 : memref<80xi32, #tpu.memory_space<vmem>>)
        %dma_start3A_212 = arith.constant 0 : i32
        %dma_start3A_213 = arith.constant 0 : i32
        %dma_start3A_214 = tpu.memref_slice %arg2[%dma_start3A_212, %dma_start3A_213] : memref<10000x128xf32, #tpu.memory_space<hbm>> -> memref<10000x128xf32, #tpu.memory_space<hbm>>
        tpu.enqueue_indirect_dma source(%dma_start3A_214 : memref<10000x128xf32, #tpu.memory_space<hbm>>) target(%arg16 : memref<80x128xf32, #tpu.memory_space<vmem>>) offsets(%arg8 : memref<80xi32, #tpu.memory_space<vmem>>) semaphore(%arg22 : memref<!tpu.dma_semaphore, #tpu.memory_space<semaphore_mem>>)
      } else {
      }
      %add3A_197 = arith.constant 4 : i32
      %add3A_198 = arith.addi %add3A_186, %add3A_197 : i32
      %lt3A_199 = arith.constant 125 : i32
      %lt3A_200 = arith.cmpi slt, %add3A_198, %lt3A_199 : i32
      %convert_element_type3A_201 = arith.extui %lt3A_200 : i1 to i32
      %cond3A_202 = arith.constant 0 : i32
      %cond3A_203 = arith.cmpi ne, %convert_element_type3A_201, %cond3A_202 : i32
      scf.if %cond3A_203 {
        %add3A_204 = arith.constant 4 : i32
        %add3A_205 = arith.addi %add3A_186, %add3A_204 : i32
        %mul3A_206 = arith.constant 80 : i32
        %mul3A_207 = arith.muli %add3A_205, %mul3A_206 : i32
        %add3A_208 = arith.addi %mul3A_2, %mul3A_207 : i32
        %dma_start3A_209 = tpu.memref_slice %arg3[%add3A_208] : memref<320000xi32, #tpu.memory_space<hbm>> -> memref<80xi32, #tpu.memory_space<hbm>>
        %dma_start3A_210 = tpu.memref_slice %arg3[%add3A_208] : memref<320000xi32, #tpu.memory_space<hbm>> -> memref<80xi32, #tpu.memory_space<hbm>>
        tpu.enqueue_dma source(%dma_start3A_210 : memref<80xi32, #tpu.memory_space<hbm>>) target(%arg10 : memref<80xi32, #tpu.memory_space<vmem>>) target_semaphore(%arg20 : memref<!tpu.dma_semaphore, #tpu.memory_space<semaphore_mem>>)
        %dma_start3A_211 = tpu.memref_slice %arg4[%add3A_208] : memref<320000xi32, #tpu.memory_space<hbm>> -> memref<80xi32, #tpu.memory_space<hbm>>
        %dma_start3A_212 = tpu.memref_slice %arg4[%add3A_208] : memref<320000xi32, #tpu.memory_space<hbm>> -> memref<80xi32, #tpu.memory_space<hbm>>
        tpu.enqueue_dma source(%dma_start3A_212 : memref<80xi32, #tpu.memory_space<hbm>>) target(%arg14 : memref<80xi32, #tpu.memory_space<vmem>>) target_semaphore(%arg20 : memref<!tpu.dma_semaphore, #tpu.memory_space<semaphore_mem>>)
      } else {
      }
    }
    %scan3A_112 = arith.constant 31 : i32
    %dma_wait3A_113 = arith.constant 0 : i32
    %dma_wait3A_114 = arith.constant 0 : i32
    %dma_wait3A_115 = tpu.memref_slice %arg2[%dma_wait3A_113, %dma_wait3A_114] : memref<10000x128xf32, #tpu.memory_space<hbm>> -> memref<10000x128xf32, #tpu.memory_space<hbm>>
    tpu.wait_indirect_dma semaphore(%arg21 : memref<!tpu.dma_semaphore, #tpu.memory_space<semaphore_mem>>) src(%dma_wait3A_115 : memref<10000x128xf32, #tpu.memory_space<hbm>>) dst(%arg15 : memref<80x128xf32, #tpu.memory_space<vmem>>)
    "tpu.region"() ({
      %run_scoped3A = tpu.sem_alloc : memref<!tpu.dma_semaphore, #tpu.memory_space<semaphore_mem>>
      %dma_start3A_126 = arith.constant 0 : i32
      %dma_start3A_127 = arith.constant 0 : i32
      %dma_start3A_128 = tpu.memref_slice %arg6[%dma_start3A_126, %dma_start3A_127] : memref<10000x128xf32, #tpu.memory_space<vmem_shared>> -> memref<10000x128xf32, #tpu.memory_space<vmem_shared>>
      tpu.enqueue_indirect_dma source(%arg15 : memref<80x128xf32, #tpu.memory_space<vmem>>) target(%dma_start3A_128 : memref<10000x128xf32, #tpu.memory_space<vmem_shared>>) offsets(%arg11 : memref<80xi32, #tpu.memory_space<vmem>>) semaphore(%run_scoped3A : memref<!tpu.dma_semaphore, #tpu.memory_space<semaphore_mem>>) {add = true}
      %dma_wait3A_129 = arith.constant 0 : i32
      %dma_wait3A_130 = arith.constant 0 : i32
      %dma_wait3A_131 = tpu.memref_slice %arg6[%dma_wait3A_129, %dma_wait3A_130] : memref<10000x128xf32, #tpu.memory_space<vmem_shared>> -> memref<10000x128xf32, #tpu.memory_space<vmem_shared>>
      tpu.wait_indirect_dma semaphore(%run_scoped3A : memref<!tpu.dma_semaphore, #tpu.memory_space<semaphore_mem>>) src(%arg15 : memref<80x128xf32, #tpu.memory_space<vmem>>) dst(%dma_wait3A_131 : memref<10000x128xf32, #tpu.memory_space<vmem_shared>>)
      tpu.yield
    }) : () -> ()
    %barrier3A_116 = arith.constant 0 : index
    tpu.barrier barrier_id(%barrier3A_116)
    %mul3A_117 = arith.constant 624 : i32
    %mul3A_118 = arith.muli %arg1, %mul3A_117 : i32
    %mul3A_119 = arith.constant 624 : i32
    %mul3A_120 = arith.muli %arg1, %mul3A_119 : i32
    "tpu.region"() ({
      %run_scoped3A = tpu.sem_alloc : memref<!tpu.dma_semaphore, #tpu.memory_space<semaphore_mem>>
      %dma_start3A_126 = arith.constant 0 : i32
      %dma_start3A_127 = tpu.memref_slice %arg5[%arg0, %mul3A_120, %dma_start3A_126] : memref<2x10000x128xf32, #tpu.memory_space<hbm>> -> memref<1x624x128xf32, #tpu.memory_space<hbm>>
      %dma_start3A_128 = tpu.memref_squeeze %dma_start3A_127 : memref<1x624x128xf32, #tpu.memory_space<hbm>> -> memref<624x128xf32, #tpu.memory_space<hbm>>
      %dma_start3A_129 = arith.constant 0 : i32
      %dma_start3A_130 = tpu.memref_slice %arg6[%mul3A_118, %dma_start3A_129] : memref<10000x128xf32, #tpu.memory_space<vmem_shared>> -> memref<624x128xf32, #tpu.memory_space<vmem_shared>>
      tpu.enqueue_dma source(%dma_start3A_130 : memref<624x128xf32, #tpu.memory_space<vmem_shared>>) target(%dma_start3A_128 : memref<624x128xf32, #tpu.memory_space<hbm>>) target_semaphore(%run_scoped3A : memref<!tpu.dma_semaphore, #tpu.memory_space<semaphore_mem>>)
      %dma_wait3A_131 = arith.constant 0 : i32
      %dma_wait3A_132 = tpu.memref_slice %arg5[%arg0, %mul3A_120, %dma_wait3A_131] : memref<2x10000x128xf32, #tpu.memory_space<hbm>> -> memref<1x624x128xf32, #tpu.memory_space<hbm>>
      %dma_wait3A_133 = tpu.memref_squeeze %dma_wait3A_132 : memref<1x624x128xf32, #tpu.memory_space<hbm>> -> memref<624x128xf32, #tpu.memory_space<hbm>>
      %dma_wait3A_134 = arith.constant 0 : i32
      %dma_wait3A_135 = tpu.memref_slice %arg6[%mul3A_118, %dma_wait3A_134] : memref<10000x128xf32, #tpu.memory_space<vmem_shared>> -> memref<624x128xf32, #tpu.memory_space<vmem_shared>>
      tpu.wait_dma2 semaphore(%run_scoped3A : memref<!tpu.dma_semaphore, #tpu.memory_space<semaphore_mem>>) src(%dma_wait3A_135 : memref<624x128xf32, #tpu.memory_space<vmem_shared>>) dst(%dma_wait3A_133 : memref<624x128xf32, #tpu.memory_space<hbm>>)
      tpu.yield
    }) : () -> ()
    %eq3A_121 = arith.constant 0 : i32
    %eq3A_122 = arith.cmpi eq, %arg1, %eq3A_121 : i32
    %convert_element_type3A_123 = arith.extui %eq3A_122 : i1 to i32
    %cond3A_124 = arith.constant 0 : i32
    %cond3A_125 = arith.cmpi ne, %convert_element_type3A_123, %cond3A_124 : i32
    scf.if %cond3A_125 {
      "tpu.region"() ({
        %run_scoped3A = tpu.sem_alloc : memref<!tpu.dma_semaphore, #tpu.memory_space<semaphore_mem>>
        %dma_start3A_126 = arith.constant 9984 : i32
        %dma_start3A_127 = arith.constant 0 : i32
        %dma_start3A_128 = tpu.memref_slice %arg5[%arg0, %dma_start3A_126, %dma_start3A_127] : memref<2x10000x128xf32, #tpu.memory_space<hbm>> -> memref<1x16x128xf32, #tpu.memory_space<hbm>>
        %dma_start3A_129 = tpu.memref_squeeze %dma_start3A_128 : memref<1x16x128xf32, #tpu.memory_space<hbm>> -> memref<16x128xf32, #tpu.memory_space<hbm>>
        %dma_start3A_130 = arith.constant 9984 : i32
        %dma_start3A_131 = arith.constant 0 : i32
        %dma_start3A_132 = tpu.memref_slice %arg6[%dma_start3A_130, %dma_start3A_131] : memref<10000x128xf32, #tpu.memory_space<vmem_shared>> -> memref<16x128xf32, #tpu.memory_space<vmem_shared>>
        tpu.enqueue_dma source(%dma_start3A_132 : memref<16x128xf32, #tpu.memory_space<vmem_shared>>) target(%dma_start3A_129 : memref<16x128xf32, #tpu.memory_space<hbm>>) target_semaphore(%run_scoped3A : memref<!tpu.dma_semaphore, #tpu.memory_space<semaphore_mem>>)
        %dma_wait3A_133 = arith.constant 9984 : i32
        %dma_wait3A_134 = arith.constant 0 : i32
        %dma_wait3A_135 = tpu.memref_slice %arg5[%arg0, %dma_wait3A_133, %dma_wait3A_134] : memref<2x10000x128xf32, #tpu.memory_space<hbm>> -> memref<1x16x128xf32, #tpu.memory_space<hbm>>
        %dma_wait3A_136 = tpu.memref_squeeze %dma_wait3A_135 : memref<1x16x128xf32, #tpu.memory_space<hbm>> -> memref<16x128xf32, #tpu.memory_space<hbm>>
        %dma_wait3A_137 = arith.constant 9984 : i32
        %dma_wait3A_138 = arith.constant 0 : i32
        %dma_wait3A_139 = tpu.memref_slice %arg6[%dma_wait3A_137, %dma_wait3A_138] : memref<10000x128xf32, #tpu.memory_space<vmem_shared>> -> memref<16x128xf32, #tpu.memory_space<vmem_shared>>
        tpu.wait_dma2 semaphore(%run_scoped3A : memref<!tpu.dma_semaphore, #tpu.memory_space<semaphore_mem>>) src(%dma_wait3A_139 : memref<16x128xf32, #tpu.memory_space<vmem_shared>>) dst(%dma_wait3A_136 : memref<16x128xf32, #tpu.memory_space<hbm>>)
        tpu.yield
      }) : () -> ()
    } else {
    }
    return
  }
}

module attributes {stable_mosaic.version = 14 : i64} {
  func.func @_rootmm_body(%arg0: i32, %arg1: memref<1000x128xf32, #tpu.memory_space<vmem>>, %arg2: memref<128x128xf32, #tpu.memory_space<vmem>>, %arg3: memref<1x128xf32, #tpu.memory_space<vmem>>, %arg4: memref<1000x128xf32, #tpu.memory_space<vmem>>) attributes {dimension_semantics = [#tpu.dimension_semantics<arbitrary>], iteration_bounds = array<i64: 10>, scalar_prefetch = 0 : i64, scratch_operands = 0 : i64, tpu.core_type = #tpu.core_type<tc>, window_params = [{transform_indices = @transform_0, window_bounds = array<i64: 1000, 128>}, {pipeline_mode = #tpu.pipeline_mode<synchronous>, transform_indices = @transform_1, window_bounds = array<i64: 128, 128>}, {pipeline_mode = #tpu.pipeline_mode<synchronous>, transform_indices = @transform_2, window_bounds = array<i64: 1, 128>}, {transform_indices = @transform_3, window_bounds = array<i64: 1000, 128>}]} {
    %get3A = arith.constant 0 : index
    %get3A_0 = arith.constant 0 : index
    %get3A_1 = vector.load %arg1[%get3A, %get3A_0] : memref<1000x128xf32, #tpu.memory_space<vmem>>, vector<1000x128xf32>
    %get3A_2 = arith.constant 0 : index
    %get3A_3 = arith.constant 0 : index
    %get3A_4 = vector.load %arg2[%get3A_2, %get3A_3] : memref<128x128xf32, #tpu.memory_space<vmem>>, vector<128x128xf32>
    %dot_general3A = arith.constant dense<0.000000e+00> : vector<1000x128xf32>
    %dot_general3A_5 = tpu.matmul %get3A_1, %get3A_4, %dot_general3A {dimension_numbers = #tpu.dot_dimension_numbers<[1], [0], [0], [1], [0, 0, 1, 1], [], []>, transpose_lhs_hint = false} : vector<1000x128xf32>, vector<128x128xf32>, vector<1000x128xf32> -> vector<1000x128xf32>
    %get3A_6 = arith.constant 0 : index
    %get3A_7 = arith.constant 0 : index
    %get3A_8 = vector.load %arg3[%get3A_6, %get3A_7] : memref<1x128xf32, #tpu.memory_space<vmem>>, vector<1x128xf32>
    %add3A = vector.broadcast %get3A_8 : vector<1x128xf32> to vector<1000x128xf32>
    %add3A_9 = arith.addf %dot_general3A_5, %add3A : vector<1000x128xf32>
    %swap3A = arith.constant 0 : index
    %swap3A_10 = arith.constant 0 : index
    %swap3A_11 = vector.load %arg4[%swap3A, %swap3A_10] : memref<1000x128xf32, #tpu.memory_space<vmem>>, vector<1000x128xf32>
    tpu.vector_store %arg4[%swap3A, %swap3A_10], %add3A_9 {strides = array<i32>} : memref<1000x128xf32, #tpu.memory_space<vmem>>, vector<1000x128xf32>,
    return
  }
  func.func @transform_0(%arg0: i32) -> (i32, i32) {
    %c0_i32 = arith.constant 0 : i32
    %c0_i32_0 = arith.constant 0 : i32
    return %arg0, %c0_i32 : i32, i32
  }
  func.func @transform_1(%arg0: i32) -> (i32, i32) {
    %c0_i32 = arith.constant 0 : i32
    %c0_i32_0 = arith.constant 0 : i32
    %c0_i32_1 = arith.constant 0 : i32
    return %c0_i32, %c0_i32_0 : i32, i32
  }
  func.func @transform_2(%arg0: i32) -> (i32, i32) {
    %c0_i32 = arith.constant 0 : i32
    %c0_i32_0 = arith.constant 0 : i32
    %c0_i32_1 = arith.constant 0 : i32
    return %c0_i32, %c0_i32_0 : i32, i32
  }
  func.func @transform_3(%arg0: i32) -> (i32, i32) {
    %c0_i32 = arith.constant 0 : i32
    %c0_i32_0 = arith.constant 0 : i32
    return %arg0, %c0_i32 : i32, i32
  }
}

module attributes {stable_mosaic.version = 14 : i64} {
  func.func @_combineb1_body(%arg0: i32, %arg1: memref<1000x128xf32, #tpu.memory_space<vmem>>, %arg2: memref<1000x128xf32, #tpu.memory_space<vmem>>, %arg3: memref<1000x1xf32, #tpu.memory_space<vmem>>, %arg4: memref<1000x1xf32, #tpu.memory_space<vmem>>, %arg5: memref<1000x128xf32, #tpu.memory_space<vmem>>, %arg6: memref<128x128xf32, #tpu.memory_space<vmem>>, %arg7: memref<1000x128xf32, #tpu.memory_space<vmem>>) attributes {dimension_semantics = [#tpu.dimension_semantics<arbitrary>], iteration_bounds = array<i64: 10>, scalar_prefetch = 0 : i64, scratch_operands = 0 : i64, tpu.core_type = #tpu.core_type<tc>, window_params = [{transform_indices = @transform_0, window_bounds = array<i64: 1000, 128>}, {transform_indices = @transform_1, window_bounds = array<i64: 1000, 128>}, {transform_indices = @transform_2, window_bounds = array<i64: 1000, 1>}, {transform_indices = @transform_3, window_bounds = array<i64: 1000, 1>}, {transform_indices = @transform_4, window_bounds = array<i64: 1000, 128>}, {pipeline_mode = #tpu.pipeline_mode<synchronous>, transform_indices = @transform_5, window_bounds = array<i64: 128, 128>}, {transform_indices = @transform_6, window_bounds = array<i64: 1000, 128>}]} {
    %get3A = arith.constant 0 : index
    %get3A_0 = arith.constant 0 : index
    %get3A_1 = vector.load %arg3[%get3A, %get3A_0] : memref<1000x1xf32, #tpu.memory_space<vmem>>, vector<1000x1xf32>
    %get3A_2 = arith.constant 0 : index
    %get3A_3 = arith.constant 0 : index
    %get3A_4 = vector.load %arg4[%get3A_2, %get3A_3] : memref<1000x1xf32, #tpu.memory_space<vmem>>, vector<1000x1xf32>
    %add3A = arith.addf %get3A_1, %get3A_4 : vector<1000x1xf32>
    %max3A = arith.constant 1.000000e+00 : f32
    %max3A_5 = vector.broadcast %max3A : f32 to vector<1000x1xf32>
    %max3A_6 = arith.maximumf %add3A, %max3A_5 : vector<1000x1xf32>
    %get3A_7 = arith.constant 0 : index
    %get3A_8 = arith.constant 0 : index
    %get3A_9 = vector.load %arg1[%get3A_7, %get3A_8] : memref<1000x128xf32, #tpu.memory_space<vmem>>, vector<1000x128xf32>
    %get3A_10 = arith.constant 0 : index
    %get3A_11 = arith.constant 0 : index
    %get3A_12 = vector.load %arg2[%get3A_10, %get3A_11] : memref<1000x128xf32, #tpu.memory_space<vmem>>, vector<1000x128xf32>
    %add3A_13 = arith.addf %get3A_9, %get3A_12 : vector<1000x128xf32>
    %div3A = vector.broadcast %max3A_6 : vector<1000x1xf32> to vector<1000x128xf32>
    %div3A_14 = arith.divf %add3A_13, %div3A : vector<1000x128xf32>
    %get3A_15 = arith.constant 0 : index
    %get3A_16 = arith.constant 0 : index
    %get3A_17 = vector.load %arg6[%get3A_15, %get3A_16] : memref<128x128xf32, #tpu.memory_space<vmem>>, vector<128x128xf32>
    %dot_general3A = arith.constant dense<0.000000e+00> : vector<1000x128xf32>
    %dot_general3A_18 = tpu.matmul %div3A_14, %get3A_17, %dot_general3A {dimension_numbers = #tpu.dot_dimension_numbers<[1], [0], [0], [1], [0, 0, 1, 1], [], []>, transpose_lhs_hint = false} : vector<1000x128xf32>, vector<128x128xf32>, vector<1000x128xf32> -> vector<1000x128xf32>
    %get3A_19 = arith.constant 0 : index
    %get3A_20 = arith.constant 0 : index
    %get3A_21 = vector.load %arg5[%get3A_19, %get3A_20] : memref<1000x128xf32, #tpu.memory_space<vmem>>, vector<1000x128xf32>
    %add3A_22 = arith.addf %dot_general3A_18, %get3A_21 : vector<1000x128xf32>
    %ge3A = arith.constant 0.000000e+00 : f32
    %ge3A_23 = vector.broadcast %ge3A : f32 to vector<1000x128xf32>
    %ge3A_24 = arith.cmpf oge, %add3A_22, %ge3A_23 : vector<1000x128xf32>
    %mul3A = arith.constant 0.00999999977 : f32
    %mul3A_25 = vector.broadcast %mul3A : f32 to vector<1000x128xf32>
    %mul3A_26 = arith.mulf %mul3A_25, %add3A_22 : vector<1000x128xf32>
    %select_n3A = arith.select %ge3A_24, %add3A_22, %mul3A_26 : vector<1000x128xi1>, vector<1000x128xf32>
    %swap3A = arith.constant 0 : index
    %swap3A_27 = arith.constant 0 : index
    %swap3A_28 = vector.load %arg7[%swap3A, %swap3A_27] : memref<1000x128xf32, #tpu.memory_space<vmem>>, vector<1000x128xf32>
    tpu.vector_store %arg7[%swap3A, %swap3A_27], %select_n3A {strides = array<i32>} : memref<1000x128xf32, #tpu.memory_space<vmem>>, vector<1000x128xf32>,
    return
  }
  func.func @transform_0(%arg0: i32) -> (i32, i32) {
    %c0_i32 = arith.constant 0 : i32
    %c0_i32_0 = arith.constant 0 : i32
    return %arg0, %c0_i32 : i32, i32
  }
  func.func @transform_1(%arg0: i32) -> (i32, i32) {
    %c0_i32 = arith.constant 0 : i32
    %c0_i32_0 = arith.constant 0 : i32
    return %arg0, %c0_i32 : i32, i32
  }
  func.func @transform_2(%arg0: i32) -> (i32, i32) {
    %c0_i32 = arith.constant 0 : i32
    %c0_i32_0 = arith.constant 0 : i32
    return %arg0, %c0_i32 : i32, i32
  }
  func.func @transform_3(%arg0: i32) -> (i32, i32) {
    %c0_i32 = arith.constant 0 : i32
    %c0_i32_0 = arith.constant 0 : i32
    return %arg0, %c0_i32 : i32, i32
  }
  func.func @transform_4(%arg0: i32) -> (i32, i32) {
    %c0_i32 = arith.constant 0 : i32
    %c0_i32_0 = arith.constant 0 : i32
    return %arg0, %c0_i32 : i32, i32
  }
  func.func @transform_5(%arg0: i32) -> (i32, i32) {
    %c0_i32 = arith.constant 0 : i32
    %c0_i32_0 = arith.constant 0 : i32
    %c0_i32_1 = arith.constant 0 : i32
    return %c0_i32, %c0_i32_0 : i32, i32
  }
  func.func @transform_6(%arg0: i32) -> (i32, i32) {
    %c0_i32 = arith.constant 0 : i32
    %c0_i32_0 = arith.constant 0 : i32
    return %arg0, %c0_i32 : i32, i32
  }
}

module attributes {stable_mosaic.version = 14 : i64} {
  func.func @_combineb2_body(%arg0: i32, %arg1: memref<1000x128xf32, #tpu.memory_space<vmem>>, %arg2: memref<1000x128xf32, #tpu.memory_space<vmem>>, %arg3: memref<1000x1xf32, #tpu.memory_space<vmem>>, %arg4: memref<1000x1xf32, #tpu.memory_space<vmem>>, %arg5: memref<1000x128xf32, #tpu.memory_space<vmem>>, %arg6: memref<128x128xf32, #tpu.memory_space<vmem>>, %arg7: memref<128x64xf32, #tpu.memory_space<vmem>>, %arg8: memref<1000x64xf32, #tpu.memory_space<vmem>>) attributes {dimension_semantics = [#tpu.dimension_semantics<arbitrary>], iteration_bounds = array<i64: 10>, scalar_prefetch = 0 : i64, scratch_operands = 0 : i64, tpu.core_type = #tpu.core_type<tc>, window_params = [{transform_indices = @transform_0, window_bounds = array<i64: 1000, 128>}, {transform_indices = @transform_1, window_bounds = array<i64: 1000, 128>}, {transform_indices = @transform_2, window_bounds = array<i64: 1000, 1>}, {transform_indices = @transform_3, window_bounds = array<i64: 1000, 1>}, {transform_indices = @transform_4, window_bounds = array<i64: 1000, 128>}, {pipeline_mode = #tpu.pipeline_mode<synchronous>, transform_indices = @transform_5, window_bounds = array<i64: 128, 128>}, {pipeline_mode = #tpu.pipeline_mode<synchronous>, transform_indices = @transform_6, window_bounds = array<i64: 128, 64>}, {transform_indices = @transform_7, window_bounds = array<i64: 1000, 64>}]} {
    %get3A = arith.constant 0 : index
    %get3A_0 = arith.constant 0 : index
    %get3A_1 = vector.load %arg3[%get3A, %get3A_0] : memref<1000x1xf32, #tpu.memory_space<vmem>>, vector<1000x1xf32>
    %get3A_2 = arith.constant 0 : index
    %get3A_3 = arith.constant 0 : index
    %get3A_4 = vector.load %arg4[%get3A_2, %get3A_3] : memref<1000x1xf32, #tpu.memory_space<vmem>>, vector<1000x1xf32>
    %add3A = arith.addf %get3A_1, %get3A_4 : vector<1000x1xf32>
    %max3A = arith.constant 1.000000e+00 : f32
    %max3A_5 = vector.broadcast %max3A : f32 to vector<1000x1xf32>
    %max3A_6 = arith.maximumf %add3A, %max3A_5 : vector<1000x1xf32>
    %get3A_7 = arith.constant 0 : index
    %get3A_8 = arith.constant 0 : index
    %get3A_9 = vector.load %arg1[%get3A_7, %get3A_8] : memref<1000x128xf32, #tpu.memory_space<vmem>>, vector<1000x128xf32>
    %get3A_10 = arith.constant 0 : index
    %get3A_11 = arith.constant 0 : index
    %get3A_12 = vector.load %arg2[%get3A_10, %get3A_11] : memref<1000x128xf32, #tpu.memory_space<vmem>>, vector<1000x128xf32>
    %add3A_13 = arith.addf %get3A_9, %get3A_12 : vector<1000x128xf32>
    %div3A = vector.broadcast %max3A_6 : vector<1000x1xf32> to vector<1000x128xf32>
    %div3A_14 = arith.divf %add3A_13, %div3A : vector<1000x128xf32>
    %get3A_15 = arith.constant 0 : index
    %get3A_16 = arith.constant 0 : index
    %get3A_17 = vector.load %arg6[%get3A_15, %get3A_16] : memref<128x128xf32, #tpu.memory_space<vmem>>, vector<128x128xf32>
    %dot_general3A = arith.constant dense<0.000000e+00> : vector<1000x128xf32>
    %dot_general3A_18 = tpu.matmul %div3A_14, %get3A_17, %dot_general3A {dimension_numbers = #tpu.dot_dimension_numbers<[1], [0], [0], [1], [0, 0, 1, 1], [], []>, transpose_lhs_hint = false} : vector<1000x128xf32>, vector<128x128xf32>, vector<1000x128xf32> -> vector<1000x128xf32>
    %get3A_19 = arith.constant 0 : index
    %get3A_20 = arith.constant 0 : index
    %get3A_21 = vector.load %arg5[%get3A_19, %get3A_20] : memref<1000x128xf32, #tpu.memory_space<vmem>>, vector<1000x128xf32>
    %add3A_22 = arith.addf %dot_general3A_18, %get3A_21 : vector<1000x128xf32>
    %ge3A = arith.constant 0.000000e+00 : f32
    %ge3A_23 = vector.broadcast %ge3A : f32 to vector<1000x128xf32>
    %ge3A_24 = arith.cmpf oge, %add3A_22, %ge3A_23 : vector<1000x128xf32>
    %mul3A = arith.constant 0.00999999977 : f32
    %mul3A_25 = vector.broadcast %mul3A : f32 to vector<1000x128xf32>
    %mul3A_26 = arith.mulf %mul3A_25, %add3A_22 : vector<1000x128xf32>
    %select_n3A = arith.select %ge3A_24, %add3A_22, %mul3A_26 : vector<1000x128xi1>, vector<1000x128xf32>
    %get3A_27 = arith.constant 0 : index
    %get3A_28 = arith.constant 0 : index
    %get3A_29 = vector.load %arg7[%get3A_27, %get3A_28] : memref<128x64xf32, #tpu.memory_space<vmem>>, vector<128x64xf32>
    %dot_general3A_30 = arith.constant dense<0.000000e+00> : vector<1000x64xf32>
    %dot_general3A_31 = tpu.matmul %select_n3A, %get3A_29, %dot_general3A_30 {dimension_numbers = #tpu.dot_dimension_numbers<[1], [0], [0], [1], [0, 0, 1, 1], [], []>, transpose_lhs_hint = false} : vector<1000x128xf32>, vector<128x64xf32>, vector<1000x64xf32> -> vector<1000x64xf32>
    %swap3A = arith.constant 0 : index
    %swap3A_32 = arith.constant 0 : index
    %swap3A_33 = vector.load %arg8[%swap3A, %swap3A_32] : memref<1000x64xf32, #tpu.memory_space<vmem>>, vector<1000x64xf32>
    tpu.vector_store %arg8[%swap3A, %swap3A_32], %dot_general3A_31 {strides = array<i32>} : memref<1000x64xf32, #tpu.memory_space<vmem>>, vector<1000x64xf32>,
    return
  }
  func.func @transform_0(%arg0: i32) -> (i32, i32) {
    %c0_i32 = arith.constant 0 : i32
    %c0_i32_0 = arith.constant 0 : i32
    return %arg0, %c0_i32 : i32, i32
  }
  func.func @transform_1(%arg0: i32) -> (i32, i32) {
    %c0_i32 = arith.constant 0 : i32
    %c0_i32_0 = arith.constant 0 : i32
    return %arg0, %c0_i32 : i32, i32
  }
  func.func @transform_2(%arg0: i32) -> (i32, i32) {
    %c0_i32 = arith.constant 0 : i32
    %c0_i32_0 = arith.constant 0 : i32
    return %arg0, %c0_i32 : i32, i32
  }
  func.func @transform_3(%arg0: i32) -> (i32, i32) {
    %c0_i32 = arith.constant 0 : i32
    %c0_i32_0 = arith.constant 0 : i32
    return %arg0, %c0_i32 : i32, i32
  }
  func.func @transform_4(%arg0: i32) -> (i32, i32) {
    %c0_i32 = arith.constant 0 : i32
    %c0_i32_0 = arith.constant 0 : i32
    return %arg0, %c0_i32 : i32, i32
  }
  func.func @transform_5(%arg0: i32) -> (i32, i32) {
    %c0_i32 = arith.constant 0 : i32
    %c0_i32_0 = arith.constant 0 : i32
    %c0_i32_1 = arith.constant 0 : i32
    return %c0_i32, %c0_i32_0 : i32, i32
  }
  func.func @transform_6(%arg0: i32) -> (i32, i32) {
    %c0_i32 = arith.constant 0 : i32
    %c0_i32_0 = arith.constant 0 : i32
    %c0_i32_1 = arith.constant 0 : i32
    return %c0_i32, %c0_i32_0 : i32, i32
  }
  func.func @transform_7(%arg0: i32) -> (i32, i32) {
    %c0_i32 = arith.constant 0 : i32
    %c0_i32_0 = arith.constant 0 : i32
    return %arg0, %c0_i32 : i32, i32
  }
}

</mosaic_0001>

<sc_bundles>
// kernel: kernel.11.cloned.1.call-start
scs
__scs_entry_jumppad:
0x0: {  	(pc) =	sbr.rel $0x88, $3  }
0x1: {  	(tag) =	ssettag $0x0;
	lr =	simm.s32 $0x1  }
0x2: {  	[smem:$0x3F98] =	sst lr;
	_ =	strace $0xD0000000  }
0x3: {  	_ = 	snop  }
0x4: {  	_ = 	snop  }
0x5: {  	_ = 	snop  }
0x6: {  	_ = 	snop  }
0x7: {  	_ = 	snop  }
__scs_overlays_trampoline_lowered:
0x8: {  	[smem:$0x3FA7] =	sst s0  }
0x9: {  	[smem:$0x3FA8] =	sst s1  }
0xa: {  	[smem:$0x3FA9] =	sst s2  }
0xb: {  	[smem:$0x3FAA] =	sst s3  }
0xc: {  	[smem:$0x3FAB] =	sst s4  }
0xd: {  	[smem:$0x3FAC] =	sst s5  }
0xe: {  	[smem:$0x3FAD] =	sst s6  }
0xf: {  	[smem:$0x3FAE] =	sst s7  }
0x10: {  	[smem:$0x3FAF] =	sst s8  }
0x11: {  	[smem:$0x3FB0] =	sst s9;
	s0 =	simm.s32 @!p0 $0x0  }
0x12: {  	s1 =	sld [smem:$0x3F96];
	s0 =	simm.s32 @p0 $0x1  }
0x13: {  	[smem:$0x3FB1] =	sst s0;
	s0 =	simm.s32 @!p1 $0x0  }
0x14: {  	s2 =	sld [smem:$0x3F95];
	s0 =	simm.s32 @p1 $0x1  }
0x15: {  	[smem:$0x3FB2] =	sst s0;
	s0 =	simm.s32 @!p2 $0x0  }
0x16: {  	s3 =	sld [smem:$0x3FDB];
	s0 =	simm.s32 @p2 $0x1  }
0x17: {  	s4 =	simm.s32 $0x1BF5;
	[smem:$0x3FB4] =	sst s0  }
0x18: {  	s0 =	sld [smem:$0x3F97];
	_ =	swait.ge [sflag:s4], $0x0  }
0x19: {  	s7 =	sld [smem:$0x3F98]  }
0x1a: {  	s8 =	sadd.s32 $0xFFFFE003, lr  }
0x1b: {  	s9 =	sadd.s32 $0xFFFFFEF7, lr;
	s5 =	simm.s32 $0xFFFFFFFF;
	p2 =	slt.u32 s8, $0xFFFFF086  }
0x1c: {  	p1 =	slt.u32 s9, $0xF7A;
	s5 =	simm.s32 @!p2 $0x0  }
0x1d: {  	s5 =	simm.s32 @p1 $0x1;
	p0 =	seq.s32 s7, s2  }
0x1e: {  	s7 =	smul.u32 @!p0 $0xF7A, s2;
	p2 =	seq.s32 @!p0 s5, $0x0  }
0x1f: {  	s9 =	smul.u32 $0xF7A, s1;
	s8 =	simm.s32 @!p0 $0x1BF5;
	p2 =	por !p2, p0  }
0x20: {  	[sflag:s8] =	ssyncset.s32 @!p0 $0xFFFFF086;
	s6 =	sadd.s32 @!p0 s3, s7;
	s7 =	simm.s32 @!p0 $0x108  }
0x21: {  	s3 =	sadd.s32 s3, s9;
	s6 =	sadd.s32 @!p0 $0x88, s6;
	s7 =	simm.s32 @p2 $0x1082  }
0x22: {  	[simem:s7], [sflag:s8] =	dma.local @!p0 [hbm:s6], $0xF7A  }
0x23: {  	s9 =	sor.u32 $0xD0000000, s2;
	s6 =	simm.s32 $0x108;
	_ =	swait.ge @!p0 [sflag:s8], $0x0  }
0x24: {  	s3 =	sadd.s32 $0x88, s3;
	s6 =	simm.s32 @!p1 $0x1082;
	[sflag:s4] =	ssyncset.s32 $0xFFFFF086  }
0x25: {  	[simem:s6], [sflag:s4] =	dma.local [hbm:s3], $0xF7A  }
0x26: {  	[smem:$0x3F98] =	sst s1;
	(tag) =	ssettag s2;
	_ =	strace s9  }
0x27: {  	s1 =	sld [smem:$0x3FA8]  }
0x28: {  	s2 =	sld [smem:$0x3FA9]  }
0x29: {  	s4 =	sld [smem:$0x3FAB]  }
0x2a: {  	p0 =	seq.s32 s5, $0x0;
	s5 =	sld [smem:$0x3FAC]  }
0x2b: {  	s6 =	sld [smem:$0x3FAD]  }
0x2c: {  	s7 =	sld [smem:$0x3FAE]  }
0x2d: {  	s3 =	simm.s32 $0x108;
	s8 =	sld [smem:$0x3FAF]  }
0x2e: {  	s3 =	simm.s32 @!p0 $0x1082;
	s9 =	sld [smem:$0x3FB0]  }
0x2f: {  	lr =	sadd.s32 s0, s3;
	s0 =	sld [smem:$0x3FA7]  }
0x30: {  	s3 =	sld [smem:$0x3FAA]  }
0x31: {  	[smem:$0x3FB3] =	sst s10  }
0x32: {  	s10 =	sld [smem:$0x3FB1];
	_ =	sdelay $0x3  }
0x33: {  	p0 =	seq.s32 s10, $0x1;
	s10 =	sld [smem:$0x3FB3];
	_ =	sdelay $0x3  }
0x34: {  	[smem:$0x3FB3] =	sst s10  }
0x35: {  	s10 =	sld [smem:$0x3FB2];
	_ =	sdelay $0x3  }
0x36: {  	p1 =	seq.s32 s10, $0x1;
	s10 =	sld [smem:$0x3FB3];
	_ =	sdelay $0x3  }
0x37: {  	[smem:$0x3FB3] =	sst s10  }
0x38: {  	s10 =	sld [smem:$0x3FB4]  }
0x39: {  	_ = 	snop;
	(pc) =	sbr.ind lr, $3  }
0x3a: {  	_ = 	snop  }
0x3b: {  	_ = 	snop  }
0x3c: {  	p2 =	seq.s32 s10, $0x1;
	s10 =	sld [smem:$0x3FB3]  }
0x3d: {  	_ =	shalt  }
0x3e: {  	_ =	shalt  }
0x3f: {  	_ =	shalt  }
0x40: {  	_ =	shalt  }
0x41: {  	_ =	shalt  }
0x42: {  	_ =	shalt  }
0x43: {  	_ =	shalt  }
0x44: {  	_ =	shalt  }
0x45: {  	_ =	shalt  }
0x46: {  	_ =	shalt  }
0x47: {  	_ =	shalt  }
0x48: {  	_ =	shalt  }
0x49: {  	_ =	shalt  }
0x4a: {  	_ =	shalt  }
0x4b: {  	_ =	shalt  }
0x4c: {  	_ =	shalt  }
0x4d: {  	_ =	shalt  }
0x4e: {  	_ =	shalt  }
0x4f: {  	_ =	shalt  }
0x50: {  	_ =	shalt  }
0x51: {  	_ =	shalt  }
0x52: {  	_ =	shalt  }
0x53: {  	_ =	shalt  }
0x54: {  	_ =	shalt  }
0x55: {  	_ =	shalt  }
0x56: {  	_ =	shalt  }
0x57: {  	_ =	shalt  }
0x58: {  	_ =	shalt  }
0x59: {  	_ =	shalt  }
0x5a: {  	_ =	shalt  }
0x5b: {  	_ =	shalt  }
0x5c: {  	_ =	shalt  }
0x5d: {  	_ =	shalt  }
0x5e: {  	_ =	shalt  }
0x5f: {  	_ =	shalt  }
0x60: {  	_ =	shalt  }
0x61: {  	_ =	shalt  }
0x62: {  	_ =	shalt  }
0x63: {  	_ =	shalt  }
0x64: {  	_ =	shalt  }
0x65: {  	_ =	shalt  }
0x66: {  	_ =	shalt  }
0x67: {  	_ =	shalt  }
0x68: {  	_ =	shalt  }
0x69: {  	_ =	shalt  }
0x6a: {  	_ =	shalt  }
0x6b: {  	_ =	shalt  }
0x6c: {  	_ =	shalt  }
0x6d: {  	_ =	shalt  }
0x6e: {  	_ =	shalt  }
0x6f: {  	_ =	shalt  }
0x70: {  	_ =	shalt  }
0x71: {  	_ =	shalt  }
0x72: {  	_ =	shalt  }
0x73: {  	_ =	shalt  }
0x74: {  	_ =	shalt  }
0x75: {  	_ =	shalt  }
0x76: {  	_ =	shalt  }
0x77: {  	_ =	shalt  }
0x78: {  	_ =	shalt  }
0x79: {  	_ =	shalt  }
0x7a: {  	_ =	shalt  }
0x7b: {  	_ =	shalt  }
0x7c: {  	_ =	shalt  }
0x7d: {  	_ =	shalt  }
0x7e: {  	_ =	shalt  }
0x7f: {  	_ =	shalt  }
0x80: {  	_ =	shalt  }
0x81: {  	_ =	shalt  }
0x82: {  	_ =	shalt  }
0x83: {  	_ =	shalt  }
0x84: {  	_ =	shalt  }
0x85: {  	_ =	shalt  }
0x86: {  	_ =	shalt  }
0x87: {  	_ =	shalt  }
.Lfunc_end0:
.L_simem_size_0:
called_computation.1_lowered:
.L_overlay_start_0:
0x88: {  	s2 =	sld [smem:$0x3FD9]  }
0x89: {  	s3 =	sld [smem:$0x3FFE];
	_ =	sdelay $0x1  }
0x8a: {  	s1 =	srdreg.scid  }
0x8b: {  	s0 =	sand.u32 $0x1, s1  }
0x8c: {  	s17 =	sshll.u32 s0, $0xA;
	s2 =	sadd.s32 s3, s2  }
0x8d: {  	s2 =	sadd.s32 s2, s17  }
0x8e: {  	[smem:$0x3FBF] =	sst s2  }
0x8f: {  	_ = 	snop  }
0x90: {  	s2 =	sld [smem:$0x3FD0];
	(tm) =	ssettm $0x1  }
0x91: {  	s18 =	sld [smem:$0x3FFB];
	_ =	sdelay $0x3  }
0x92: {  	_ =	strace s18  }
0x93: {  	s3 =	sld [smem:$0x3FFC];
	_ =	sdelay $0x3  }
0x94: {  	_ =	strace s3  }
0x95: {  	s3 =	sld [smem:$0x3FFD];
	_ =	sdelay $0x3  }
0x96: {  	_ =	strace s3  }
0x97: {  	_ =	strace $0x8FFFFFFF  }
0x98: {  	s19 =	sld [smem:$0x3FDB];
	_ =	sdelay $0x1  }
0x99: {  	s4 =	simm.s32 $_scs_section_size  }
0x9a: {  	s5 =	simm.s32 $_size__tile_overlayer_lowered;
	s6 =	simm.s32 $_tile_overlayer_lowered  }
0x9b: {  	s22 =	simm.s32 $0x1BFF;
	s21 =	sshll.u32 s6, $0x1;
	s3 =	sadd.s32 s4, s19  }
0x9c: {  	s7 =	simm.s32 $0x0;
	s20 =	sshll.u32 s5, $0x1;
	s5 =	sadd.s32 s21, s3  }
0x9d: {  	[timem:s7], [sflag:s22] =	dma.local [hbm:s5], s20  }
0x9e: {  	_ =	swait.ge [sflag:s22], s20  }
0x9f: {  	s4 =	ssub.s32 $0x0, s20;
	[sflag:s22] =	ssyncset.done $0x0  }
0xa0: {  	[sflag:s22] =	ssyncadd.s32 s4;
	_ =	sdelay $0x1  }
0xa1: {  	s23 =	simm.s32 $0x1B8B  }
0xa2: {  	_ =	swait.ge [sflag:s23], $0x1  }
0xa3: {  	[sflag:s23] =	ssyncset.done $0x0  }
0xa4: {  	s25 =	simm.s32 $0x1B8E;
	s24 =	sld [smem:$0x3FFE];
	[sflag:s23] =	ssyncadd.s32 $0xFFFFFFFF  }
0xa5: {  	s26 =	simm.s32 $execute0_lowered;
	[smem:$0x3FD2] =	sst s25  }
0xa6: {  	s5 =	sshll.u32 s26, $0x1;
	_ =	strace $0x80000049;
	[dreg:$0x1] =	wrdreg $0xFFFFFFFF  }
0xa7: {  	s28 =	simm.s32 $_size_execute0_lowered;
	s3 =	sadd.s32 s3, s5;
	[dreg:$0x0] =	wrdreg $0x0  }
0xa8: {  	s5 =	sshll.u32 s28, $0x1;
	[dreg:$0x2] =	wrdreg s3  }
0xa9: {  	[dreg:$0x3] =	wrdreg s5  }
0xaa: {  	[dreg:$0x4] =	wrdreg $0xC0  }
0xab: {  	_ =	task [dreg:s7], $0x5FFFF  }
0xac: {  	[dreg:$0x1] =	wrdreg $0xFFFFFFFF  }
0xad: {  	[dreg:$0x0] =	wrdreg $0x60  }
0xae: {  	[dreg:$0x2] =	wrdreg s24  }
0xaf: {  	[dreg:$0x3] =	wrdreg s2  }
0xb0: {  	[dreg:$0x4] =	wrdreg $0x0  }
0xb1: {  	[dreg:$0x5] =	wrdreg $0x9  }
0xb2: {  	_ =	task.clear_ibuf [dreg:s7], $0x6FFFF;
	_ =	strace $0x90000049  }
0xb3: {  	s29 =	simm.s32 $0x9;
	_ =	strace $0x8000004B  }
0xb4: {  	_ =	swait.ge [sflag:s29], $0x1  }
0xb5: {  	[sflag:s29] =	ssyncadd.s32 $0xFFFFFFFF  }
0xb6: {  	_ =	strace $0x9000004B  }
0xb7: {  	_ =	sfence  }
0xb8: {  	s30 =	sld [smem:$0x0];
	_ =	sdelay $0x2  }
0xb9: {  	s31 =	sshll.u32 s1, $0xD;
	s1 =	sshrl.u32 s1, $0x2  }
0xba: {  	s3 =	sand.u32 $0x4000, s31;
	s1 =	sadd.s32 s1, s30  }
0xbb: {  	s0 =	sor.u32 s3, s0;
	s1 =	sshll.u32 s1, $0x11  }
0xbc: {  	s0 =	sor.u32 s1, s0  }
0xbd: {  	s0 =	sadd.s32 $0x8F2B, s0  }
0xbe: {  	[sflag:s0] =	ssyncadd.remote.s32 $0x1  }
0xbf: {  	_ =	sfence.sel $0xFFFF  }
0xc0: {  	[dreg:$0x0] =	wrdreg $0xFFFFFFFF;
	(pc) =	sbr.abs _section_cstart, $3  }
0xc1: {  	[dreg:$0x1] =	wrdreg $0xFFFFFFFF  }
0xc2: {  	_ =	task.clear_ibuf [dreg:s7], $0x2FFFF;
	_ =	strace $0x9FFFFFFF  }
0xc3: {  	(tm) =	ssettm $0x7FFFFFFF  }
tec
execute0_lowered:
.L_overlay_start_1:
0x0: {  	(tag) =	ssettag $0x1  }
0x1: {  	s0 =	rddreg [dreg:$0x0]  }
0x2: {  	s1 =	rddreg [dreg:$0x1]  }
0x3: {  	s2 =	rddreg [dreg:$0x2]  }
0x4: {  	s3 =	srdreg.scid;
	s13 =	stileid.u32  }
0x5: {  	s28 =	simm.s32 $0x13C00;
	s29 =	simm.s32 $0x13C80;
	s30 =	simm.s32 $0x7  }
0x6: {  	s31 =	simm.s32 $0x1;
	s4 =	sand.u32 $0x1, s3;
	s10 =	smul.u32 $0x4E000, s13  }
0x7: {  	s3 =	simm.s32 $0x0;
	s6 =	sadd.s32 $0x2800, s0;
	s12 =	smul.u32 $0x13800, s13  }
0x8: {  	s17 =	smul.u32 $0x2710, s13;
	p0 =	sne.s32 s13, $0x0;
	s5 =	sshll.u32 s4, $0x4  }
0x9: {  	[smem:$0x7FF] =	sst s3;
	s7 =	ssub.s32 $0x2, s4;
	s26 =	smul.u32 $0x138800, s4  }
0xa: {  	s4 =	smul.u32 $0x27100, s4;
	s5 =	sor.u32 s13, s5;
	_ =	strace $0x8000004A  }
0xb: {  	s9 =	sshrl.u32 s7, $0x1;
	s16 =	sshrl.u32 s10, $0x2;
	s8 =	smul.u32 $0x2710, s5  }
0xc: {  	s5 =	sadd.s32 $0xC600, s0;
	s7 =	ssub.s32 s7, s9;
	s16 =	sadd.s32 s16, s2  }
0xd: {  	s0 =	sadd.s32 $0x33800, s0;
	s7 =	smax.u32 s7, $0x1;
	[dreg:$0xc] =	wrdreg s16  }
0xe: {  	s19 =	sadd.s32 s12, s26;
	s12 =	sadd.s32 $0x7800, s16;
	[dreg:$0xf] =	wrdreg s7  }
0xf: {  	s20 =	sshrl.u32 s26, $0x3;
	s13 =	sadd.s32 $0x9000, s16;
	[dreg:$0x15] =	wrdreg s12  }
0x10: {  	s4 =	sadd.s32 s17, s4;
	s17 =	sadd.s32 $0xD800, s16;
	[dreg:$0x16] =	wrdreg s13  }
0x11: {  	s10 =	sadd.s32 $0x230, s4;
	s7 =	sadd.s32 $0x140, s4;
	[dreg:$0x19] =	wrdreg s17  }
0x12: {  	s22 =	sshrl.u32 s10, $0x3;
	s10 =	sadd.s32 $0x4800, s16;
	[dreg:$0x10] =	wrdreg s7  }
0x13: {  	s8 =	sshrl.u32 s8, $0x3;
	s17 =	sadd.s32 $0x138000, s2;
	[dreg:$0x13] =	wrdreg s10  }
0x14: {  	s13 =	simm.s32 $0x13880;
	s23 =	sadd.s32 s6, s8;
	[dreg:$0x1d] =	wrdreg s17  }
0x15: {  	s24 =	sadd.s32 $0xA, s8;
	s11 =	sadd.s32 s1, s8;
	[dreg:$0x4] =	wrdreg s23  }
0x16: {  	s15 =	sadd.s32 $0x14, s8;
	[dreg:$0x5] =	wrdreg s11;
	s25 =	sadd.s32 s6, s24  }
0x17: {  	s8 =	sadd.s32 $0x1E, s8;
	s9 =	sadd.s32 s1, s24;
	[dreg:$0x6] =	wrdreg s25  }
0x18: {  	s7 =	simm.s32 $0x16480;
	s14 =	sadd.s32 s6, s15;
	[dreg:$0x7] =	wrdreg s9  }
0x19: {  	s10 =	simm.s32 $0x6;
	s18 =	sadd.s32 s6, s8;
	[dreg:$0x8] =	wrdreg s14  }
0x1a: {  	s8 =	sadd.s32 s1, s8;
	s23 =	sadd.s32 $0x1E0, s4;
	[dreg:$0xa] =	wrdreg s18  }
0x1b: {  	s11 =	sadd.s32 $0x6000, s16;
	s9 =	sadd.s32 s1, s15;
	[dreg:$0xb] =	wrdreg s8  }
0x1c: {  	s8 =	sshrl.u32 s19, $0x3;
	s19 =	sadd.s32 s22, s1;
	s24 =	sshrl.u32 s23, $0x3  }
0x1d: {  	s25 =	sadd.s32 $0x190, s4;
	[dreg:$0x14] =	wrdreg s11;
	s14 =	sadd.s32 $0xA800, s16  }
0x1e: {  	s15 =	sadd.s32 $0xC000, s16;
	s18 =	sadd.s32 $0xF000, s16;
	s4 =	simm.s32 $0x2  }
0x1f: {  	s11 =	simm.s32 $0x4;
	[dreg:$0x9] =	wrdreg s9;
	s9 =	sadd.s32 s0, s20  }
0x20: {  	s0 =	sadd.s32 s0, s8;
	s20 =	sadd.s32 s22, s6;
	[dreg:$0x17] =	wrdreg s14  }
0x21: {  	s22 =	sadd.s32 s24, s6;
	s26 =	sshrl.u32 s25, $0x3;
	[dreg:$0x18] =	wrdreg s15  }
0x22: {  	s8 =	sadd.s32 $0x1800, s16;
	[dreg:$0x1a] =	wrdreg s18;
	s25 =	sadd.s32 $0x10800, s16  }
0x23: {  	s14 =	simm.s32 $0x13A80;
	s18 =	simm.s32 $0x13980;
	s15 =	simm.s32 $0x0  }
0x24: {  	[dreg:$0xd] =	wrdreg s0;
	s21 =	sadd.s32 $0x27000, s9;
	s23 =	sadd.s32 s26, s1  }
.Ltmp0:
0x25: {  	[dreg:$0x11] =	wrdreg s8;
	s9 =	sadd.s32 $0x3000, s16;
	(pc) =	sbr.rel .LBB2_1-.Ltmp0, $4  }
0x26: {  	[dreg:$0x1b] =	wrdreg s25;
	s25 =	simm.s32 $0x13A00;
	s0 =	simm.s32 $0x50  }
0x27: {  	s8 =	simm.s32 $0x5;
	[dreg:$0xe] =	wrdreg s21;
	s21 =	sadd.s32 s24, s1  }
0x28: {  	s24 =	sadd.s32 s26, s6;
	[dreg:$0x12] =	wrdreg s9;
	s26 =	sadd.s32 $0x12000, s16  }
0x29: {  	v0 =	vimm.f32 $0.0e+00;
	s9 =	simm.s32 $0x3;
	[dreg:$0x1c] =	wrdreg s26;
	s26 =	simm.s32 $0x13B80  }
.LBB2_6:
0x2a: {  	_ =	swait.ge [sflag:s10], $0x2800  }
0x2b: {  	[sflag:s10] =	ssyncset.done $0x0  }
0x2c: {  	[sflag:s10] =	ssyncadd.s32 $0xFFFFD800  }
0x2d: {  	[spmem:s2] =	stream.indirect.scatter.add.f32 [tilespmem:s7], [sflag:$0x7], $0x80, s28, s0, $0xb8;
	[tilespmem:$0x18C80] =	vst v63  }
0x2e: {  	_ =	swait.ge [sflag:s30], $0x2800  }
0x2f: {  	[sflag:s30] =	ssyncset.done $0x0  }
0x30: {  	[sflag:s30] =	ssyncadd.s32 $0xFFFFD800  }
0x31: {  	_ =	swait.ge [sflag:s8], $0x2800  }
0x32: {  	[sflag:s8] =	ssyncset.done $0x0  }
0x33: {  	[sflag:s8] =	ssyncadd.s32 $0xFFFFD800  }
0x34: {  	[spmem:s2] =	stream.indirect.scatter.add.f32 [tilespmem:s29], [sflag:$0x7], $0x80, s14, s0, $0xb8;
	[tilespmem:$0x18C80] =	vst v63  }
0x35: {  	_ =	swait.ge [sflag:s30], $0x2800  }
0x36: {  	[sflag:s30] =	ssyncset.done $0x0  }
0x37: {  	[sflag:s30] =	ssyncadd.s32 $0xFFFFD800  }
0x38: {  	s1 =	stileid.u32;
	[bflag:$0x0] =	sbarrier.arrive $0xFFFF  }
0x39: {  	s1 =	sshll.u32 s1, $0x6;
	s16 =	rddreg [dreg:$0xc]  }
0x3a: {  	s1 =	sor.u32 $0x1C07, s1;
	s15 =	rddreg [dreg:$0xd];
	s12 =	sshrl.u32 s16, $0x3  }
0x3b: {  	[hbm:s15], [sflag:s1] =	dma.local [spmem:s12], $0x2700  }
0x3c: {  	_ =	swait.ge [sflag:s30], $0x2700  }
0x3d: {  	[sflag:s30] =	ssyncset.done $0x0;
	s17 =	rddreg [dreg:$0x1d]  }
0x3e: {  	s15 =	rddreg [dreg:$0xe];
	[sflag:s30] =	ssyncadd.s32 $0xFFFFD900;
	s12 =	sshrl.u32 @!p0 s17, $0x3  }
0x3f: {  	[hbm:s15], [sflag:s1] =	dma.local @!p0 [spmem:s12], $0x100  }
0x40: {  	s1 =	simm.s32 @!p0 $0x7  }
0x41: {  	_ =	swait.ge @!p0 [sflag:s1], $0x100  }
0x42: {  	s12 =	rddreg [dreg:$0x1e]  }
0x43: {  	s15 =	sadd.s32 $0x1, s12;
	s12 =	rddreg [dreg:$0xf]  }
0x44: {  	p1 =	sne.s32 s15, s12  }
.Ltmp1:
0x45: {  	_ = 	snop;
	(pc) =	sbr.rel @!p1 .LBB2_7-.Ltmp1, $3  }
0x46: {  	_ =	sdelay $0x1  }
0x47: {  	[sflag:s1] =	ssyncset.done @!p0 $0x0  }
0x48: {  	[sflag:s1] =	ssyncadd.s32 @!p0 $0xFFFFFF00  }
.LBB2_1:
0x49: {  	[dreg:$0x1e] =	wrdreg s15  }
0x4a: {  	s1 =	rddreg [dreg:$0x4]  }
0x4b: {  	[tilespmem:s13], [sflag:$0x1] =	stream.linear.gather [hbm4b:s1+s3], $0x50, $0x38;
	[tilespmem:$0x18C80] =	vst v63  }
0x4c: {  	s12 =	rddreg [dreg:$0x5]  }
0x4d: {  	[tilespmem:s14], [sflag:$0x1] =	stream.linear.gather [hbm4b:s12+s3], $0x50, $0x38;
	[tilespmem:$0x18C80] =	vst v63  }
0x4e: {  	s15 =	rddreg [dreg:$0x6];
	s12 =	simm.s32 $0x13900  }
0x4f: {  	[tilespmem:s12], [sflag:$0x2] =	stream.linear.gather [hbm4b:s15+s3], $0x50, $0x38;
	[tilespmem:$0x18C80] =	vst v63  }
0x50: {  	s12 =	rddreg [dreg:$0x7];
	s15 =	simm.s32 $0x13B00  }
0x51: {  	[tilespmem:s15], [sflag:$0x2] =	stream.linear.gather [hbm4b:s12+s3], $0x50, $0x38;
	[tilespmem:$0x18C80] =	vst v63  }
0x52: {  	s12 =	rddreg [dreg:$0x8]  }
0x53: {  	[tilespmem:s18], [sflag:$0x3] =	stream.linear.gather [hbm4b:s12+s3], $0x50, $0x38;
	[tilespmem:$0x18C80] =	vst v63  }
0x54: {  	s15 =	rddreg [dreg:$0x9]  }
0x55: {  	[tilespmem:s26], [sflag:$0x3] =	stream.linear.gather [hbm4b:s15+s3], $0x50, $0x38;
	[tilespmem:$0x18C80] =	vst v63  }
0x56: {  	s12 =	rddreg [dreg:$0xa]  }
0x57: {  	[tilespmem:s25], [sflag:$0x4] =	stream.linear.gather [hbm4b:s12+s3], $0x50, $0x38;
	[tilespmem:$0x18C80] =	vst v63  }
0x58: {  	s15 =	rddreg [dreg:$0xb]  }
0x59: {  	[tilespmem:s28], [sflag:$0x4] =	stream.linear.gather [hbm4b:s15+s3], $0x50, $0x38;
	[tilespmem:$0x18C80] =	vst v63  }
0x5a: {  	s12 =	simm.s32 $0x0;
	s15 =	simm.s32 $0x200  }
.LBB2_2:
0x5b: {  	p1 =	sne.s32 s15, $0x5E00;
	[tilespmem:s12+$0x13CF0] =	vst v0  }
0x5c: {  	[tilespmem:s12+$0x13C80] =	vst v0  }
0x5d: {  	[tilespmem:s12+$0x13C90] =	vst v0  }
.Ltmp2:
0x5e: {  	[tilespmem:s12+$0x13CA0] =	vst v0;
	(pc) =	sbr.rel @p1 .LBB2_2-.Ltmp2, $4  }
0x5f: {  	[tilespmem:s12+$0x13CB0] =	vst v0  }
0x60: {  	[tilespmem:s12+$0x13CC0] =	vst v0  }
0x61: {  	[tilespmem:s12+$0x13CD0] =	vst v0  }
0x62: {  	[tilespmem:s12+$0x13CE0] =	vst v0;
	s12 =	sshra.s32 s15, $0x2;
	s15 =	sadd.s32 $0x200, s15  }
0x63: {  	[tilespmem:s12+$0x13CF0] =	vst v0  }
0x64: {  	[tilespmem:s12+$0x13C80] =	vst v0  }
0x65: {  	[tilespmem:s12+$0x13C90] =	vst v0  }
0x66: {  	[tilespmem:s12+$0x13CA0] =	vst v0  }
0x67: {  	[tilespmem:s12+$0x13CB0] =	vst v0  }
0x68: {  	[tilespmem:s12+$0x13CC0] =	vst v0  }
0x69: {  	[tilespmem:s12+$0x13CD0] =	vst v0  }
0x6a: {  	[tilespmem:s12+$0x13CE0] =	vst v0  }
0x6b: {  	[spmem:s16] =	stream.linear.scatter [tilespmem:s29], [sflag:$0x7], $0x1800, $0x38;
	[tilespmem:$0x18C80] =	vst v63  }
0x6c: {  	_ =	swait.ge [sflag:s30], $0x1800  }
0x6d: {  	[sflag:s30] =	ssyncset.done $0x0  }
0x6e: {  	s1 =	rddreg [dreg:$0x11];
	[sflag:s30] =	ssyncadd.s32 $0xFFFFE800  }
0x6f: {  	[spmem:s1] =	stream.linear.scatter [tilespmem:s29], [sflag:$0x7], $0x1800, $0x38;
	[tilespmem:$0x18C80] =	vst v63  }
0x70: {  	_ =	swait.ge [sflag:s30], $0x1800  }
0x71: {  	[sflag:s30] =	ssyncset.done $0x0  }
0x72: {  	s15 =	rddreg [dreg:$0x12];
	[sflag:s30] =	ssyncadd.s32 $0xFFFFE800  }
0x73: {  	[spmem:s15] =	stream.linear.scatter [tilespmem:s29], [sflag:$0x7], $0x1800, $0x38;
	[tilespmem:$0x18C80] =	vst v63  }
0x74: {  	_ =	swait.ge [sflag:s30], $0x1800  }
0x75: {  	[sflag:s30] =	ssyncset.done $0x0  }
0x76: {  	s16 =	rddreg [dreg:$0x13];
	[sflag:s30] =	ssyncadd.s32 $0xFFFFE800  }
0x77: {  	[spmem:s16] =	stream.linear.scatter [tilespmem:s29], [sflag:$0x7], $0x1800, $0x38;
	[tilespmem:$0x18C80] =	vst v63  }
0x78: {  	_ =	swait.ge [sflag:s30], $0x1800  }
0x79: {  	[sflag:s30] =	ssyncset.done $0x0  }
0x7a: {  	s12 =	rddreg [dreg:$0x14];
	[sflag:s30] =	ssyncadd.s32 $0xFFFFE800  }
0x7b: {  	[spmem:s12] =	stream.linear.scatter [tilespmem:s29], [sflag:$0x7], $0x1800, $0x38;
	[tilespmem:$0x18C80] =	vst v63  }
0x7c: {  	_ =	swait.ge [sflag:s30], $0x1800  }
0x7d: {  	[sflag:s30] =	ssyncset.done $0x0  }
0x7e: {  	s15 =	rddreg [dreg:$0x15];
	[sflag:s30] =	ssyncadd.s32 $0xFFFFE800  }
0x7f: {  	[spmem:s15] =	stream.linear.scatter [tilespmem:s29], [sflag:$0x7], $0x1800, $0x38;
	[tilespmem:$0x18C80] =	vst v63  }
0x80: {  	_ =	swait.ge [sflag:s30], $0x1800  }
0x81: {  	[sflag:s30] =	ssyncset.done $0x0  }
0x82: {  	s16 =	rddreg [dreg:$0x16];
	[sflag:s30] =	ssyncadd.s32 $0xFFFFE800  }
0x83: {  	[spmem:s16] =	stream.linear.scatter [tilespmem:s29], [sflag:$0x7], $0x1800, $0x38;
	[tilespmem:$0x18C80] =	vst v63  }
0x84: {  	_ =	swait.ge [sflag:s30], $0x1800  }
0x85: {  	[sflag:s30] =	ssyncset.done $0x0  }
0x86: {  	s12 =	rddreg [dreg:$0x17];
	[sflag:s30] =	ssyncadd.s32 $0xFFFFE800  }
0x87: {  	[spmem:s12] =	stream.linear.scatter [tilespmem:s29], [sflag:$0x7], $0x1800, $0x38;
	[tilespmem:$0x18C80] =	vst v63  }
0x88: {  	_ =	swait.ge [sflag:s30], $0x1800  }
0x89: {  	[sflag:s30] =	ssyncset.done $0x0  }
0x8a: {  	s15 =	rddreg [dreg:$0x18];
	[sflag:s30] =	ssyncadd.s32 $0xFFFFE800  }
0x8b: {  	[spmem:s15] =	stream.linear.scatter [tilespmem:s29], [sflag:$0x7], $0x1800, $0x38;
	[tilespmem:$0x18C80] =	vst v63  }
0x8c: {  	_ =	swait.ge [sflag:s30], $0x1800  }
0x8d: {  	[sflag:s30] =	ssyncset.done $0x0  }
0x8e: {  	s16 =	rddreg [dreg:$0x19];
	[sflag:s30] =	ssyncadd.s32 $0xFFFFE800  }
0x8f: {  	[spmem:s16] =	stream.linear.scatter [tilespmem:s29], [sflag:$0x7], $0x1800, $0x38;
	[tilespmem:$0x18C80] =	vst v63  }
0x90: {  	_ =	swait.ge [sflag:s30], $0x1800  }
0x91: {  	[sflag:s30] =	ssyncset.done $0x0  }
0x92: {  	s12 =	rddreg [dreg:$0x1a];
	[sflag:s30] =	ssyncadd.s32 $0xFFFFE800  }
0x93: {  	[spmem:s12] =	stream.linear.scatter [tilespmem:s29], [sflag:$0x7], $0x1800, $0x38;
	[tilespmem:$0x18C80] =	vst v63  }
0x94: {  	_ =	swait.ge [sflag:s30], $0x1800  }
0x95: {  	[sflag:s30] =	ssyncset.done $0x0  }
0x96: {  	s15 =	rddreg [dreg:$0x1b];
	[sflag:s30] =	ssyncadd.s32 $0xFFFFE800  }
0x97: {  	[spmem:s15] =	stream.linear.scatter [tilespmem:s29], [sflag:$0x7], $0x1800, $0x38;
	[tilespmem:$0x18C80] =	vst v63  }
0x98: {  	_ =	swait.ge [sflag:s30], $0x1800  }
0x99: {  	[sflag:s30] =	ssyncset.done $0x0  }
0x9a: {  	s16 =	rddreg [dreg:$0x1c];
	[sflag:s30] =	ssyncadd.s32 $0xFFFFE800  }
0x9b: {  	[spmem:s16] =	stream.linear.scatter [tilespmem:s29], [sflag:$0x7], $0x1800, $0x38;
	[tilespmem:$0x18C80] =	vst v63  }
0x9c: {  	_ =	swait.ge [sflag:s30], $0x1800  }
0x9d: {  	[sflag:s30] =	ssyncset.done $0x0  }
0x9e: {  	s12 =	simm.s32 @!p0 $0x13C80;
	[sflag:s30] =	ssyncadd.s32 $0xFFFFE800  }
0x9f: {  	[spmem:s17] =	stream.linear.scatter @!p0 [tilespmem:s12], [sflag:$0x7], $0x800, $0x38;
	[tilespmem:$0x18C80] =	vst v63  }
0xa0: {  	s12 =	simm.s32 @!p0 $0x7  }
0xa1: {  	_ =	swait.ge @!p0 [sflag:s12], $0x800  }
0xa2: {  	[sflag:s12] =	ssyncset.done @!p0 $0x0  }
0xa3: {  	[sflag:s12] =	ssyncadd.s32 @!p0 $0xFFFFF800  }
0xa4: {  	_ =	swait.ge [sflag:s31], $0x50  }
0xa5: {  	[sflag:s31] =	ssyncset.done $0x0  }
0xa6: {  	[sflag:s31] =	ssyncadd.s32 $0xFFFFFFB0  }
0xa7: {  	_ =	swait.ge [sflag:s31], $0x50  }
0xa8: {  	[sflag:s31] =	ssyncset.done $0x0  }
0xa9: {  	[sflag:s31] =	ssyncadd.s32 $0xFFFFFFB0  }
0xaa: {  	[tilespmem:s29], [sflag:$0x5] =	stream.indirect.gather [hbm4b:s5+s0], $0x80, s13, s0, $0xb8;
	[tilespmem:$0x18C80] =	vst v63  }
0xab: {  	_ =	swait.ge [sflag:s4], $0x50  }
0xac: {  	[sflag:s4] =	ssyncset.done $0x0  }
0xad: {  	[sflag:s4] =	ssyncadd.s32 $0xFFFFFFB0  }
0xae: {  	_ =	swait.ge [sflag:s4], $0x50  }
0xaf: {  	[sflag:s4] =	ssyncset.done $0x0  }
0xb0: {  	s17 =	simm.s32 $0x13900;
	[sflag:s4] =	ssyncadd.s32 $0xFFFFFFB0  }
0xb1: {  	[tilespmem:s7], [sflag:$0x6] =	stream.indirect.gather [hbm4b:s5+s0], $0x80, s17, s0, $0xb8;
	[tilespmem:$0x18C80] =	vst v63  }
0xb2: {  	[bflag:$0x0] =	sbarrier.arrive $0xFFFF  }
0xb3: {  	s15 =	simm.s32 $0x0;
	s12 =	rddreg [dreg:$0x10]  }
.LBB2_4:
0xb4: {  	_ =	swait.ge [sflag:s8], $0x2800  }
0xb5: {  	[sflag:s8] =	ssyncset.done $0x0  }
0xb6: {  	[sflag:s8] =	ssyncadd.s32 $0xFFFFD800  }
0xb7: {  	[spmem:s2] =	stream.indirect.scatter.add.f32 [tilespmem:s29], [sflag:$0x7], $0x80, s14, s0, $0xb8;
	[tilespmem:$0x18C80] =	vst v63  }
0xb8: {  	_ =	swait.ge [sflag:s30], $0x2800  }
0xb9: {  	[sflag:s30] =	ssyncset.done $0x0  }
0xba: {  	[sflag:s30] =	ssyncadd.s32 $0xFFFFD800  }
0xbb: {  	_ =	swait.ge [sflag:s9], $0x50  }
0xbc: {  	[sflag:s9] =	ssyncset.done $0x0  }
0xbd: {  	[sflag:s9] =	ssyncadd.s32 $0xFFFFFFB0  }
0xbe: {  	_ =	swait.ge [sflag:s9], $0x50  }
0xbf: {  	[sflag:s9] =	ssyncset.done $0x0  }
0xc0: {  	s1 =	sshrl.u32 s12, $0x3;
	[sflag:s9] =	ssyncadd.s32 $0xFFFFFFB0  }
0xc1: {  	[tilespmem:s29], [sflag:$0x5] =	stream.indirect.gather [hbm4b:s5+s0], $0x80, s18, s0, $0xb8;
	[tilespmem:$0x18C80] =	vst v63  }
0xc2: {  	s16 =	sadd.s32 s6, s1;
	s17 =	rddreg [dreg:$0x1]  }
0xc3: {  	[tilespmem:s13], [sflag:$0x1] =	stream.linear.gather [hbm4b:s16+s3], $0x50, $0x38;
	[tilespmem:$0x18C80] =	vst v63  }
0xc4: {  	s1 =	sadd.s32 s17, s1  }
0xc5: {  	[tilespmem:s14], [sflag:$0x1] =	stream.linear.gather [hbm4b:s1+s3], $0x50, $0x38;
	[tilespmem:$0x18C80] =	vst v63  }
0xc6: {  	_ =	swait.ge [sflag:s10], $0x2800  }
0xc7: {  	[sflag:s10] =	ssyncset.done $0x0  }
0xc8: {  	s17 =	simm.s32 $0x13B00;
	[sflag:s10] =	ssyncadd.s32 $0xFFFFD800  }
0xc9: {  	[spmem:s2] =	stream.indirect.scatter.add.f32 [tilespmem:s7], [sflag:$0x7], $0x80, s17, s0, $0xb8;
	[tilespmem:$0x18C80] =	vst v63  }
0xca: {  	_ =	swait.ge [sflag:s30], $0x2800  }
0xcb: {  	[sflag:s30] =	ssyncset.done $0x0  }
0xcc: {  	[sflag:s30] =	ssyncadd.s32 $0xFFFFD800  }
0xcd: {  	_ =	swait.ge [sflag:s11], $0x50  }
0xce: {  	[sflag:s11] =	ssyncset.done $0x0  }
0xcf: {  	[sflag:s11] =	ssyncadd.s32 $0xFFFFFFB0  }
0xd0: {  	_ =	swait.ge [sflag:s11], $0x50  }
0xd1: {  	[sflag:s11] =	ssyncset.done $0x0  }
0xd2: {  	p1 =	seq.s32 s15, $0x4B0;
	[sflag:s11] =	ssyncadd.s32 $0xFFFFFFB0  }
0xd3: {  	[tilespmem:s7], [sflag:$0x6] =	stream.indirect.gather [hbm4b:s5+s0], $0x80, s25, s0, $0xb8;
	[tilespmem:$0x18C80] =	vst v63  }
0xd4: {  	s16 =	simm.s32 @!p1 $0x0;
	s1 =	sadd.s32 @!p1 s15, s24;
	s17 =	simm.s32 @!p1 $0x13900  }
0xd5: {  	[tilespmem:s17], [sflag:$0x2] =	stream.linear.gather @!p1 [hbm4b:s1+s16], $0x50, $0x38;
	[tilespmem:$0x18C80] =	vst v63  }
0xd6: {  	s1 =	sadd.s32 @!p1 s15, s23;
	s17 =	simm.s32 @!p1 $0x13B00  }
0xd7: {  	[tilespmem:s17], [sflag:$0x2] =	stream.linear.gather @!p1 [hbm4b:s1+s16], $0x50, $0x38;
	[tilespmem:$0x18C80] =	vst v63  }
0xd8: {  	_ =	swait.ge [sflag:s8], $0x2800  }
0xd9: {  	[sflag:s8] =	ssyncset.done $0x0  }
0xda: {  	[sflag:s8] =	ssyncadd.s32 $0xFFFFD800  }
0xdb: {  	[spmem:s2] =	stream.indirect.scatter.add.f32 [tilespmem:s29], [sflag:$0x7], $0x80, s26, s0, $0xb8;
	[tilespmem:$0x18C80] =	vst v63  }
0xdc: {  	_ =	swait.ge [sflag:s30], $0x2800  }
0xdd: {  	[sflag:s30] =	ssyncset.done $0x0  }
0xde: {  	[sflag:s30] =	ssyncadd.s32 $0xFFFFD800  }
0xdf: {  	_ =	swait.ge [sflag:s31], $0x50  }
0xe0: {  	[sflag:s31] =	ssyncset.done $0x0  }
.Ltmp3:
0xe1: {  	[sflag:s31] =	ssyncadd.s32 $0xFFFFFFB0;
	(pc) =	sbr.rel @p1 .LBB2_6-.Ltmp3, $4  }
0xe2: {  	_ =	swait.ge [sflag:s31], $0x50  }
0xe3: {  	[sflag:s31] =	ssyncset.done $0x0  }
0xe4: {  	[sflag:s31] =	ssyncadd.s32 $0xFFFFFFB0  }
0xe5: {  	[tilespmem:s29], [sflag:$0x5] =	stream.indirect.gather [hbm4b:s5+s0], $0x80, s13, s0, $0xb8;
	[tilespmem:$0x18C80] =	vst v63  }
0xe6: {  	s1 =	sadd.s32 s15, s22  }
0xe7: {  	[tilespmem:s18], [sflag:$0x3] =	stream.linear.gather [hbm4b:s1+s3], $0x50, $0x38;
	[tilespmem:$0x18C80] =	vst v63  }
0xe8: {  	s16 =	sadd.s32 s15, s21  }
0xe9: {  	[tilespmem:s26], [sflag:$0x3] =	stream.linear.gather [hbm4b:s16+s3], $0x50, $0x38;
	[tilespmem:$0x18C80] =	vst v63  }
0xea: {  	_ =	swait.ge [sflag:s10], $0x2800  }
0xeb: {  	[sflag:s10] =	ssyncset.done $0x0  }
0xec: {  	[sflag:s10] =	ssyncadd.s32 $0xFFFFD800  }
0xed: {  	[spmem:s2] =	stream.indirect.scatter.add.f32 [tilespmem:s7], [sflag:$0x7], $0x80, s28, s0, $0xb8;
	[tilespmem:$0x18C80] =	vst v63  }
0xee: {  	_ =	swait.ge [sflag:s30], $0x2800  }
0xef: {  	[sflag:s30] =	ssyncset.done $0x0  }
0xf0: {  	[sflag:s30] =	ssyncadd.s32 $0xFFFFD800  }
0xf1: {  	_ =	swait.ge [sflag:s4], $0x50  }
0xf2: {  	[sflag:s4] =	ssyncset.done $0x0  }
0xf3: {  	[sflag:s4] =	ssyncadd.s32 $0xFFFFFFB0  }
0xf4: {  	_ =	swait.ge [sflag:s4], $0x50  }
0xf5: {  	[sflag:s4] =	ssyncset.done $0x0  }
0xf6: {  	s17 =	simm.s32 $0x13900;
	[sflag:s4] =	ssyncadd.s32 $0xFFFFFFB0  }
0xf7: {  	[tilespmem:s7], [sflag:$0x6] =	stream.indirect.gather [hbm4b:s5+s0], $0x80, s17, s0, $0xb8;
	[tilespmem:$0x18C80] =	vst v63  }
.Ltmp4:
0xf8: {  	_ = 	snop;
	(pc) =	sbr.rel .LBB2_4-.Ltmp4, $4  }
0xf9: {  	s16 =	sadd.s32 s15, s20  }
0xfa: {  	[tilespmem:s25], [sflag:$0x4] =	stream.linear.gather [hbm4b:s16+s3], $0x50, $0x38;
	[tilespmem:$0x18C80] =	vst v63  }
0xfb: {  	s12 =	sadd.s32 $0x140, s12;
	s17 =	sadd.s32 s15, s19;
	s15 =	sadd.s32 $0x28, s15  }
0xfc: {  	[tilespmem:s28], [sflag:$0x4] =	stream.linear.gather [hbm4b:s17+s3], $0x50, $0x38;
	[tilespmem:$0x18C80] =	vst v63  }
.LBB2_7:
0xfd: {  	_ =	sfence.sel $0x180000  }
0xfe: {  	[bflag:$0x0] =	sbarrier.arrive $0xFFFF  }
0xff: {  	_ =	strace $0x9000004A  }
0x100: {  	[bflag:$0x2] =	sbarrier.arrive $0xFFFF  }
0x101: {  	s0 =	rddreg [dreg:$0x3]  }
0x102: {  	s0 =	sadd.s32 @!p0 $0x100000, s0  }
0x103: {  	[sflag:s0] =	ssyncadd.tile.s32 @!p0 $0x1;
	_ =	shalt  }
.Lfunc_end2:
_tile_overlayer_lowered:
.L_overlay_start_2:
0x104: {  	(tag) =	ssettag $0x2  }
0x105: {  	s0 =	rddreg [dreg:$0x0];
	s2 =	stileid.u32  }
0x106: {  	s1 =	rddreg [dreg:$0x1];
	p0 =	sne.s32 s2, $0x0  }
0x107: {  	s3 =	rddreg [dreg:$0x2];
	[bflag:$0x3] =	sbarrier.arrive $0xFFFF;
	s2 =	simm.s32 @!p0 $0x1C07  }
0x108: {  	[timem:s3], [sflag:s2] =	dma.local @!p0 [hbm:s0], s1  }
0x109: {  	s0 =	simm.s32 @!p0 $0x7  }
0x10a: {  	_ =	swait.ge @!p0 [sflag:s0], s1  }
0x10b: {  	s1 =	ssub.s32 @!p0 $0x0, s1;
	[sflag:s0] =	ssyncset.done @!p0 $0x0  }
0x10c: {  	[sflag:s0] =	ssyncadd.s32 @!p0 s1  }
0x10d: {  	[bflag:$0x3] =	sbarrier.arrive $0xFFFF  }
0x10e: {  	_ =	shalt  }

// kernel: kernel.8.cloned.1.call-start
scs
__scs_entry_jumppad:
0x0: {  	(pc) =	sbr.rel $0x88, $3  }
0x1: {  	(tag) =	ssettag $0x0;
	lr =	simm.s32 $0x1  }
0x2: {  	[smem:$0x3F98] =	sst lr;
	_ =	strace $0xD0000000  }
0x3: {  	_ = 	snop  }
0x4: {  	_ = 	snop  }
0x5: {  	_ = 	snop  }
0x6: {  	_ = 	snop  }
0x7: {  	_ = 	snop  }
__scs_overlays_trampoline_lowered:
0x8: {  	[smem:$0x3FA7] =	sst s0  }
0x9: {  	[smem:$0x3FA8] =	sst s1  }
0xa: {  	[smem:$0x3FA9] =	sst s2  }
0xb: {  	[smem:$0x3FAA] =	sst s3  }
0xc: {  	[smem:$0x3FAB] =	sst s4  }
0xd: {  	[smem:$0x3FAC] =	sst s5  }
0xe: {  	[smem:$0x3FAD] =	sst s6  }
0xf: {  	[smem:$0x3FAE] =	sst s7  }
0x10: {  	[smem:$0x3FAF] =	sst s8  }
0x11: {  	[smem:$0x3FB0] =	sst s9;
	s0 =	simm.s32 @!p0 $0x0  }
0x12: {  	s1 =	sld [smem:$0x3F96];
	s0 =	simm.s32 @p0 $0x1  }
0x13: {  	[smem:$0x3FB1] =	sst s0;
	s0 =	simm.s32 @!p1 $0x0  }
0x14: {  	s2 =	sld [smem:$0x3F95];
	s0 =	simm.s32 @p1 $0x1  }
0x15: {  	[smem:$0x3FB2] =	sst s0;
	s0 =	simm.s32 @!p2 $0x0  }
0x16: {  	s3 =	sld [smem:$0x3FDB];
	s0 =	simm.s32 @p2 $0x1  }
0x17: {  	s4 =	simm.s32 $0x1BF5;
	[smem:$0x3FB4] =	sst s0  }
0x18: {  	s0 =	sld [smem:$0x3F97];
	_ =	swait.ge [sflag:s4], $0x0  }
0x19: {  	s7 =	sld [smem:$0x3F98]  }
0x1a: {  	s8 =	sadd.s32 $0xFFFFE003, lr  }
0x1b: {  	s9 =	sadd.s32 $0xFFFFFEF7, lr;
	s5 =	simm.s32 $0xFFFFFFFF;
	p2 =	slt.u32 s8, $0xFFFFF086  }
0x1c: {  	p1 =	slt.u32 s9, $0xF7A;
	s5 =	simm.s32 @!p2 $0x0  }
0x1d: {  	s5 =	simm.s32 @p1 $0x1;
	p0 =	seq.s32 s7, s2  }
0x1e: {  	s7 =	smul.u32 @!p0 $0xF7A, s2;
	p2 =	seq.s32 @!p0 s5, $0x0  }
0x1f: {  	s9 =	smul.u32 $0xF7A, s1;
	s8 =	simm.s32 @!p0 $0x1BF5;
	p2 =	por !p2, p0  }
0x20: {  	[sflag:s8] =	ssyncset.s32 @!p0 $0xFFFFF086;
	s6 =	sadd.s32 @!p0 s3, s7;
	s7 =	simm.s32 @!p0 $0x108  }
0x21: {  	s3 =	sadd.s32 s3, s9;
	s6 =	sadd.s32 @!p0 $0x88, s6;
	s7 =	simm.s32 @p2 $0x1082  }
0x22: {  	[simem:s7], [sflag:s8] =	dma.local @!p0 [hbm:s6], $0xF7A  }
0x23: {  	s9 =	sor.u32 $0xD0000000, s2;
	s6 =	simm.s32 $0x108;
	_ =	swait.ge @!p0 [sflag:s8], $0x0  }
0x24: {  	s3 =	sadd.s32 $0x88, s3;
	s6 =	simm.s32 @!p1 $0x1082;
	[sflag:s4] =	ssyncset.s32 $0xFFFFF086  }
0x25: {  	[simem:s6], [sflag:s4] =	dma.local [hbm:s3], $0xF7A  }
0x26: {  	[smem:$0x3F98] =	sst s1;
	(tag) =	ssettag s2;
	_ =	strace s9  }
0x27: {  	s1 =	sld [smem:$0x3FA8]  }
0x28: {  	s2 =	sld [smem:$0x3FA9]  }
0x29: {  	s4 =	sld [smem:$0x3FAB]  }
0x2a: {  	p0 =	seq.s32 s5, $0x0;
	s5 =	sld [smem:$0x3FAC]  }
0x2b: {  	s6 =	sld [smem:$0x3FAD]  }
0x2c: {  	s7 =	sld [smem:$0x3FAE]  }
0x2d: {  	s3 =	simm.s32 $0x108;
	s8 =	sld [smem:$0x3FAF]  }
0x2e: {  	s3 =	simm.s32 @!p0 $0x1082;
	s9 =	sld [smem:$0x3FB0]  }
0x2f: {  	lr =	sadd.s32 s0, s3;
	s0 =	sld [smem:$0x3FA7]  }
0x30: {  	s3 =	sld [smem:$0x3FAA]  }
0x31: {  	[smem:$0x3FB3] =	sst s10  }
0x32: {  	s10 =	sld [smem:$0x3FB1];
	_ =	sdelay $0x3  }
0x33: {  	p0 =	seq.s32 s10, $0x1;
	s10 =	sld [smem:$0x3FB3];
	_ =	sdelay $0x3  }
0x34: {  	[smem:$0x3FB3] =	sst s10  }
0x35: {  	s10 =	sld [smem:$0x3FB2];
	_ =	sdelay $0x3  }
0x36: {  	p1 =	seq.s32 s10, $0x1;
	s10 =	sld [smem:$0x3FB3];
	_ =	sdelay $0x3  }
0x37: {  	[smem:$0x3FB3] =	sst s10  }
0x38: {  	s10 =	sld [smem:$0x3FB4]  }
0x39: {  	_ = 	snop;
	(pc) =	sbr.ind lr, $3  }
0x3a: {  	_ = 	snop  }
0x3b: {  	_ = 	snop  }
0x3c: {  	p2 =	seq.s32 s10, $0x1;
	s10 =	sld [smem:$0x3FB3]  }
0x3d: {  	_ =	shalt  }
0x3e: {  	_ =	shalt  }
0x3f: {  	_ =	shalt  }
0x40: {  	_ =	shalt  }
0x41: {  	_ =	shalt  }
0x42: {  	_ =	shalt  }
0x43: {  	_ =	shalt  }
0x44: {  	_ =	shalt  }
0x45: {  	_ =	shalt  }
0x46: {  	_ =	shalt  }
0x47: {  	_ =	shalt  }
0x48: {  	_ =	shalt  }
0x49: {  	_ =	shalt  }
0x4a: {  	_ =	shalt  }
0x4b: {  	_ =	shalt  }
0x4c: {  	_ =	shalt  }
0x4d: {  	_ =	shalt  }
0x4e: {  	_ =	shalt  }
0x4f: {  	_ =	shalt  }
0x50: {  	_ =	shalt  }
0x51: {  	_ =	shalt  }
0x52: {  	_ =	shalt  }
0x53: {  	_ =	shalt  }
0x54: {  	_ =	shalt  }
0x55: {  	_ =	shalt  }
0x56: {  	_ =	shalt  }
0x57: {  	_ =	shalt  }
0x58: {  	_ =	shalt  }
0x59: {  	_ =	shalt  }
0x5a: {  	_ =	shalt  }
0x5b: {  	_ =	shalt  }
0x5c: {  	_ =	shalt  }
0x5d: {  	_ =	shalt  }
0x5e: {  	_ =	shalt  }
0x5f: {  	_ =	shalt  }
0x60: {  	_ =	shalt  }
0x61: {  	_ =	shalt  }
0x62: {  	_ =	shalt  }
0x63: {  	_ =	shalt  }
0x64: {  	_ =	shalt  }
0x65: {  	_ =	shalt  }
0x66: {  	_ =	shalt  }
0x67: {  	_ =	shalt  }
0x68: {  	_ =	shalt  }
0x69: {  	_ =	shalt  }
0x6a: {  	_ =	shalt  }
0x6b: {  	_ =	shalt  }
0x6c: {  	_ =	shalt  }
0x6d: {  	_ =	shalt  }
0x6e: {  	_ =	shalt  }
0x6f: {  	_ =	shalt  }
0x70: {  	_ =	shalt  }
0x71: {  	_ =	shalt  }
0x72: {  	_ =	shalt  }
0x73: {  	_ =	shalt  }
0x74: {  	_ =	shalt  }
0x75: {  	_ =	shalt  }
0x76: {  	_ =	shalt  }
0x77: {  	_ =	shalt  }
0x78: {  	_ =	shalt  }
0x79: {  	_ =	shalt  }
0x7a: {  	_ =	shalt  }
0x7b: {  	_ =	shalt  }
0x7c: {  	_ =	shalt  }
0x7d: {  	_ =	shalt  }
0x7e: {  	_ =	shalt  }
0x7f: {  	_ =	shalt  }
0x80: {  	_ =	shalt  }
0x81: {  	_ =	shalt  }
0x82: {  	_ =	shalt  }
0x83: {  	_ =	shalt  }
0x84: {  	_ =	shalt  }
0x85: {  	_ =	shalt  }
0x86: {  	_ =	shalt  }
0x87: {  	_ =	shalt  }
.Lfunc_end0:
.L_simem_size_0:
called_computation_lowered:
.L_overlay_start_0:
0x88: {  	s2 =	sld [smem:$0x3FD9]  }
0x89: {  	s3 =	sld [smem:$0x3FFE];
	_ =	sdelay $0x1  }
0x8a: {  	s1 =	srdreg.scid  }
0x8b: {  	s0 =	sand.u32 $0x1, s1  }
0x8c: {  	s17 =	sshll.u32 s0, $0xA;
	s2 =	sadd.s32 s3, s2  }
0x8d: {  	s2 =	sadd.s32 s2, s17  }
0x8e: {  	[smem:$0x3FBF] =	sst s2  }
0x8f: {  	_ = 	snop  }
0x90: {  	s2 =	sld [smem:$0x3FC9]  }
0x91: {  	s18 =	sld [smem:$0x3FD0];
	(tm) =	ssettm $0x1  }
0x92: {  	s4 =	sld [smem:$0x3FFB];
	_ =	sdelay $0x3  }
0x93: {  	_ =	strace s4  }
0x94: {  	s4 =	sld [smem:$0x3FFC];
	_ =	sdelay $0x3  }
0x95: {  	_ =	strace s4  }
0x96: {  	s4 =	sld [smem:$0x3FFD];
	_ =	sdelay $0x3  }
0x97: {  	_ =	strace s4  }
0x98: {  	_ =	strace $0x8FFFFFFF  }
0x99: {  	s19 =	sld [smem:$0x3FDB];
	_ =	sdelay $0x1  }
0x9a: {  	s5 =	simm.s32 $_scs_section_size  }
0x9b: {  	s6 =	simm.s32 $_size__tile_overlayer_lowered;
	s7 =	simm.s32 $_tile_overlayer_lowered  }
0x9c: {  	s22 =	simm.s32 $0x1BFF;
	s21 =	sshll.u32 s7, $0x1;
	s4 =	sadd.s32 s5, s19  }
0x9d: {  	s8 =	simm.s32 $0x0;
	s20 =	sshll.u32 s6, $0x1;
	s6 =	sadd.s32 s21, s4  }
0x9e: {  	[timem:s8], [sflag:s22] =	dma.local [hbm:s6], s20  }
0x9f: {  	_ =	swait.ge [sflag:s22], s20  }
0xa0: {  	s5 =	ssub.s32 $0x0, s20;
	[sflag:s22] =	ssyncset.done $0x0  }
0xa1: {  	[sflag:s22] =	ssyncadd.s32 s5;
	_ =	sdelay $0x1  }
0xa2: {  	s23 =	simm.s32 $0x1B8B  }
0xa3: {  	_ =	swait.ge [sflag:s23], $0x1  }
0xa4: {  	[sflag:s23] =	ssyncset.done $0x0  }
0xa5: {  	s25 =	simm.s32 $0x1B8E;
	s24 =	sld [smem:$0x3FFE];
	[sflag:s23] =	ssyncadd.s32 $0xFFFFFFFF  }
0xa6: {  	s26 =	simm.s32 $execute0_lowered;
	[smem:$0x3FD2] =	sst s25  }
0xa7: {  	s6 =	sshll.u32 s26, $0x1;
	_ =	strace $0x80000046;
	[dreg:$0x1] =	wrdreg $0xFFFFFFFF  }
0xa8: {  	s28 =	simm.s32 $_size_execute0_lowered;
	s4 =	sadd.s32 s4, s6;
	[dreg:$0x0] =	wrdreg $0x0  }
0xa9: {  	s6 =	sshll.u32 s28, $0x1;
	[dreg:$0x2] =	wrdreg s4  }
0xaa: {  	[dreg:$0x3] =	wrdreg s6  }
0xab: {  	[dreg:$0x4] =	wrdreg $0xC0  }
0xac: {  	_ =	task [dreg:s8], $0x5FFFF  }
0xad: {  	[dreg:$0x1] =	wrdreg $0xFFFFFFFF  }
0xae: {  	[dreg:$0x0] =	wrdreg $0x60  }
0xaf: {  	[dreg:$0x2] =	wrdreg s2  }
0xb0: {  	[dreg:$0x3] =	wrdreg s24  }
0xb1: {  	[dreg:$0x4] =	wrdreg s18  }
0xb2: {  	[dreg:$0x5] =	wrdreg $0x0  }
0xb3: {  	[dreg:$0x6] =	wrdreg $0x138800  }
0xb4: {  	[dreg:$0x7] =	wrdreg $0x9  }
0xb5: {  	_ =	task.clear_ibuf [dreg:s8], $0x8FFFF;
	_ =	strace $0x90000046  }
0xb6: {  	s29 =	simm.s32 $0x9;
	_ =	strace $0x80000048  }
0xb7: {  	_ =	swait.ge [sflag:s29], $0x1  }
0xb8: {  	[sflag:s29] =	ssyncadd.s32 $0xFFFFFFFF  }
0xb9: {  	_ =	strace $0x90000048  }
0xba: {  	_ =	sfence  }
0xbb: {  	s30 =	sld [smem:$0x0];
	_ =	sdelay $0x2  }
0xbc: {  	s31 =	sshll.u32 s1, $0xD;
	s1 =	sshrl.u32 s1, $0x2  }
0xbd: {  	s3 =	sand.u32 $0x4000, s31;
	s1 =	sadd.s32 s1, s30  }
0xbe: {  	s0 =	sor.u32 s3, s0;
	s1 =	sshll.u32 s1, $0x11  }
0xbf: {  	s0 =	sor.u32 s1, s0  }
0xc0: {  	s0 =	sadd.s32 $0x8F2B, s0  }
0xc1: {  	[sflag:s0] =	ssyncadd.remote.s32 $0x1  }
0xc2: {  	_ =	sfence.sel $0xFFFF  }
0xc3: {  	[dreg:$0x0] =	wrdreg $0xFFFFFFFF;
	(pc) =	sbr.abs _section_cstart, $3  }
0xc4: {  	[dreg:$0x1] =	wrdreg $0xFFFFFFFF  }
0xc5: {  	_ =	task.clear_ibuf [dreg:s8], $0x2FFFF;
	_ =	strace $0x9FFFFFFF  }
0xc6: {  	(tm) =	ssettm $0x7FFFFFFF  }
0xc7: {  	_ =	shalt  }
tec
execute0_lowered:
.L_overlay_start_1:
0x0: {  	(tag) =	ssettag $0x1  }
0x1: {  	s0 =	rddreg [dreg:$0x0]  }
0x2: {  	s1 =	rddreg [dreg:$0x1]  }
0x3: {  	s7 =	rddreg [dreg:$0x2]  }
0x4: {  	s3 =	rddreg [dreg:$0x3];
	s14 =	stileid.u32  }
0x5: {  	s4 =	rddreg [dreg:$0x4];
	s12 =	smul.u32 $0x270, s14  }
0x6: {  	s2 =	srdreg.scid;
	s5 =	simm.s32 $0x0;
	s25 =	smul.u32 $0x4E000, s14  }
0x7: {  	s2 =	sand.u32 $0x1, s2;
	[smem:$0x7FF] =	sst s5;
	s31 =	smul.u32 $0x13800, s14  }
0x8: {  	s15 =	sadd.s32 $0x2800, s1;
	s9 =	sadd.s32 $0xD000, s1;
	s18 =	smul.u32 $0x2710, s14  }
0x9: {  	s1 =	sadd.s32 $0xC600, s1;
	s6 =	sshll.u32 s2, $0x4;
	s26 =	smul.u32 $0x138800, s2  }
0xa: {  	p0 =	sne.s32 s14, $0x0;
	s16 =	smul.u32 $0x2710, s2;
	s6 =	sor.u32 s14, s6  }
0xb: {  	_ =	strace $0x80000047;
	s8 =	ssub.s32 $0x2, s2;
	s6 =	smul.u32 $0x2710, s6  }
0xc: {  	s2 =	smul.u32 $0x27100, s2;
	s10 =	sshrl.u32 s8, $0x1;
	s19 =	sadd.s32 s12, s4  }
0xd: {  	s8 =	ssub.s32 s8, s10;
	s17 =	sadd.s32 s31, s26;
	s6 =	sshrl.u32 s6, $0x3  }
0xe: {  	[dreg:$0x10] =	wrdreg s19;
	s2 =	sadd.s32 s18, s2;
	s20 =	sadd.s32 s15, s6  }
0xf: {  	s21 =	sadd.s32 s7, s6;
	s22 =	sadd.s32 $0xA, s6;
	[dreg:$0x6] =	wrdreg s20  }
0x10: {  	s23 =	sadd.s32 $0x14, s6;
	[dreg:$0x7] =	wrdreg s21;
	s11 =	sadd.s32 s15, s22  }
0x11: {  	s6 =	sadd.s32 $0x1E, s6;
	s10 =	sadd.s32 s7, s22;
	[dreg:$0x8] =	wrdreg s11  }
0x12: {  	s24 =	sadd.s32 s15, s23;
	s13 =	sadd.s32 s15, s6;
	[dreg:$0x9] =	wrdreg s10  }
0x13: {  	s6 =	sadd.s32 s7, s6;
	s22 =	sadd.s32 $0x230, s2;
	[dreg:$0xa] =	wrdreg s24  }
0x14: {  	s11 =	sadd.s32 s7, s23;
	[dreg:$0xc] =	wrdreg s13;
	s10 =	sshrl.u32 s25, $0x2  }
0x15: {  	[dreg:$0xd] =	wrdreg s6;
	s6 =	sshrl.u32 s16, $0x3;
	s24 =	sshrl.u32 s22, $0x3  }
0x16: {  	s25 =	smax.u32 s8, $0x1;
	[dreg:$0xb] =	wrdreg s11;
	s30 =	sadd.s32 s10, s3  }
0x17: {  	s11 =	sshrl.u32 s26, $0x3;
	[dreg:$0x14] =	wrdreg s25;
	s26 =	sadd.s32 s24, s7  }
0x18: {  	s10 =	sshrl.u32 s17, $0x3;
	s6 =	sadd.s32 s1, s6;
	[dreg:$0x15] =	wrdreg s26  }
0x19: {  	s11 =	sadd.s32 s9, s11;
	s9 =	sadd.s32 s9, s10;
	[dreg:$0xe] =	wrdreg s30  }
0x1a: {  	s31 =	sadd.s32 $0x1E0, s2;
	s23 =	sadd.s32 $0x4E0, s6;
	[dreg:$0xf] =	wrdreg s9  }
0x1b: {  	s21 =	sadd.s32 s12, s16;
	s10 =	sadd.s32 $0x140, s2;
	[dreg:$0x13] =	wrdreg s23  }
0x1c: {  	s8 =	sadd.s32 $0x190, s2;
	s12 =	sadd.s32 $0x3000, s30;
	[dreg:$0x17] =	wrdreg s10  }
0x1d: {  	s6 =	sshrl.u32 s31, $0x3;
	s13 =	sadd.s32 $0x4800, s30;
	[dreg:$0x19] =	wrdreg s12  }
0x1e: {  	s14 =	sadd.s32 $0x6000, s30;
	s16 =	sadd.s32 $0x9000, s30;
	[dreg:$0x1a] =	wrdreg s13  }
0x1f: {  	s17 =	sadd.s32 $0xA800, s30;
	s18 =	sadd.s32 $0xC000, s30;
	[dreg:$0x1b] =	wrdreg s14  }
0x20: {  	s19 =	sadd.s32 $0xD800, s30;
	s22 =	sadd.s32 $0x12000, s30;
	[dreg:$0x1d] =	wrdreg s16  }
0x21: {  	s31 =	sadd.s32 $0x2700, s4;
	s20 =	sadd.s32 $0x27000, s11;
	[dreg:$0x1e] =	wrdreg s17  }
0x22: {  	s9 =	sshrl.u32 s21, $0x3;
	s25 =	sadd.s32 s6, s7;
	[dreg:$0x1f] =	wrdreg s18  }
0x23: {  	s26 =	sadd.s32 s6, s15;
	s11 =	sadd.s32 $0x1800, s30;
	[smem:$0x7F8] =	sst s19  }
0x24: {  	s21 =	sadd.s32 $0x10800, s30;
	[smem:$0x7FB] =	sst s22;
	s23 =	sadd.s32 $0x138000, s3  }
0x25: {  	[smem:$0x7FD] =	sst s31;
	s22 =	simm.s32 $0x13CF8;
	s6 =	simm.s32 $0x13DF8  }
0x26: {  	s10 =	simm.s32 $0x13EF8;
	s12 =	simm.s32 $0x1;
	s13 =	simm.s32 $0x50  }
0x27: {  	s14 =	simm.s32 $0x2;
	s17 =	simm.s32 $0x5;
	[dreg:$0x11] =	wrdreg s20  }
0x28: {  	s19 =	simm.s32 $0x18EF8;
	s16 =	simm.s32 $0x6;
	[dreg:$0x18] =	wrdreg s11  }
0x29: {  	s18 =	simm.s32 $0x4;
	s1 =	sadd.s32 s1, s9;
	[smem:$0x7FA] =	sst s21  }
0x2a: {  	s9 =	sshrl.u32 s8, $0x3;
	s20 =	sadd.s32 $0xF000, s30;
	[smem:$0x7FC] =	sst s23  }
0x2b: {  	s21 =	simm.s32 $0x13AF8;
	s8 =	simm.s32 $0x13C78;
	s11 =	simm.s32 $0x7  }
.Ltmp0:
0x2c: {  	s23 =	simm.s32 $0x0;
	[dreg:$0x12] =	wrdreg s1;
	(pc) =	sbr.rel .LBB2_1-.Ltmp0, $4  }
0x2d: {  	s1 =	sadd.s32 s24, s15;
	s28 =	sadd.s32 s9, s7;
	s24 =	smov.u32 s15  }
0x2e: {  	s29 =	sadd.s32 s9, s15;
	s15 =	sadd.s32 $0x7800, s30;
	[smem:$0x7F9] =	sst s20  }
0x2f: {  	s9 =	simm.s32 $0x13E78;
	s20 =	simm.s32 $0x3;
	[dreg:$0x16] =	wrdreg s1  }
0x30: {  	v0 =	vimm.f32 $0.0e+00;
	v1 =	vimm.f32 $1.000000000e+00;
	[dreg:$0x1c] =	wrdreg s15;
	s1 =	simm.s32 $0x13D78;
	s15 =	simm.s32 $0x166F8  }
.LBB2_6:
0x31: {  	_ =	swait.ge [sflag:s17], $0x2800  }
0x32: {  	[sflag:s17] =	ssyncset.done $0x0  }
0x33: {  	[sflag:s17] =	ssyncadd.s32 $0xFFFFD800  }
0x34: {  	[spmem:s3] =	stream.indirect.scatter.add.f32 [tilespmem:s10], [sflag:$0x7], $0x80, s22, s13, $0xb8;
	[tilespmem:$0x191F8] =	vst v63  }
0x35: {  	_ =	swait.ge [sflag:s11], $0x2800  }
0x36: {  	[sflag:s11] =	ssyncset.done $0x0  }
0x37: {  	[sflag:s11] =	ssyncadd.s32 $0xFFFFD800  }
0x38: {  	[spmem:s4] =	stream.indirect.scatter.add.f32 [tilespmem:s19], [sflag:$0x7], $0x1, s22, s13, $0xb8;
	[tilespmem:$0x191F8] =	vst v63  }
0x39: {  	_ =	swait.ge [sflag:s11], $0x50  }
0x3a: {  	[sflag:s11] =	ssyncset.done $0x0  }
0x3b: {  	[sflag:s11] =	ssyncadd.s32 $0xFFFFFFB0  }
0x3c: {  	s2 =	stileid.u32;
	[bflag:$0x0] =	sbarrier.arrive $0xFFFF  }
0x3d: {  	s2 =	sshll.u32 s2, $0x6;
	s30 =	rddreg [dreg:$0xe]  }
0x3e: {  	s2 =	sor.u32 $0x1C07, s2;
	s23 =	rddreg [dreg:$0xf];
	s7 =	sshrl.u32 s30, $0x3  }
0x3f: {  	[hbm:s23], [sflag:s2] =	dma.local [spmem:s7], $0x2700  }
0x40: {  	_ =	swait.ge [sflag:s11], $0x2700  }
0x41: {  	s7 =	sld [smem:$0x7FC];
	_ =	sdelay $0x1  }
0x42: {  	[sflag:s11] =	ssyncset.done $0x0  }
0x43: {  	s23 =	rddreg [dreg:$0x11];
	[sflag:s11] =	ssyncadd.s32 $0xFFFFD900;
	s7 =	sshrl.u32 @!p0 s7, $0x3  }
0x44: {  	[hbm:s23], [sflag:s2] =	dma.local @!p0 [spmem:s7], $0x100  }
0x45: {  	s2 =	simm.s32 @!p0 $0x7  }
0x46: {  	_ =	swait.ge @!p0 [sflag:s2], $0x100  }
0x47: {  	[sflag:s2] =	ssyncset.done @!p0 $0x0  }
0x48: {  	s23 =	simm.s32 $0x18F78;
	s31 =	rddreg [dreg:$0x10];
	[sflag:s2] =	ssyncadd.s32 @!p0 $0xFFFFFF00  }
0x49: {  	[tilespmem:s23], [sflag:$0x7] =	stream.linear.gather [spmem:s31], $0x270, $0x38;
	[tilespmem:$0x191F8] =	vst v63  }
0x4a: {  	_ =	swait.ge [sflag:s11], $0x270  }
0x4b: {  	[sflag:s11] =	ssyncset.done $0x0  }
0x4c: {  	s31 =	rddreg [dreg:$0x12];
	[sflag:s11] =	ssyncadd.s32 $0xFFFFFD90  }
0x4d: {  	[hbm4b:s31+s5] =	stream.linear.scatter [tilespmem:s23], [sflag:$0x7], $0x270, $0x38;
	[tilespmem:$0x191F8] =	vst v63  }
0x4e: {  	_ =	swait.ge [sflag:s11], $0x270  }
0x4f: {  	s23 =	sld [smem:$0x7FD]  }
0x50: {  	[sflag:s11] =	ssyncset.done $0x0  }
0x51: {  	s7 =	simm.s32 @!p0 $0x18EF8;
	[sflag:s11] =	ssyncadd.s32 $0xFFFFFD90  }
0x52: {  	[tilespmem:s7], [sflag:$0x7] =	stream.linear.gather @!p0 [spmem:s23], $0x10, $0x38;
	[tilespmem:$0x191F8] =	vst v63  }
0x53: {  	_ =	swait.ge @!p0 [sflag:s2], $0x10  }
0x54: {  	[sflag:s2] =	ssyncset.done @!p0 $0x0  }
0x55: {  	s23 =	simm.s32 @!p0 $0x0;
	s31 =	rddreg [dreg:$0x13];
	[sflag:s2] =	ssyncadd.s32 @!p0 $0xFFFFFFF0  }
0x56: {  	[hbm4b:s31+s23] =	stream.linear.scatter @!p0 [tilespmem:s7], [sflag:$0x7], $0x10, $0x38;
	[tilespmem:$0x191F8] =	vst v63  }
0x57: {  	_ =	swait.ge @!p0 [sflag:s2], $0x10  }
0x58: {  	s7 =	sld [smem:$0x7F7];
	_ =	sdelay $0x2  }
0x59: {  	s31 =	rddreg [dreg:$0x14];
	s23 =	sadd.s32 $0x1, s7  }
0x5a: {  	p1 =	sne.s32 s23, s31  }
.Ltmp1:
0x5b: {  	_ = 	snop;
	(pc) =	sbr.rel @!p1 .LBB2_7-.Ltmp1, $3  }
0x5c: {  	_ =	sdelay $0x1  }
0x5d: {  	[sflag:s2] =	ssyncset.done @!p0 $0x0  }
0x5e: {  	[sflag:s2] =	ssyncadd.s32 @!p0 $0xFFFFFFF0  }
.LBB2_1:
0x5f: {  	[smem:$0x7F7] =	sst s23  }
0x60: {  	s2 =	rddreg [dreg:$0x6]  }
0x61: {  	[tilespmem:s21], [sflag:$0x1] =	stream.linear.gather [hbm4b:s2+s5], $0x50, $0x38;
	[tilespmem:$0x191F8] =	vst v63  }
0x62: {  	s7 =	rddreg [dreg:$0x7]  }
0x63: {  	[tilespmem:s22], [sflag:$0x1] =	stream.linear.gather [hbm4b:s7+s5], $0x50, $0x38;
	[tilespmem:$0x191F8] =	vst v63  }
0x64: {  	s23 =	rddreg [dreg:$0x8];
	s7 =	simm.s32 $0x13B78  }
0x65: {  	[tilespmem:s7], [sflag:$0x2] =	stream.linear.gather [hbm4b:s23+s5], $0x50, $0x38;
	[tilespmem:$0x191F8] =	vst v63  }
0x66: {  	s23 =	rddreg [dreg:$0x9]  }
0x67: {  	[tilespmem:s1], [sflag:$0x2] =	stream.linear.gather [hbm4b:s23+s5], $0x50, $0x38;
	[tilespmem:$0x191F8] =	vst v63  }
0x68: {  	s7 =	rddreg [dreg:$0xa];
	s23 =	simm.s32 $0x13BF8  }
0x69: {  	[tilespmem:s23], [sflag:$0x3] =	stream.linear.gather [hbm4b:s7+s5], $0x50, $0x38;
	[tilespmem:$0x191F8] =	vst v63  }
0x6a: {  	s23 =	rddreg [dreg:$0xb]  }
0x6b: {  	[tilespmem:s6], [sflag:$0x3] =	stream.linear.gather [hbm4b:s23+s5], $0x50, $0x38;
	[tilespmem:$0x191F8] =	vst v63  }
0x6c: {  	s7 =	rddreg [dreg:$0xc]  }
0x6d: {  	[tilespmem:s8], [sflag:$0x4] =	stream.linear.gather [hbm4b:s7+s5], $0x50, $0x38;
	[tilespmem:$0x191F8] =	vst v63  }
0x6e: {  	s31 =	simm.s32 $0x200;
	s2 =	simm.s32 $0x0;
	s23 =	rddreg [dreg:$0xd]  }
0x6f: {  	[tilespmem:s9], [sflag:$0x4] =	stream.linear.gather [hbm4b:s23+s5], $0x50, $0x38;
	[tilespmem:$0x191F8] =	vst v63  }
.LBB2_2:
0x70: {  	p1 =	sne.s32 s31, $0x5E00;
	[tilespmem:s2+$0x13F68] =	vst v0  }
0x71: {  	[tilespmem:s2+$0x13EF8] =	vst v0  }
0x72: {  	[tilespmem:s2+$0x13F08] =	vst v0  }
.Ltmp2:
0x73: {  	[tilespmem:s2+$0x13F18] =	vst v0;
	(pc) =	sbr.rel @p1 .LBB2_2-.Ltmp2, $4  }
0x74: {  	[tilespmem:s2+$0x13F28] =	vst v0  }
0x75: {  	[tilespmem:s2+$0x13F38] =	vst v0  }
0x76: {  	[tilespmem:s2+$0x13F48] =	vst v0  }
0x77: {  	[tilespmem:s2+$0x13F58] =	vst v0;
	s2 =	sshra.s32 s31, $0x2;
	s31 =	sadd.s32 $0x200, s31  }
0x78: {  	[tilespmem:s2+$0x13F68] =	vst v0  }
0x79: {  	[tilespmem:s2+$0x13EF8] =	vst v0  }
0x7a: {  	[tilespmem:s2+$0x13F08] =	vst v0  }
0x7b: {  	[tilespmem:s2+$0x13F18] =	vst v0  }
0x7c: {  	[tilespmem:s2+$0x13F28] =	vst v0  }
0x7d: {  	[tilespmem:s2+$0x13F38] =	vst v0  }
0x7e: {  	[tilespmem:s2+$0x13F48] =	vst v0  }
0x7f: {  	[tilespmem:s2+$0x13F58] =	vst v0  }
0x80: {  	[tilespmem:$0x18F78] =	vst v0  }
0x81: {  	[tilespmem:$0x18F88] =	vst v0  }
0x82: {  	[tilespmem:$0x18F98] =	vst v0  }
0x83: {  	[tilespmem:$0x18FA8] =	vst v0  }
0x84: {  	[tilespmem:$0x18FB8] =	vst v0  }
0x85: {  	[tilespmem:$0x18FC8] =	vst v0  }
0x86: {  	[tilespmem:$0x18FD8] =	vst v0  }
0x87: {  	[tilespmem:$0x18FE8] =	vst v0  }
0x88: {  	[tilespmem:$0x18FF8] =	vst v0  }
0x89: {  	[tilespmem:$0x19008] =	vst v0  }
0x8a: {  	[tilespmem:$0x19018] =	vst v0  }
0x8b: {  	[tilespmem:$0x19028] =	vst v0  }
0x8c: {  	[tilespmem:$0x19038] =	vst v0  }
0x8d: {  	[tilespmem:$0x19048] =	vst v0  }
0x8e: {  	[tilespmem:$0x19058] =	vst v0  }
0x8f: {  	[tilespmem:$0x19068] =	vst v0  }
0x90: {  	[tilespmem:$0x19078] =	vst v0  }
0x91: {  	[tilespmem:$0x19088] =	vst v0  }
0x92: {  	[tilespmem:$0x19098] =	vst v0  }
0x93: {  	[tilespmem:$0x190A8] =	vst v0  }
0x94: {  	[tilespmem:$0x190B8] =	vst v0  }
0x95: {  	[tilespmem:$0x190C8] =	vst v0  }
0x96: {  	[tilespmem:$0x190D8] =	vst v0  }
0x97: {  	[tilespmem:$0x190E8] =	vst v0  }
0x98: {  	[tilespmem:$0x190F8] =	vst v0  }
0x99: {  	[tilespmem:$0x19108] =	vst v0  }
0x9a: {  	[tilespmem:$0x19118] =	vst v0  }
0x9b: {  	[tilespmem:$0x19128] =	vst v0  }
0x9c: {  	[tilespmem:$0x19138] =	vst v0  }
0x9d: {  	[tilespmem:$0x19148] =	vst v0  }
0x9e: {  	[tilespmem:$0x19158] =	vst v0  }
0x9f: {  	[tilespmem:$0x19168] =	vst v0  }
0xa0: {  	[tilespmem:$0x19178] =	vst v0  }
0xa1: {  	[tilespmem:$0x19188] =	vst v0  }
0xa2: {  	[tilespmem:$0x19198] =	vst v0  }
0xa3: {  	[tilespmem:$0x191A8] =	vst v0  }
0xa4: {  	[tilespmem:$0x191B8] =	vst v0  }
0xa5: {  	[tilespmem:$0x191C8] =	vst v0  }
0xa6: {  	[tilespmem:$0x191D8] =	vst v0  }
0xa7: {  	[tilespmem:$0x18EF8] =	vst v1  }
0xa8: {  	[tilespmem:$0x18F08] =	vst v1  }
0xa9: {  	[tilespmem:$0x18F18] =	vst v1  }
0xaa: {  	[tilespmem:$0x18F28] =	vst v1  }
0xab: {  	[tilespmem:$0x18F38] =	vst v1  }
0xac: {  	[tilespmem:$0x18F48] =	vst v1  }
0xad: {  	[tilespmem:$0x18F58] =	vst v1  }
0xae: {  	[spmem:s30] =	stream.linear.scatter [tilespmem:s10], [sflag:$0x7], $0x1800, $0x38;
	[tilespmem:$0x191F8] =	vst v63  }
0xaf: {  	_ =	swait.ge [sflag:s11], $0x1800  }
0xb0: {  	[sflag:s11] =	ssyncset.done $0x0  }
0xb1: {  	s30 =	rddreg [dreg:$0x18];
	[sflag:s11] =	ssyncadd.s32 $0xFFFFE800  }
0xb2: {  	[spmem:s30] =	stream.linear.scatter [tilespmem:s10], [sflag:$0x7], $0x1800, $0x38;
	[tilespmem:$0x191F8] =	vst v63  }
0xb3: {  	_ =	swait.ge [sflag:s11], $0x1800  }
0xb4: {  	[sflag:s11] =	ssyncset.done $0x0  }
0xb5: {  	s7 =	rddreg [dreg:$0x19];
	[sflag:s11] =	ssyncadd.s32 $0xFFFFE800  }
0xb6: {  	[spmem:s7] =	stream.linear.scatter [tilespmem:s10], [sflag:$0x7], $0x1800, $0x38;
	[tilespmem:$0x191F8] =	vst v63  }
0xb7: {  	_ =	swait.ge [sflag:s11], $0x1800  }
0xb8: {  	[sflag:s11] =	ssyncset.done $0x0  }
0xb9: {  	s23 =	rddreg [dreg:$0x1a];
	[sflag:s11] =	ssyncadd.s32 $0xFFFFE800  }
0xba: {  	[spmem:s23] =	stream.linear.scatter [tilespmem:s10], [sflag:$0x7], $0x1800, $0x38;
	[tilespmem:$0x191F8] =	vst v63  }
0xbb: {  	_ =	swait.ge [sflag:s11], $0x1800  }
0xbc: {  	[sflag:s11] =	ssyncset.done $0x0  }
0xbd: {  	s30 =	rddreg [dreg:$0x1b];
	[sflag:s11] =	ssyncadd.s32 $0xFFFFE800  }
0xbe: {  	[spmem:s30] =	stream.linear.scatter [tilespmem:s10], [sflag:$0x7], $0x1800, $0x38;
	[tilespmem:$0x191F8] =	vst v63  }
0xbf: {  	_ =	swait.ge [sflag:s11], $0x1800  }
0xc0: {  	[sflag:s11] =	ssyncset.done $0x0  }
0xc1: {  	s7 =	rddreg [dreg:$0x1c];
	[sflag:s11] =	ssyncadd.s32 $0xFFFFE800  }
0xc2: {  	[spmem:s7] =	stream.linear.scatter [tilespmem:s10], [sflag:$0x7], $0x1800, $0x38;
	[tilespmem:$0x191F8] =	vst v63  }
0xc3: {  	_ =	swait.ge [sflag:s11], $0x1800  }
0xc4: {  	[sflag:s11] =	ssyncset.done $0x0  }
0xc5: {  	s23 =	rddreg [dreg:$0x1d];
	[sflag:s11] =	ssyncadd.s32 $0xFFFFE800  }
0xc6: {  	[spmem:s23] =	stream.linear.scatter [tilespmem:s10], [sflag:$0x7], $0x1800, $0x38;
	[tilespmem:$0x191F8] =	vst v63  }
0xc7: {  	_ =	swait.ge [sflag:s11], $0x1800  }
0xc8: {  	[sflag:s11] =	ssyncset.done $0x0  }
0xc9: {  	s30 =	rddreg [dreg:$0x1e];
	[sflag:s11] =	ssyncadd.s32 $0xFFFFE800  }
0xca: {  	[spmem:s30] =	stream.linear.scatter [tilespmem:s10], [sflag:$0x7], $0x1800, $0x38;
	[tilespmem:$0x191F8] =	vst v63  }
0xcb: {  	_ =	swait.ge [sflag:s11], $0x1800  }
0xcc: {  	[sflag:s11] =	ssyncset.done $0x0  }
0xcd: {  	s7 =	rddreg [dreg:$0x1f];
	[sflag:s11] =	ssyncadd.s32 $0xFFFFE800  }
0xce: {  	[spmem:s7] =	stream.linear.scatter [tilespmem:s10], [sflag:$0x7], $0x1800, $0x38;
	[tilespmem:$0x191F8] =	vst v63  }
0xcf: {  	_ =	swait.ge [sflag:s11], $0x1800  }
0xd0: {  	s23 =	sld [smem:$0x7F8]  }
0xd1: {  	[sflag:s11] =	ssyncset.done $0x0  }
0xd2: {  	[sflag:s11] =	ssyncadd.s32 $0xFFFFE800  }
0xd3: {  	[spmem:s23] =	stream.linear.scatter [tilespmem:s10], [sflag:$0x7], $0x1800, $0x38;
	[tilespmem:$0x191F8] =	vst v63  }
0xd4: {  	_ =	swait.ge [sflag:s11], $0x1800  }
0xd5: {  	s30 =	sld [smem:$0x7F9]  }
0xd6: {  	[sflag:s11] =	ssyncset.done $0x0  }
0xd7: {  	[sflag:s11] =	ssyncadd.s32 $0xFFFFE800  }
0xd8: {  	[spmem:s30] =	stream.linear.scatter [tilespmem:s10], [sflag:$0x7], $0x1800, $0x38;
	[tilespmem:$0x191F8] =	vst v63  }
0xd9: {  	_ =	swait.ge [sflag:s11], $0x1800  }
0xda: {  	s7 =	sld [smem:$0x7FA]  }
0xdb: {  	[sflag:s11] =	ssyncset.done $0x0  }
0xdc: {  	[sflag:s11] =	ssyncadd.s32 $0xFFFFE800  }
0xdd: {  	[spmem:s7] =	stream.linear.scatter [tilespmem:s10], [sflag:$0x7], $0x1800, $0x38;
	[tilespmem:$0x191F8] =	vst v63  }
0xde: {  	_ =	swait.ge [sflag:s11], $0x1800  }
0xdf: {  	s23 =	sld [smem:$0x7FB]  }
0xe0: {  	[sflag:s11] =	ssyncset.done $0x0  }
0xe1: {  	[sflag:s11] =	ssyncadd.s32 $0xFFFFE800  }
0xe2: {  	[spmem:s23] =	stream.linear.scatter [tilespmem:s10], [sflag:$0x7], $0x1800, $0x38;
	[tilespmem:$0x191F8] =	vst v63  }
0xe3: {  	_ =	swait.ge [sflag:s11], $0x1800  }
0xe4: {  	[sflag:s11] =	ssyncset.done $0x0  }
0xe5: {  	s2 =	simm.s32 @p0 $0x18F78;
	s7 =	rddreg [dreg:$0x10];
	[sflag:s11] =	ssyncadd.s32 $0xFFFFE800  }
0xe6: {  	[spmem:s7] =	stream.linear.scatter @p0 [tilespmem:s2], [sflag:$0x7], $0x270, $0x38;
	[tilespmem:$0x191F8] =	vst v63  }
0xe7: {  	s2 =	simm.s32 @p0 $0x7  }
0xe8: {  	_ =	swait.ge @p0 [sflag:s2], $0x270  }
0xe9: {  	s23 =	sld [smem:$0x7FC]  }
0xea: {  	[sflag:s2] =	ssyncset.done @p0 $0x0  }
0xeb: {  	[sflag:s2] =	ssyncadd.s32 @p0 $0xFFFFFD90;
	s2 =	simm.s32 @!p0 $0x13EF8  }
0xec: {  	[spmem:s23] =	stream.linear.scatter @!p0 [tilespmem:s2], [sflag:$0x7], $0x800, $0x38;
	[tilespmem:$0x191F8] =	vst v63  }
0xed: {  	s2 =	simm.s32 @!p0 $0x7  }
0xee: {  	_ =	swait.ge @!p0 [sflag:s2], $0x800  }
0xef: {  	[sflag:s2] =	ssyncset.done @!p0 $0x0  }
0xf0: {  	s31 =	simm.s32 @!p0 $0x18F78;
	[sflag:s2] =	ssyncadd.s32 @!p0 $0xFFFFF800  }
0xf1: {  	[spmem:s7] =	stream.linear.scatter @!p0 [tilespmem:s31], [sflag:$0x7], $0x270, $0x38;
	[tilespmem:$0x191F8] =	vst v63  }
0xf2: {  	_ =	swait.ge @!p0 [sflag:s2], $0x270  }
0xf3: {  	s7 =	sld [smem:$0x7FD]  }
0xf4: {  	[sflag:s2] =	ssyncset.done @!p0 $0x0  }
0xf5: {  	[sflag:s2] =	ssyncadd.s32 @!p0 $0xFFFFFD90  }
0xf6: {  	[spmem:s7] =	stream.linear.scatter @!p0 [tilespmem:s31], [sflag:$0x7], $0x10, $0x38;
	[tilespmem:$0x191F8] =	vst v63  }
0xf7: {  	_ =	swait.ge @!p0 [sflag:s2], $0x10  }
0xf8: {  	[sflag:s2] =	ssyncset.done @!p0 $0x0  }
0xf9: {  	[sflag:s2] =	ssyncadd.s32 @!p0 $0xFFFFFFF0  }
0xfa: {  	_ =	swait.ge [sflag:s12], $0x50  }
0xfb: {  	[sflag:s12] =	ssyncset.done $0x0  }
0xfc: {  	[sflag:s12] =	ssyncadd.s32 $0xFFFFFFB0  }
0xfd: {  	_ =	swait.ge [sflag:s12], $0x50  }
0xfe: {  	[sflag:s12] =	ssyncset.done $0x0  }
0xff: {  	[sflag:s12] =	ssyncadd.s32 $0xFFFFFFB0  }
0x100: {  	[tilespmem:s10], [sflag:$0x5] =	stream.indirect.gather [hbm4b:s0+s13], $0x80, s21, s13, $0xb8;
	[tilespmem:$0x191F8] =	vst v63  }
0x101: {  	_ =	swait.ge [sflag:s14], $0x50  }
0x102: {  	[sflag:s14] =	ssyncset.done $0x0  }
0x103: {  	[sflag:s14] =	ssyncadd.s32 $0xFFFFFFB0  }
0x104: {  	_ =	swait.ge [sflag:s14], $0x50  }
0x105: {  	[sflag:s14] =	ssyncset.done $0x0  }
0x106: {  	s30 =	simm.s32 $0x13B78;
	[sflag:s14] =	ssyncadd.s32 $0xFFFFFFB0  }
0x107: {  	[tilespmem:s15], [sflag:$0x6] =	stream.indirect.gather [hbm4b:s0+s13], $0x80, s30, s13, $0xb8;
	[tilespmem:$0x191F8] =	vst v63  }
0x108: {  	[bflag:$0x0] =	sbarrier.arrive $0xFFFF  }
0x109: {  	s2 =	simm.s32 $0x0;
	s31 =	rddreg [dreg:$0x17]  }
.LBB2_4:
0x10a: {  	_ =	swait.ge [sflag:s17], $0x2800  }
0x10b: {  	[sflag:s17] =	ssyncset.done $0x0  }
0x10c: {  	[sflag:s17] =	ssyncadd.s32 $0xFFFFD800  }
0x10d: {  	[spmem:s3] =	stream.indirect.scatter.add.f32 [tilespmem:s10], [sflag:$0x7], $0x80, s22, s13, $0xb8;
	[tilespmem:$0x191F8] =	vst v63  }
0x10e: {  	_ =	swait.ge [sflag:s11], $0x2800  }
0x10f: {  	[sflag:s11] =	ssyncset.done $0x0  }
0x110: {  	[sflag:s11] =	ssyncadd.s32 $0xFFFFD800  }
0x111: {  	[spmem:s4] =	stream.indirect.scatter.add.f32 [tilespmem:s19], [sflag:$0x7], $0x1, s22, s13, $0xb8;
	[tilespmem:$0x191F8] =	vst v63  }
0x112: {  	_ =	swait.ge [sflag:s11], $0x50  }
0x113: {  	[sflag:s11] =	ssyncset.done $0x0  }
0x114: {  	[sflag:s11] =	ssyncadd.s32 $0xFFFFFFB0  }
0x115: {  	_ =	swait.ge [sflag:s20], $0x50  }
0x116: {  	[sflag:s20] =	ssyncset.done $0x0  }
0x117: {  	[sflag:s20] =	ssyncadd.s32 $0xFFFFFFB0  }
0x118: {  	_ =	swait.ge [sflag:s20], $0x50  }
0x119: {  	[sflag:s20] =	ssyncset.done $0x0  }
0x11a: {  	s7 =	simm.s32 $0x13BF8;
	s30 =	sshrl.u32 s31, $0x3;
	[sflag:s20] =	ssyncadd.s32 $0xFFFFFFB0  }
0x11b: {  	[tilespmem:s10], [sflag:$0x5] =	stream.indirect.gather [hbm4b:s0+s13], $0x80, s7, s13, $0xb8;
	[tilespmem:$0x191F8] =	vst v63  }
0x11c: {  	s23 =	sadd.s32 s24, s30  }
0x11d: {  	[tilespmem:s21], [sflag:$0x1] =	stream.linear.gather [hbm4b:s23+s5], $0x50, $0x38;
	[tilespmem:$0x191F8] =	vst v63  }
0x11e: {  	s23 =	rddreg [dreg:$0x2]  }
0x11f: {  	s7 =	sadd.s32 s23, s30  }
0x120: {  	[tilespmem:s22], [sflag:$0x1] =	stream.linear.gather [hbm4b:s7+s5], $0x50, $0x38;
	[tilespmem:$0x191F8] =	vst v63  }
0x121: {  	_ =	swait.ge [sflag:s16], $0x2800  }
0x122: {  	[sflag:s16] =	ssyncset.done $0x0  }
0x123: {  	[sflag:s16] =	ssyncadd.s32 $0xFFFFD800  }
0x124: {  	[spmem:s3] =	stream.indirect.scatter.add.f32 [tilespmem:s15], [sflag:$0x7], $0x80, s1, s13, $0xb8;
	[tilespmem:$0x191F8] =	vst v63  }
0x125: {  	_ =	swait.ge [sflag:s11], $0x2800  }
0x126: {  	[sflag:s11] =	ssyncset.done $0x0  }
0x127: {  	[sflag:s11] =	ssyncadd.s32 $0xFFFFD800  }
0x128: {  	[spmem:s4] =	stream.indirect.scatter.add.f32 [tilespmem:s19], [sflag:$0x7], $0x1, s1, s13, $0xb8;
	[tilespmem:$0x191F8] =	vst v63  }
0x129: {  	_ =	swait.ge [sflag:s11], $0x50  }
0x12a: {  	[sflag:s11] =	ssyncset.done $0x0  }
0x12b: {  	[sflag:s11] =	ssyncadd.s32 $0xFFFFFFB0  }
0x12c: {  	_ =	swait.ge [sflag:s18], $0x50  }
0x12d: {  	[sflag:s18] =	ssyncset.done $0x0  }
0x12e: {  	[sflag:s18] =	ssyncadd.s32 $0xFFFFFFB0  }
0x12f: {  	_ =	swait.ge [sflag:s18], $0x50  }
0x130: {  	[sflag:s18] =	ssyncset.done $0x0  }
0x131: {  	p1 =	seq.s32 s2, $0x4B0;
	[sflag:s18] =	ssyncadd.s32 $0xFFFFFFB0  }
0x132: {  	[tilespmem:s15], [sflag:$0x6] =	stream.indirect.gather [hbm4b:s0+s13], $0x80, s8, s13, $0xb8;
	[tilespmem:$0x191F8] =	vst v63  }
0x133: {  	s30 =	simm.s32 @!p1 $0x0;
	s23 =	simm.s32 @!p1 $0x13B78;
	s7 =	sadd.s32 @!p1 s2, s29  }
0x134: {  	[tilespmem:s23], [sflag:$0x2] =	stream.linear.gather @!p1 [hbm4b:s7+s30], $0x50, $0x38;
	[tilespmem:$0x191F8] =	vst v63  }
0x135: {  	s7 =	sadd.s32 @!p1 s2, s28;
	s23 =	simm.s32 @!p1 $0x13D78  }
0x136: {  	[tilespmem:s23], [sflag:$0x2] =	stream.linear.gather @!p1 [hbm4b:s7+s30], $0x50, $0x38;
	[tilespmem:$0x191F8] =	vst v63  }
0x137: {  	_ =	swait.ge [sflag:s17], $0x2800  }
0x138: {  	[sflag:s17] =	ssyncset.done $0x0  }
0x139: {  	[sflag:s17] =	ssyncadd.s32 $0xFFFFD800  }
0x13a: {  	[spmem:s3] =	stream.indirect.scatter.add.f32 [tilespmem:s10], [sflag:$0x7], $0x80, s6, s13, $0xb8;
	[tilespmem:$0x191F8] =	vst v63  }
0x13b: {  	_ =	swait.ge [sflag:s11], $0x2800  }
0x13c: {  	[sflag:s11] =	ssyncset.done $0x0  }
0x13d: {  	[sflag:s11] =	ssyncadd.s32 $0xFFFFD800  }
0x13e: {  	[spmem:s4] =	stream.indirect.scatter.add.f32 [tilespmem:s19], [sflag:$0x7], $0x1, s6, s13, $0xb8;
	[tilespmem:$0x191F8] =	vst v63  }
0x13f: {  	_ =	swait.ge [sflag:s11], $0x50  }
0x140: {  	[sflag:s11] =	ssyncset.done $0x0  }
0x141: {  	[sflag:s11] =	ssyncadd.s32 $0xFFFFFFB0  }
0x142: {  	_ =	swait.ge [sflag:s12], $0x50  }
0x143: {  	[sflag:s12] =	ssyncset.done $0x0  }
0x144: {  	[sflag:s12] =	ssyncadd.s32 $0xFFFFFFB0  }
0x145: {  	_ =	swait.ge [sflag:s12], $0x50  }
0x146: {  	[sflag:s12] =	ssyncset.done $0x0  }
0x147: {  	[sflag:s12] =	ssyncadd.s32 $0xFFFFFFB0  }
0x148: {  	[tilespmem:s10], [sflag:$0x5] =	stream.indirect.gather [hbm4b:s0+s13], $0x80, s21, s13, $0xb8;
	[tilespmem:$0x191F8] =	vst v63  }
0x149: {  	s7 =	sadd.s32 @!p1 s2, s26;
	s23 =	simm.s32 @!p1 $0x13BF8  }
0x14a: {  	[tilespmem:s23], [sflag:$0x3] =	stream.linear.gather @!p1 [hbm4b:s7+s30], $0x50, $0x38;
	[tilespmem:$0x191F8] =	vst v63  }
0x14b: {  	s7 =	sadd.s32 @!p1 s2, s25;
	s23 =	simm.s32 @!p1 $0x13DF8  }
0x14c: {  	[tilespmem:s23], [sflag:$0x3] =	stream.linear.gather @!p1 [hbm4b:s7+s30], $0x50, $0x38;
	[tilespmem:$0x191F8] =	vst v63  }
0x14d: {  	_ =	swait.ge [sflag:s16], $0x2800  }
0x14e: {  	[sflag:s16] =	ssyncset.done $0x0  }
0x14f: {  	[sflag:s16] =	ssyncadd.s32 $0xFFFFD800  }
0x150: {  	[spmem:s3] =	stream.indirect.scatter.add.f32 [tilespmem:s15], [sflag:$0x7], $0x80, s9, s13, $0xb8;
	[tilespmem:$0x191F8] =	vst v63  }
0x151: {  	_ =	swait.ge [sflag:s11], $0x2800  }
0x152: {  	[sflag:s11] =	ssyncset.done $0x0  }
.Ltmp3:
0x153: {  	[sflag:s11] =	ssyncadd.s32 $0xFFFFD800;
	(pc) =	sbr.rel @p1 .LBB2_6-.Ltmp3, $4  }
0x154: {  	[spmem:s4] =	stream.indirect.scatter.add.f32 [tilespmem:s19], [sflag:$0x7], $0x1, s9, s13, $0xb8;
	[tilespmem:$0x191F8] =	vst v63  }
0x155: {  	_ =	swait.ge [sflag:s11], $0x50  }
0x156: {  	[sflag:s11] =	ssyncset.done $0x0  }
0x157: {  	[sflag:s11] =	ssyncadd.s32 $0xFFFFFFB0  }
0x158: {  	_ =	swait.ge [sflag:s14], $0x50  }
0x159: {  	[sflag:s14] =	ssyncset.done $0x0  }
0x15a: {  	[sflag:s14] =	ssyncadd.s32 $0xFFFFFFB0  }
0x15b: {  	_ =	swait.ge [sflag:s14], $0x50  }
0x15c: {  	[sflag:s14] =	ssyncset.done $0x0  }
0x15d: {  	s7 =	simm.s32 $0x13B78;
	[sflag:s14] =	ssyncadd.s32 $0xFFFFFFB0  }
0x15e: {  	[tilespmem:s15], [sflag:$0x6] =	stream.indirect.gather [hbm4b:s0+s13], $0x80, s7, s13, $0xb8;
	[tilespmem:$0x191F8] =	vst v63  }
.Ltmp4:
0x15f: {  	s23 =	rddreg [dreg:$0x16];
	(pc) =	sbr.rel .LBB2_4-.Ltmp4, $4  }
0x160: {  	s30 =	rddreg [dreg:$0x15];
	s7 =	sadd.s32 s2, s23  }
0x161: {  	[tilespmem:s8], [sflag:$0x4] =	stream.linear.gather [hbm4b:s7+s5], $0x50, $0x38;
	[tilespmem:$0x191F8] =	vst v63  }
0x162: {  	s31 =	sadd.s32 $0x140, s31;
	s7 =	sadd.s32 s2, s30;
	s2 =	sadd.s32 $0x28, s2  }
0x163: {  	[tilespmem:s9], [sflag:$0x4] =	stream.linear.gather [hbm4b:s7+s5], $0x50, $0x38;
	[tilespmem:$0x191F8] =	vst v63  }
.LBB2_7:
0x164: {  	_ =	sfence.sel $0x180000  }
0x165: {  	[bflag:$0x0] =	sbarrier.arrive $0xFFFF  }
0x166: {  	_ =	strace $0x90000047  }
0x167: {  	[bflag:$0x2] =	sbarrier.arrive $0xFFFF  }
0x168: {  	s0 =	rddreg [dreg:$0x5]  }
0x169: {  	s0 =	sadd.s32 @!p0 $0x100000, s0  }
0x16a: {  	[sflag:s0] =	ssyncadd.tile.s32 @!p0 $0x1;
	_ =	shalt  }
.Lfunc_end2:
_tile_overlayer_lowered:
.L_overlay_start_2:
0x16b: {  	(tag) =	ssettag $0x2  }
0x16c: {  	s0 =	rddreg [dreg:$0x0];
	s2 =	stileid.u32  }
0x16d: {  	s1 =	rddreg [dreg:$0x1];
	p0 =	sne.s32 s2, $0x0  }
0x16e: {  	s3 =	rddreg [dreg:$0x2];
	[bflag:$0x3] =	sbarrier.arrive $0xFFFF;
	s2 =	simm.s32 @!p0 $0x1C07  }
0x16f: {  	[timem:s3], [sflag:s2] =	dma.local @!p0 [hbm:s0], s1  }
0x170: {  	s0 =	simm.s32 @!p0 $0x7  }
0x171: {  	_ =	swait.ge @!p0 [sflag:s0], s1  }
0x172: {  	s1 =	ssub.s32 @!p0 $0x0, s1;
	[sflag:s0] =	ssyncset.done @!p0 $0x0  }
0x173: {  	[sflag:s0] =	ssyncadd.s32 @!p0 s1  }
0x174: {  	[bflag:$0x3] =	sbarrier.arrive $0xFFFF  }
0x175: {  	_ =	shalt  }

</sc_bundles>
